<compile_context>
chip_gen: v7x
topology: tpu7x:2x2x1
jax: 0.10.2.dev20260603
libtpu: 0.0.44.dev20260713+nightly
codegen_flags: <defaults>
</compile_context>

<pallas_src>
import functools

import numpy as np
import jax
import jax.numpy as jnp
from jax import lax
from jax.experimental import pallas as pl
from jax.experimental.pallas import tpu as pltpu
from jax.experimental.pallas import tpu_sc as plsc

VOCAB = 100000
MASK_ID = 4

_ROT0 = (13, 15, 26, 6)
_ROT1 = (17, 29, 16, 24)


def _np_rotl(x, d):
    return ((x << np.uint32(d)) | (x >> np.uint32(32 - d))).astype(np.uint32)


def _np_threefry(k1, k2, x1, x2):
    k1 = np.uint32(k1); k2 = np.uint32(k2)
    x1 = np.asarray(x1, np.uint32).copy(); x2 = np.asarray(x2, np.uint32).copy()
    ks = (k1, k2, np.uint32(np.uint32(0x1BD11BDA) ^ k1 ^ k2))
    x1 = (x1 + ks[0]).astype(np.uint32); x2 = (x2 + ks[1]).astype(np.uint32)
    def rounds(x1, x2, rots):
        for r in rots:
            x1 = (x1 + x2).astype(np.uint32)
            x2 = _np_rotl(x2, r)
            x2 = (x1 ^ x2).astype(np.uint32)
        return x1, x2
    inj = ((ks[1], ks[2], 1), (ks[2], ks[0], 2), (ks[0], ks[1], 3),
           (ks[1], ks[2], 4), (ks[2], ks[0], 5))
    rots = (_ROT0, _ROT1, _ROT0, _ROT1, _ROT0)
    for (a, b, c), rr in zip(inj, rots):
        x1, x2 = rounds(x1, x2, rr)
        x1 = (x1 + a).astype(np.uint32)
        x2 = (x2 + b + np.uint32(c)).astype(np.uint32)
    return x1, x2


def _derive_keys():
    cnt = np.arange(4, dtype=np.uint64)
    hi = (cnt >> np.uint64(32)).astype(np.uint32)
    lo = (cnt & np.uint64(0xFFFFFFFF)).astype(np.uint32)
    a, b = _np_threefry(0, 42, hi, lo)
    kb1 = (int(a[0]), int(b[0]))
    kb2 = (int(a[1]), int(b[1]))
    kb3 = (int(a[2]), int(b[2]))
    kr = (int(a[3]), int(b[3]))
    cnt = np.arange(2, dtype=np.uint64)
    hi = (cnt >> np.uint64(32)).astype(np.uint32)
    lo = (cnt & np.uint64(0xFFFFFFFF)).astype(np.uint32)
    a, b = _np_threefry(kr[0], kr[1], hi, lo)
    kr2 = (int(a[1]), int(b[1]))
    return kb1, kb2, kb3, kr2


_KB1, _KB2, _KB3, _KR2 = _derive_keys()

_T_MASK = int(np.ceil(np.float64(np.float32(0.15)) * 2**23))
_T_REPL = int(np.ceil(np.float64(np.float32(0.8)) * 2**23))
_T_RAND = int(np.ceil(np.float64(np.float32(0.5)) * 2**23))


def _rotl(x, d):
    return (x << np.uint32(d)) | (x >> np.uint32(32 - d))


def _tf_bits(key, lo):
    k1 = key[0] & 0xFFFFFFFF
    k2 = key[1] & 0xFFFFFFFF
    k3 = (0x1BD11BDA ^ k1 ^ k2) & 0xFFFFFFFF
    ks = (k1, k2, k3)
    x1 = jnp.full_like(lo, np.uint32(k1))
    x2 = lo + np.uint32(k2)
    rots = (_ROT0, _ROT1, _ROT0, _ROT1, _ROT0)
    inj = ((ks[1], (ks[2] + 1) & 0xFFFFFFFF),
           (ks[2], (ks[0] + 2) & 0xFFFFFFFF),
           (ks[0], (ks[1] + 3) & 0xFFFFFFFF),
           (ks[1], (ks[2] + 4) & 0xFFFFFFFF),
           (ks[2], (ks[0] + 5) & 0xFFFFFFFF))
    for rr, (a, b) in zip(rots, inj):
        for r in rr:
            x1 = x1 + x2
            x2 = _rotl(x2, r)
            x2 = x1 ^ x2
        x1 = x1 + np.uint32(a)
        x2 = x2 + np.uint32(b)
    return x1 ^ x2


def _collator_block(ids_ref, sp_ref, out_ref, lab_ref):
    i = pl.program_id(0)
    ids = ids_ref[...]
    sp = sp_ref[...]
    rows, cols = ids.shape
    r = jax.lax.broadcasted_iota(jnp.uint32, (rows, cols), 0)
    c = jax.lax.broadcasted_iota(jnp.uint32, (rows, cols), 1)
    n = i.astype(jnp.uint32) * np.uint32(rows * cols) + r * np.uint32(cols) + c

    b1 = _tf_bits(_KB1, n)
    masked = (b1 < np.uint32(_T_MASK * 512)) & (~sp)
    lab_ref[...] = jnp.where(masked, ids, jnp.int32(-100))

    b2 = _tf_bits(_KB2, n)
    replaced = (b2 < np.uint32(_T_REPL * 512)) & masked
    b3 = _tf_bits(_KB3, n)
    randm = (b3 < np.uint32(_T_RAND * 512)) & masked & (~replaced)
    lowbits = _tf_bits(_KR2, n)
    rword = (lowbits % np.uint32(VOCAB)).astype(jnp.int32)

    out = jnp.where(replaced, jnp.int32(MASK_ID), ids)
    out_ref[...] = jnp.where(randm, rword, out)



_SC_ROWS = 16
_S = 2048


def _sc_body(ids_hbm, sp_hbm, out_hbm, lab_hbm, ids_v, sp_v, out_v, lab_v,
             *, row_base):
    info = plsc.get_sparse_core_info()
    nc = 1
    wid = lax.axis_index("s") * nc + lax.axis_index("c")
    pltpu.sync_copy(ids_hbm.at[wid], ids_v)
    pltpu.sync_copy(sp_hbm.at[wid], sp_v)

    lane = lax.broadcasted_iota(jnp.int32, (16,), 0)
    base = (row_base + wid) * _S

    def step(j, carry):
        n_i32 = base + j * 16 + lane
        n = plsc.bitcast(n_i32, jnp.uint32)
        ids16 = ids_v[pl.ds(j * 16, 16)]
        sp16 = sp_v[pl.ds(j * 16, 16)]

        def _ult(b, t):
            bs = plsc.bitcast(b, jnp.int32) ^ jnp.int32(-2**31)
            return bs < jnp.int32((t & 0xFFFFFFFF) - 2**31)

        def _uge(b, t):
            bs = plsc.bitcast(b, jnp.int32) ^ jnp.int32(-2**31)
            return bs >= jnp.int32((t & 0xFFFFFFFF) - 2**31)

        b1 = _tf_bits(_KB1, n)
        masked = _ult(b1, _T_MASK * 512) & (sp16 == 0)
        lab_v[pl.ds(j * 16, 16)] = jnp.where(masked, ids16, jnp.int32(-100))

        b2 = _tf_bits(_KB2, n)
        replaced = _ult(b2, _T_REPL * 512) & masked
        b3 = _tf_bits(_KB3, n)
        randm = _ult(b3, _T_RAND * 512) & masked & _uge(b2, _T_REPL * 512)
        lowbits = _tf_bits(_KR2, n)
        rword = plsc.bitcast(lowbits % np.uint32(VOCAB), jnp.int32)

        out = jnp.where(replaced, jnp.int32(MASK_ID), ids16)
        out_v[pl.ds(j * 16, 16)] = jnp.where(randm, rword, out)
        return carry

    lax.fori_loop(0, _S // 16, step, 0)
    pltpu.sync_copy(out_v, out_hbm.at[wid])
    pltpu.sync_copy(lab_v, lab_hbm.at[wid])


def _make_sc_call(row_base):
    mesh = plsc.VectorSubcoreMesh(
        core_axis_name="c", subcore_axis_name="s", num_cores=1)
    return pl.kernel(
        functools.partial(_sc_body, row_base=row_base),
        mesh=mesh,
        out_type=[
            jax.ShapeDtypeStruct((_SC_ROWS, _S), jnp.int32),
            jax.ShapeDtypeStruct((_SC_ROWS, _S), jnp.int32),
        ],
        scratch_types=[
            pltpu.VMEM((_S,), jnp.int32),
            pltpu.VMEM((_S,), jnp.int32),
            pltpu.VMEM((_S,), jnp.int32),
            pltpu.VMEM((_S,), jnp.int32),
        ],
    )


def kernel(input_ids, special_tokens_mask):
    B, S = input_ids.shape
    tc_rows_total = B - _SC_ROWS
    rows = 16
    grid = (tc_rows_total // rows,)
    out_tc, lab_tc = pl.pallas_call(
        _collator_block,
        grid=grid,
        in_specs=[
            pl.BlockSpec((rows, S), lambda i: (i, 0)),
            pl.BlockSpec((rows, S), lambda i: (i, 0)),
        ],
        out_specs=[
            pl.BlockSpec((rows, S), lambda i: (i, 0)),
            pl.BlockSpec((rows, S), lambda i: (i, 0)),
        ],
        out_shape=[
            jax.ShapeDtypeStruct((tc_rows_total, S), jnp.int32),
            jax.ShapeDtypeStruct((tc_rows_total, S), jnp.int32),
        ],
        compiler_params=pltpu.CompilerParams(
            dimension_semantics=("parallel",),
        ),
    )(input_ids[:tc_rows_total], special_tokens_mask[:tc_rows_total])

    sc_call = _make_sc_call(tc_rows_total)
    out_sc, lab_sc = sc_call(
        input_ids[tc_rows_total:],
        special_tokens_mask[tc_rows_total:].astype(jnp.int32),
    )

    out_ids = jnp.concatenate([out_tc, out_sc], axis=0)
    labels = jnp.concatenate([lab_tc, lab_sc], axis=0)
    return (out_ids, labels)

# --- scband reference (transcript-rebuilt; emitter-appended) ---
"""Pipeline reference for scband-pre-training-collator-53017076302479 (READ-ONLY COPY).

The authoritative reference and input builder live on the scoring server;
editing this copy changes nothing except your own understanding.
"""

import jax, jax.numpy as jnp
import numpy as np

VOCAB_SIZE = 100000
MASK_TOKEN_ID = 4
MLM_PROB = 0.15


def setup_inputs(seed: int = 0) -> dict:
    key = jax.random.key(seed)
    k1, _ = jax.random.split(key)
    input_ids = jax.random.randint(k1, (128, 2048), 0, VOCAB_SIZE, dtype=jnp.int32)
    special_tokens_mask = jnp.zeros((128, 2048), dtype=jnp.bool_)
    return {"input_ids": input_ids, "special_tokens_mask": special_tokens_mask}


def reference(input_ids, special_tokens_mask):
    # Faithful translation of PreTrainingCollator.get_mask_tokens (BERT-style MLM masking).
    key = jax.random.key(42)
    kb1, kb2, kb3, kr = jax.random.split(key, 4)
    labels = input_ids
    # probability_matrix = full(mlm_prob), masked_fill_(special_tokens_mask, 0.0)
    probability_matrix = jnp.where(special_tokens_mask, 0.0, MLM_PROB)
    # masked_indices = bernoulli(probability_matrix)
    masked_indices = jax.random.bernoulli(kb1, probability_matrix)
    # labels[~masked_indices] = -100
    labels = jnp.where(masked_indices, labels, jnp.int32(-100))
    # indices_replaced = bernoulli(0.8) & masked_indices -> [MASK]
    indices_replaced = jax.random.bernoulli(kb2, 0.8, shape=input_ids.shape) & masked_indices
    out_ids = jnp.where(indices_replaced, jnp.int32(MASK_TOKEN_ID), input_ids)
    # indices_random = bernoulli(0.5) & masked_indices & ~indices_replaced -> random word
    indices_random = jax.random.bernoulli(kb3, 0.5, shape=input_ids.shape) & masked_indices & (~indices_replaced)
    random_words = jax.random.randint(kr, input_ids.shape, 0, VOCAB_SIZE, dtype=input_ids.dtype)
    out_ids = jnp.where(indices_random, random_words, out_ids)
    return (out_ids, labels)

if __name__ == "__main__":
    import jax
    _d = setup_inputs()
    print(jax.jit(kernel)(*tuple(_d.values())))

</pallas_src>

<mosaic_0001>
#map = affine_map<(d0, d1) -> (0, 0)>
module attributes {stable_mosaic.version = 14 : i64} {
  func.func @_sc_body(%arg0: i32, %arg1: i32, %arg2: memref<16x2048xi32, #tpu.memory_space<hbm>>, %arg3: memref<16x2048xi32, #tpu.memory_space<hbm>>, %arg4: memref<16x2048xi32, #tpu.memory_space<hbm>>, %arg5: memref<16x2048xi32, #tpu.memory_space<hbm>>, %arg6: memref<2048xi32, #tpu.memory_space<vmem>>, %arg7: memref<2048xi32, #tpu.memory_space<vmem>>, %arg8: memref<2048xi32, #tpu.memory_space<vmem>>, %arg9: memref<2048xi32, #tpu.memory_space<vmem>>) attributes {dimension_semantics = [#tpu.dimension_semantics<core_parallel>, #tpu.dimension_semantics<subcore_parallel>], iteration_bounds = array<i64: 1, 16>, scalar_prefetch = 0 : i64, scratch_operands = 4 : i64, tpu.core_type = #tpu.core_type<sc_vector_subcore>, window_params = [{transform_indices = #map}, {transform_indices = #map}, {transform_indices = #map}, {transform_indices = #map}]} {
    %mul3A = arith.constant 1 : i32
    %mul3A_0 = arith.muli %arg1, %mul3A : i32
    %add3A = arith.addi %mul3A_0, %arg0 : i32
    "tpu.region"() ({
      %run_scoped3A = tpu.sem_alloc : memref<!tpu.dma_semaphore, #tpu.memory_space<semaphore_mem>>
      %dma_start3A = arith.constant 0 : i32
      %dma_start3A_10 = tpu.memref_slice %arg2[%add3A, %dma_start3A] : memref<16x2048xi32, #tpu.memory_space<hbm>> -> memref<1x2048xi32, #tpu.memory_space<hbm>>
      %dma_start3A_11 = tpu.memref_squeeze %dma_start3A_10 : memref<1x2048xi32, #tpu.memory_space<hbm>> -> memref<2048xi32, #tpu.memory_space<hbm>>
      %dma_start3A_12 = arith.constant 0 : i32
      %dma_start3A_13 = tpu.memref_slice %arg2[%add3A, %dma_start3A_12] : memref<16x2048xi32, #tpu.memory_space<hbm>> -> memref<1x2048xi32, #tpu.memory_space<hbm>>
      %dma_start3A_14 = tpu.memref_squeeze %dma_start3A_13 : memref<1x2048xi32, #tpu.memory_space<hbm>> -> memref<2048xi32, #tpu.memory_space<hbm>>
      tpu.enqueue_dma source(%dma_start3A_14 : memref<2048xi32, #tpu.memory_space<hbm>>) target(%arg6 : memref<2048xi32, #tpu.memory_space<vmem>>) target_semaphore(%run_scoped3A : memref<!tpu.dma_semaphore, #tpu.memory_space<semaphore_mem>>)
      %dma_wait3A = arith.constant 0 : i32
      %dma_wait3A_15 = tpu.memref_slice %arg2[%add3A, %dma_wait3A] : memref<16x2048xi32, #tpu.memory_space<hbm>> -> memref<1x2048xi32, #tpu.memory_space<hbm>>
      %dma_wait3A_16 = tpu.memref_squeeze %dma_wait3A_15 : memref<1x2048xi32, #tpu.memory_space<hbm>> -> memref<2048xi32, #tpu.memory_space<hbm>>
      %dma_wait3A_17 = arith.constant 0 : i32
      %dma_wait3A_18 = tpu.memref_slice %arg2[%add3A, %dma_wait3A_17] : memref<16x2048xi32, #tpu.memory_space<hbm>> -> memref<1x2048xi32, #tpu.memory_space<hbm>>
      %dma_wait3A_19 = tpu.memref_squeeze %dma_wait3A_18 : memref<1x2048xi32, #tpu.memory_space<hbm>> -> memref<2048xi32, #tpu.memory_space<hbm>>
      tpu.wait_dma2 semaphore(%run_scoped3A : memref<!tpu.dma_semaphore, #tpu.memory_space<semaphore_mem>>) src(%dma_wait3A_19 : memref<2048xi32, #tpu.memory_space<hbm>>) dst(%arg6 : memref<2048xi32, #tpu.memory_space<vmem>>)
      tpu.yield
    }) : () -> ()
    "tpu.region"() ({
      %run_scoped3A = tpu.sem_alloc : memref<!tpu.dma_semaphore, #tpu.memory_space<semaphore_mem>>
      %dma_start3A = arith.constant 0 : i32
      %dma_start3A_10 = tpu.memref_slice %arg3[%add3A, %dma_start3A] : memref<16x2048xi32, #tpu.memory_space<hbm>> -> memref<1x2048xi32, #tpu.memory_space<hbm>>
      %dma_start3A_11 = tpu.memref_squeeze %dma_start3A_10 : memref<1x2048xi32, #tpu.memory_space<hbm>> -> memref<2048xi32, #tpu.memory_space<hbm>>
      %dma_start3A_12 = arith.constant 0 : i32
      %dma_start3A_13 = tpu.memref_slice %arg3[%add3A, %dma_start3A_12] : memref<16x2048xi32, #tpu.memory_space<hbm>> -> memref<1x2048xi32, #tpu.memory_space<hbm>>
      %dma_start3A_14 = tpu.memref_squeeze %dma_start3A_13 : memref<1x2048xi32, #tpu.memory_space<hbm>> -> memref<2048xi32, #tpu.memory_space<hbm>>
      tpu.enqueue_dma source(%dma_start3A_14 : memref<2048xi32, #tpu.memory_space<hbm>>) target(%arg7 : memref<2048xi32, #tpu.memory_space<vmem>>) target_semaphore(%run_scoped3A : memref<!tpu.dma_semaphore, #tpu.memory_space<semaphore_mem>>)
      %dma_wait3A = arith.constant 0 : i32
      %dma_wait3A_15 = tpu.memref_slice %arg3[%add3A, %dma_wait3A] : memref<16x2048xi32, #tpu.memory_space<hbm>> -> memref<1x2048xi32, #tpu.memory_space<hbm>>
      %dma_wait3A_16 = tpu.memref_squeeze %dma_wait3A_15 : memref<1x2048xi32, #tpu.memory_space<hbm>> -> memref<2048xi32, #tpu.memory_space<hbm>>
      %dma_wait3A_17 = arith.constant 0 : i32
      %dma_wait3A_18 = tpu.memref_slice %arg3[%add3A, %dma_wait3A_17] : memref<16x2048xi32, #tpu.memory_space<hbm>> -> memref<1x2048xi32, #tpu.memory_space<hbm>>
      %dma_wait3A_19 = tpu.memref_squeeze %dma_wait3A_18 : memref<1x2048xi32, #tpu.memory_space<hbm>> -> memref<2048xi32, #tpu.memory_space<hbm>>
      tpu.wait_dma2 semaphore(%run_scoped3A : memref<!tpu.dma_semaphore, #tpu.memory_space<semaphore_mem>>) src(%dma_wait3A_19 : memref<2048xi32, #tpu.memory_space<hbm>>) dst(%arg7 : memref<2048xi32, #tpu.memory_space<vmem>>)
      tpu.yield
    }) : () -> ()
    %iota3A = tpu.iota {dimensions = array<i32: 0>} : vector<16xi32>
    %add3A_1 = arith.constant 112 : i32
    %add3A_2 = arith.addi %add3A_1, %add3A : i32
    %mul3A_3 = arith.constant 2048 : i32
    %mul3A_4 = arith.muli %add3A_2, %mul3A_3 : i32
    %scan3A = arith.constant 0 : i32
    %scan3A_5 = arith.constant 0 : i32
    %scan3A_6 = arith.constant 128 : i32
    %scan3A_7 = arith.addi %scan3A_5, %scan3A_6 : i32
    %scan3A_8 = arith.constant 1 : i32
    scf.for %scan3A_10 = %scan3A_5 to %scan3A_7 step %scan3A_8  : i32 {
      %mul3A_11 = arith.constant 16 : i32
      %mul3A_12 = arith.muli %scan3A_10, %mul3A_11 : i32
      %add3A_13 = arith.addi %mul3A_4, %mul3A_12 : i32
      %add3A_14 = vector.broadcast %add3A_13 : i32 to vector<16xi32>
      %add3A_15 = arith.addi %add3A_14, %iota3A : vector<16xi32>
      %bitcast3A = vector.bitcast %add3A_15 : vector<16xi32> to vector<16xi32>
      %mul3A_16 = arith.constant 16 : i32
      %mul3A_17 = arith.muli %scan3A_10, %mul3A_16 : i32
      %get3A = arith.index_cast %mul3A_17 : i32 to index
      %get3A_18 = tpu.vector_load %arg6[%get3A] {strides = array<i32>} : memref<2048xi32, #tpu.memory_space<vmem>>, vector<16xi32>,
      %get3A_19 = vector.shape_cast %get3A_18 : vector<16xi32> to vector<16xi32>
      %mul3A_20 = arith.constant 16 : i32
      %mul3A_21 = arith.muli %scan3A_10, %mul3A_20 : i32
      %get3A_22 = arith.index_cast %mul3A_21 : i32 to index
      %get3A_23 = tpu.vector_load %arg7[%get3A_22] {strides = array<i32>} : memref<2048xi32, #tpu.memory_space<vmem>>, vector<16xi32>,
      %get3A_24 = vector.shape_cast %get3A_23 : vector<16xi32> to vector<16xi32>
      %broadcast_in_dim3A = arith.constant 1832780943 : i32
      %broadcast_in_dim3A_25 = vector.broadcast %broadcast_in_dim3A : i32 to vector<16xi32>
      %add3A_26 = arith.constant 270669613 : i32
      %add3A_27 = vector.broadcast %add3A_26 : i32 to vector<16xi32>
      %add3A_28 = arith.addi %bitcast3A, %add3A_27 : vector<16xi32>
      %add3A_29 = arith.addi %broadcast_in_dim3A_25, %add3A_28 : vector<16xi32>
      %shift_left3A = arith.constant 13 : i32
      %shift_left3A_30 = vector.broadcast %shift_left3A : i32 to vector<16xi32>
      %shift_left3A_31 = arith.shli %add3A_28, %shift_left3A_30 : vector<16xi32>
      %shift_right_logical3A = arith.constant 19 : i32
      %shift_right_logical3A_32 = vector.broadcast %shift_right_logical3A : i32 to vector<16xi32>
      %shift_right_logical3A_33 = arith.shrui %add3A_28, %shift_right_logical3A_32 : vector<16xi32>
      %or3A = arith.ori %shift_left3A_31, %shift_right_logical3A_33 : vector<16xi32>
      %xor3A = arith.xori %add3A_29, %or3A : vector<16xi32>
      %add3A_34 = arith.addi %add3A_29, %xor3A : vector<16xi32>
      %shift_left3A_35 = arith.constant 15 : i32
      %shift_left3A_36 = vector.broadcast %shift_left3A_35 : i32 to vector<16xi32>
      %shift_left3A_37 = arith.shli %xor3A, %shift_left3A_36 : vector<16xi32>
      %shift_right_logical3A_38 = arith.constant 17 : i32
      %shift_right_logical3A_39 = vector.broadcast %shift_right_logical3A_38 : i32 to vector<16xi32>
      %shift_right_logical3A_40 = arith.shrui %xor3A, %shift_right_logical3A_39 : vector<16xi32>
      %or3A_41 = arith.ori %shift_left3A_37, %shift_right_logical3A_40 : vector<16xi32>
      %xor3A_42 = arith.xori %add3A_34, %or3A_41 : vector<16xi32>
      %add3A_43 = arith.addi %add3A_34, %xor3A_42 : vector<16xi32>
      %shift_left3A_44 = arith.constant 26 : i32
      %shift_left3A_45 = vector.broadcast %shift_left3A_44 : i32 to vector<16xi32>
      %shift_left3A_46 = arith.shli %xor3A_42, %shift_left3A_45 : vector<16xi32>
      %shift_right_logical3A_47 = arith.constant 6 : i32
      %shift_right_logical3A_48 = vector.broadcast %shift_right_logical3A_47 : i32 to vector<16xi32>
      %shift_right_logical3A_49 = arith.shrui %xor3A_42, %shift_right_logical3A_48 : vector<16xi32>
      %or3A_50 = arith.ori %shift_left3A_46, %shift_right_logical3A_49 : vector<16xi32>
      %xor3A_51 = arith.xori %add3A_43, %or3A_50 : vector<16xi32>
      %add3A_52 = arith.addi %add3A_43, %xor3A_51 : vector<16xi32>
      %shift_left3A_53 = arith.constant 6 : i32
      %shift_left3A_54 = vector.broadcast %shift_left3A_53 : i32 to vector<16xi32>
      %shift_left3A_55 = arith.shli %xor3A_51, %shift_left3A_54 : vector<16xi32>
      %shift_right_logical3A_56 = arith.constant 26 : i32
      %shift_right_logical3A_57 = vector.broadcast %shift_right_logical3A_56 : i32 to vector<16xi32>
      %shift_right_logical3A_58 = arith.shrui %xor3A_51, %shift_right_logical3A_57 : vector<16xi32>
      %or3A_59 = arith.ori %shift_left3A_55, %shift_right_logical3A_58 : vector<16xi32>
      %xor3A_60 = arith.xori %add3A_52, %or3A_59 : vector<16xi32>
      %add3A_61 = arith.constant 270669613 : i32
      %add3A_62 = vector.broadcast %add3A_61 : i32 to vector<16xi32>
      %add3A_63 = arith.addi %add3A_52, %add3A_62 : vector<16xi32>
      %add3A_64 = arith.constant 1724713081 : i32
      %add3A_65 = vector.broadcast %add3A_64 : i32 to vector<16xi32>
      %add3A_66 = arith.addi %xor3A_60, %add3A_65 : vector<16xi32>
      %add3A_67 = arith.addi %add3A_63, %add3A_66 : vector<16xi32>
      %shift_left3A_68 = arith.constant 17 : i32
      %shift_left3A_69 = vector.broadcast %shift_left3A_68 : i32 to vector<16xi32>
      %shift_left3A_70 = arith.shli %add3A_66, %shift_left3A_69 : vector<16xi32>
      %shift_right_logical3A_71 = arith.constant 15 : i32
      %shift_right_logical3A_72 = vector.broadcast %shift_right_logical3A_71 : i32 to vector<16xi32>
      %shift_right_logical3A_73 = arith.shrui %add3A_66, %shift_right_logical3A_72 : vector<16xi32>
      %or3A_74 = arith.ori %shift_left3A_70, %shift_right_logical3A_73 : vector<16xi32>
      %xor3A_75 = arith.xori %add3A_67, %or3A_74 : vector<16xi32>
      %add3A_76 = arith.addi %add3A_67, %xor3A_75 : vector<16xi32>
      %shift_left3A_77 = arith.constant 29 : i32
      %shift_left3A_78 = vector.broadcast %shift_left3A_77 : i32 to vector<16xi32>
      %shift_left3A_79 = arith.shli %xor3A_75, %shift_left3A_78 : vector<16xi32>
      %shift_right_logical3A_80 = arith.constant 3 : i32
      %shift_right_logical3A_81 = vector.broadcast %shift_right_logical3A_80 : i32 to vector<16xi32>
      %shift_right_logical3A_82 = arith.shrui %xor3A_75, %shift_right_logical3A_81 : vector<16xi32>
      %or3A_83 = arith.ori %shift_left3A_79, %shift_right_logical3A_82 : vector<16xi32>
      %xor3A_84 = arith.xori %add3A_76, %or3A_83 : vector<16xi32>
      %add3A_85 = arith.addi %add3A_76, %xor3A_84 : vector<16xi32>
      %shift_left3A_86 = arith.constant 16 : i32
      %shift_left3A_87 = vector.broadcast %shift_left3A_86 : i32 to vector<16xi32>
      %shift_left3A_88 = arith.shli %xor3A_84, %shift_left3A_87 : vector<16xi32>
      %shift_right_logical3A_89 = arith.constant 16 : i32
      %shift_right_logical3A_90 = vector.broadcast %shift_right_logical3A_89 : i32 to vector<16xi32>
      %shift_right_logical3A_91 = arith.shrui %xor3A_84, %shift_right_logical3A_90 : vector<16xi32>
      %or3A_92 = arith.ori %shift_left3A_88, %shift_right_logical3A_91 : vector<16xi32>
      %xor3A_93 = arith.xori %add3A_85, %or3A_92 : vector<16xi32>
      %add3A_94 = arith.addi %add3A_85, %xor3A_93 : vector<16xi32>
      %shift_left3A_95 = arith.constant 24 : i32
      %shift_left3A_96 = vector.broadcast %shift_left3A_95 : i32 to vector<16xi32>
      %shift_left3A_97 = arith.shli %xor3A_93, %shift_left3A_96 : vector<16xi32>
      %shift_right_logical3A_98 = arith.constant 8 : i32
      %shift_right_logical3A_99 = vector.broadcast %shift_right_logical3A_98 : i32 to vector<16xi32>
      %shift_right_logical3A_100 = arith.shrui %xor3A_93, %shift_right_logical3A_99 : vector<16xi32>
      %or3A_101 = arith.ori %shift_left3A_97, %shift_right_logical3A_100 : vector<16xi32>
      %xor3A_102 = arith.xori %add3A_94, %or3A_101 : vector<16xi32>
      %add3A_103 = arith.constant 1724713080 : i32
      %add3A_104 = vector.broadcast %add3A_103 : i32 to vector<16xi32>
      %add3A_105 = arith.addi %add3A_94, %add3A_104 : vector<16xi32>
      %add3A_106 = arith.constant 1832780945 : i32
      %add3A_107 = vector.broadcast %add3A_106 : i32 to vector<16xi32>
      %add3A_108 = arith.addi %xor3A_102, %add3A_107 : vector<16xi32>
      %add3A_109 = arith.addi %add3A_105, %add3A_108 : vector<16xi32>
      %shift_left3A_110 = arith.constant 13 : i32
      %shift_left3A_111 = vector.broadcast %shift_left3A_110 : i32 to vector<16xi32>
      %shift_left3A_112 = arith.shli %add3A_108, %shift_left3A_111 : vector<16xi32>
      %shift_right_logical3A_113 = arith.constant 19 : i32
      %shift_right_logical3A_114 = vector.broadcast %shift_right_logical3A_113 : i32 to vector<16xi32>
      %shift_right_logical3A_115 = arith.shrui %add3A_108, %shift_right_logical3A_114 : vector<16xi32>
      %or3A_116 = arith.ori %shift_left3A_112, %shift_right_logical3A_115 : vector<16xi32>
      %xor3A_117 = arith.xori %add3A_109, %or3A_116 : vector<16xi32>
      %add3A_118 = arith.addi %add3A_109, %xor3A_117 : vector<16xi32>
      %shift_left3A_119 = arith.constant 15 : i32
      %shift_left3A_120 = vector.broadcast %shift_left3A_119 : i32 to vector<16xi32>
      %shift_left3A_121 = arith.shli %xor3A_117, %shift_left3A_120 : vector<16xi32>
      %shift_right_logical3A_122 = arith.constant 17 : i32
      %shift_right_logical3A_123 = vector.broadcast %shift_right_logical3A_122 : i32 to vector<16xi32>
      %shift_right_logical3A_124 = arith.shrui %xor3A_117, %shift_right_logical3A_123 : vector<16xi32>
      %or3A_125 = arith.ori %shift_left3A_121, %shift_right_logical3A_124 : vector<16xi32>
      %xor3A_126 = arith.xori %add3A_118, %or3A_125 : vector<16xi32>
      %add3A_127 = arith.addi %add3A_118, %xor3A_126 : vector<16xi32>
      %shift_left3A_128 = arith.constant 26 : i32
      %shift_left3A_129 = vector.broadcast %shift_left3A_128 : i32 to vector<16xi32>
      %shift_left3A_130 = arith.shli %xor3A_126, %shift_left3A_129 : vector<16xi32>
      %shift_right_logical3A_131 = arith.constant 6 : i32
      %shift_right_logical3A_132 = vector.broadcast %shift_right_logical3A_131 : i32 to vector<16xi32>
      %shift_right_logical3A_133 = arith.shrui %xor3A_126, %shift_right_logical3A_132 : vector<16xi32>
      %or3A_134 = arith.ori %shift_left3A_130, %shift_right_logical3A_133 : vector<16xi32>
      %xor3A_135 = arith.xori %add3A_127, %or3A_134 : vector<16xi32>
      %add3A_136 = arith.addi %add3A_127, %xor3A_135 : vector<16xi32>
      %shift_left3A_137 = arith.constant 6 : i32
      %shift_left3A_138 = vector.broadcast %shift_left3A_137 : i32 to vector<16xi32>
      %shift_left3A_139 = arith.shli %xor3A_135, %shift_left3A_138 : vector<16xi32>
      %shift_right_logical3A_140 = arith.constant 26 : i32
      %shift_right_logical3A_141 = vector.broadcast %shift_right_logical3A_140 : i32 to vector<16xi32>
      %shift_right_logical3A_142 = arith.shrui %xor3A_135, %shift_right_logical3A_141 : vector<16xi32>
      %or3A_143 = arith.ori %shift_left3A_139, %shift_right_logical3A_142 : vector<16xi32>
      %xor3A_144 = arith.xori %add3A_136, %or3A_143 : vector<16xi32>
      %add3A_145 = arith.constant 1832780943 : i32
      %add3A_146 = vector.broadcast %add3A_145 : i32 to vector<16xi32>
      %add3A_147 = arith.addi %add3A_136, %add3A_146 : vector<16xi32>
      %add3A_148 = arith.constant 270669616 : i32
      %add3A_149 = vector.broadcast %add3A_148 : i32 to vector<16xi32>
      %add3A_150 = arith.addi %xor3A_144, %add3A_149 : vector<16xi32>
      %add3A_151 = arith.addi %add3A_147, %add3A_150 : vector<16xi32>
      %shift_left3A_152 = arith.constant 17 : i32
      %shift_left3A_153 = vector.broadcast %shift_left3A_152 : i32 to vector<16xi32>
      %shift_left3A_154 = arith.shli %add3A_150, %shift_left3A_153 : vector<16xi32>
      %shift_right_logical3A_155 = arith.constant 15 : i32
      %shift_right_logical3A_156 = vector.broadcast %shift_right_logical3A_155 : i32 to vector<16xi32>
      %shift_right_logical3A_157 = arith.shrui %add3A_150, %shift_right_logical3A_156 : vector<16xi32>
      %or3A_158 = arith.ori %shift_left3A_154, %shift_right_logical3A_157 : vector<16xi32>
      %xor3A_159 = arith.xori %add3A_151, %or3A_158 : vector<16xi32>
      %add3A_160 = arith.addi %add3A_151, %xor3A_159 : vector<16xi32>
      %shift_left3A_161 = arith.constant 29 : i32
      %shift_left3A_162 = vector.broadcast %shift_left3A_161 : i32 to vector<16xi32>
      %shift_left3A_163 = arith.shli %xor3A_159, %shift_left3A_162 : vector<16xi32>
      %shift_right_logical3A_164 = arith.constant 3 : i32
      %shift_right_logical3A_165 = vector.broadcast %shift_right_logical3A_164 : i32 to vector<16xi32>
      %shift_right_logical3A_166 = arith.shrui %xor3A_159, %shift_right_logical3A_165 : vector<16xi32>
      %or3A_167 = arith.ori %shift_left3A_163, %shift_right_logical3A_166 : vector<16xi32>
      %xor3A_168 = arith.xori %add3A_160, %or3A_167 : vector<16xi32>
      %add3A_169 = arith.addi %add3A_160, %xor3A_168 : vector<16xi32>
      %shift_left3A_170 = arith.constant 16 : i32
      %shift_left3A_171 = vector.broadcast %shift_left3A_170 : i32 to vector<16xi32>
      %shift_left3A_172 = arith.shli %xor3A_168, %shift_left3A_171 : vector<16xi32>
      %shift_right_logical3A_173 = arith.constant 16 : i32
      %shift_right_logical3A_174 = vector.broadcast %shift_right_logical3A_173 : i32 to vector<16xi32>
      %shift_right_logical3A_175 = arith.shrui %xor3A_168, %shift_right_logical3A_174 : vector<16xi32>
      %or3A_176 = arith.ori %shift_left3A_172, %shift_right_logical3A_175 : vector<16xi32>
      %xor3A_177 = arith.xori %add3A_169, %or3A_176 : vector<16xi32>
      %add3A_178 = arith.addi %add3A_169, %xor3A_177 : vector<16xi32>
      %shift_left3A_179 = arith.constant 24 : i32
      %shift_left3A_180 = vector.broadcast %shift_left3A_179 : i32 to vector<16xi32>
      %shift_left3A_181 = arith.shli %xor3A_177, %shift_left3A_180 : vector<16xi32>
      %shift_right_logical3A_182 = arith.constant 8 : i32
      %shift_right_logical3A_183 = vector.broadcast %shift_right_logical3A_182 : i32 to vector<16xi32>
      %shift_right_logical3A_184 = arith.shrui %xor3A_177, %shift_right_logical3A_183 : vector<16xi32>
      %or3A_185 = arith.ori %shift_left3A_181, %shift_right_logical3A_184 : vector<16xi32>
      %xor3A_186 = arith.xori %add3A_178, %or3A_185 : vector<16xi32>
      %add3A_187 = arith.constant 270669613 : i32
      %add3A_188 = vector.broadcast %add3A_187 : i32 to vector<16xi32>
      %add3A_189 = arith.addi %add3A_178, %add3A_188 : vector<16xi32>
      %add3A_190 = arith.constant 1724713084 : i32
      %add3A_191 = vector.broadcast %add3A_190 : i32 to vector<16xi32>
      %add3A_192 = arith.addi %xor3A_186, %add3A_191 : vector<16xi32>
      %add3A_193 = arith.addi %add3A_189, %add3A_192 : vector<16xi32>
      %shift_left3A_194 = arith.constant 13 : i32
      %shift_left3A_195 = vector.broadcast %shift_left3A_194 : i32 to vector<16xi32>
      %shift_left3A_196 = arith.shli %add3A_192, %shift_left3A_195 : vector<16xi32>
      %shift_right_logical3A_197 = arith.constant 19 : i32
      %shift_right_logical3A_198 = vector.broadcast %shift_right_logical3A_197 : i32 to vector<16xi32>
      %shift_right_logical3A_199 = arith.shrui %add3A_192, %shift_right_logical3A_198 : vector<16xi32>
      %or3A_200 = arith.ori %shift_left3A_196, %shift_right_logical3A_199 : vector<16xi32>
      %xor3A_201 = arith.xori %add3A_193, %or3A_200 : vector<16xi32>
      %add3A_202 = arith.addi %add3A_193, %xor3A_201 : vector<16xi32>
      %shift_left3A_203 = arith.constant 15 : i32
      %shift_left3A_204 = vector.broadcast %shift_left3A_203 : i32 to vector<16xi32>
      %shift_left3A_205 = arith.shli %xor3A_201, %shift_left3A_204 : vector<16xi32>
      %shift_right_logical3A_206 = arith.constant 17 : i32
      %shift_right_logical3A_207 = vector.broadcast %shift_right_logical3A_206 : i32 to vector<16xi32>
      %shift_right_logical3A_208 = arith.shrui %xor3A_201, %shift_right_logical3A_207 : vector<16xi32>
      %or3A_209 = arith.ori %shift_left3A_205, %shift_right_logical3A_208 : vector<16xi32>
      %xor3A_210 = arith.xori %add3A_202, %or3A_209 : vector<16xi32>
      %add3A_211 = arith.addi %add3A_202, %xor3A_210 : vector<16xi32>
      %shift_left3A_212 = arith.constant 26 : i32
      %shift_left3A_213 = vector.broadcast %shift_left3A_212 : i32 to vector<16xi32>
      %shift_left3A_214 = arith.shli %xor3A_210, %shift_left3A_213 : vector<16xi32>
      %shift_right_logical3A_215 = arith.constant 6 : i32
      %shift_right_logical3A_216 = vector.broadcast %shift_right_logical3A_215 : i32 to vector<16xi32>
      %shift_right_logical3A_217 = arith.shrui %xor3A_210, %shift_right_logical3A_216 : vector<16xi32>
      %or3A_218 = arith.ori %shift_left3A_214, %shift_right_logical3A_217 : vector<16xi32>
      %xor3A_219 = arith.xori %add3A_211, %or3A_218 : vector<16xi32>
      %add3A_220 = arith.addi %add3A_211, %xor3A_219 : vector<16xi32>
      %shift_left3A_221 = arith.constant 6 : i32
      %shift_left3A_222 = vector.broadcast %shift_left3A_221 : i32 to vector<16xi32>
      %shift_left3A_223 = arith.shli %xor3A_219, %shift_left3A_222 : vector<16xi32>
      %shift_right_logical3A_224 = arith.constant 26 : i32
      %shift_right_logical3A_225 = vector.broadcast %shift_right_logical3A_224 : i32 to vector<16xi32>
      %shift_right_logical3A_226 = arith.shrui %xor3A_219, %shift_right_logical3A_225 : vector<16xi32>
      %or3A_227 = arith.ori %shift_left3A_223, %shift_right_logical3A_226 : vector<16xi32>
      %xor3A_228 = arith.xori %add3A_220, %or3A_227 : vector<16xi32>
      %add3A_229 = arith.constant 1724713080 : i32
      %add3A_230 = vector.broadcast %add3A_229 : i32 to vector<16xi32>
      %add3A_231 = arith.addi %add3A_220, %add3A_230 : vector<16xi32>
      %add3A_232 = arith.constant 1832780948 : i32
      %add3A_233 = vector.broadcast %add3A_232 : i32 to vector<16xi32>
      %add3A_234 = arith.addi %xor3A_228, %add3A_233 : vector<16xi32>
      %xor3A_235 = arith.xori %add3A_231, %add3A_234 : vector<16xi32>
      %bitcast3A_236 = vector.bitcast %xor3A_235 : vector<16xi32> to vector<16xi32>
      %xor3A_237 = arith.constant -2147483648 : i32
      %xor3A_238 = vector.broadcast %xor3A_237 : i32 to vector<16xi32>
      %xor3A_239 = arith.xori %bitcast3A_236, %xor3A_238 : vector<16xi32>
      %lt3A = arith.constant -1503238144 : i32
      %lt3A_240 = vector.broadcast %lt3A : i32 to vector<16xi32>
      %lt3A_241 = arith.cmpi slt, %xor3A_239, %lt3A_240 : vector<16xi32>
      %eq3A = arith.constant 0 : i32
      %eq3A_242 = vector.broadcast %eq3A : i32 to vector<16xi32>
      %eq3A_243 = arith.cmpi eq, %get3A_24, %eq3A_242 : vector<16xi32>
      %and3A = arith.andi %lt3A_241, %eq3A_243 : vector<16xi1>
      %jit3A = arith.constant -100 : i32
      %broadcast_in_dim3A_244 = vector.broadcast %jit3A : i32 to vector<16xi32>
      %select_n3A = arith.select %and3A, %get3A_19, %broadcast_in_dim3A_244 : vector<16xi1>, vector<16xi32>
      %mul3A_245 = arith.constant 16 : i32
      %mul3A_246 = arith.muli %scan3A_10, %mul3A_245 : i32
      %swap3A = arith.index_cast %mul3A_246 : i32 to index
      %swap3A_247 = tpu.vector_load %arg9[%swap3A] {strides = array<i32>} : memref<2048xi32, #tpu.memory_space<vmem>>, vector<16xi32>,
      %swap3A_248 = vector.shape_cast %swap3A_247 : vector<16xi32> to vector<16xi32>
      %swap3A_249 = vector.shape_cast %select_n3A : vector<16xi32> to vector<16xi32>
      tpu.vector_store %arg9[%swap3A], %swap3A_249 {strides = array<i32>} : memref<2048xi32, #tpu.memory_space<vmem>>, vector<16xi32>,
      %broadcast_in_dim3A_250 = arith.constant 64467757 : i32
      %broadcast_in_dim3A_251 = vector.broadcast %broadcast_in_dim3A_250 : i32 to vector<16xi32>
      %add3A_252 = arith.constant -1378843660 : i32
      %add3A_253 = vector.broadcast %add3A_252 : i32 to vector<16xi32>
      %add3A_254 = arith.addi %bitcast3A, %add3A_253 : vector<16xi32>
      %add3A_255 = arith.addi %broadcast_in_dim3A_251, %add3A_254 : vector<16xi32>
      %shift_left3A_256 = arith.constant 13 : i32
      %shift_left3A_257 = vector.broadcast %shift_left3A_256 : i32 to vector<16xi32>
      %shift_left3A_258 = arith.shli %add3A_254, %shift_left3A_257 : vector<16xi32>
      %shift_right_logical3A_259 = arith.constant 19 : i32
      %shift_right_logical3A_260 = vector.broadcast %shift_right_logical3A_259 : i32 to vector<16xi32>
      %shift_right_logical3A_261 = arith.shrui %add3A_254, %shift_right_logical3A_260 : vector<16xi32>
      %or3A_262 = arith.ori %shift_left3A_258, %shift_right_logical3A_261 : vector<16xi32>
      %xor3A_263 = arith.xori %add3A_255, %or3A_262 : vector<16xi32>
      %add3A_264 = arith.addi %add3A_255, %xor3A_263 : vector<16xi32>
      %shift_left3A_265 = arith.constant 15 : i32
      %shift_left3A_266 = vector.broadcast %shift_left3A_265 : i32 to vector<16xi32>
      %shift_left3A_267 = arith.shli %xor3A_263, %shift_left3A_266 : vector<16xi32>
      %shift_right_logical3A_268 = arith.constant 17 : i32
      %shift_right_logical3A_269 = vector.broadcast %shift_right_logical3A_268 : i32 to vector<16xi32>
      %shift_right_logical3A_270 = arith.shrui %xor3A_263, %shift_right_logical3A_269 : vector<16xi32>
      %or3A_271 = arith.ori %shift_left3A_267, %shift_right_logical3A_270 : vector<16xi32>
      %xor3A_272 = arith.xori %add3A_264, %or3A_271 : vector<16xi32>
      %add3A_273 = arith.addi %add3A_264, %xor3A_272 : vector<16xi32>
      %shift_left3A_274 = arith.constant 26 : i32
      %shift_left3A_275 = vector.broadcast %shift_left3A_274 : i32 to vector<16xi32>
      %shift_left3A_276 = arith.shli %xor3A_272, %shift_left3A_275 : vector<16xi32>
      %shift_right_logical3A_277 = arith.constant 6 : i32
      %shift_right_logical3A_278 = vector.broadcast %shift_right_logical3A_277 : i32 to vector<16xi32>
      %shift_right_logical3A_279 = arith.shrui %xor3A_272, %shift_right_logical3A_278 : vector<16xi32>
      %or3A_280 = arith.ori %shift_left3A_276, %shift_right_logical3A_279 : vector<16xi32>
      %xor3A_281 = arith.xori %add3A_273, %or3A_280 : vector<16xi32>
      %add3A_282 = arith.addi %add3A_273, %xor3A_281 : vector<16xi32>
      %shift_left3A_283 = arith.constant 6 : i32
      %shift_left3A_284 = vector.broadcast %shift_left3A_283 : i32 to vector<16xi32>
      %shift_left3A_285 = arith.shli %xor3A_281, %shift_left3A_284 : vector<16xi32>
      %shift_right_logical3A_286 = arith.constant 26 : i32
      %shift_right_logical3A_287 = vector.broadcast %shift_right_logical3A_286 : i32 to vector<16xi32>
      %shift_right_logical3A_288 = arith.shrui %xor3A_281, %shift_right_logical3A_287 : vector<16xi32>
      %or3A_289 = arith.ori %shift_left3A_285, %shift_right_logical3A_288 : vector<16xi32>
      %xor3A_290 = arith.xori %add3A_282, %or3A_289 : vector<16xi32>
      %add3A_291 = arith.constant -1378843660 : i32
      %add3A_292 = vector.broadcast %add3A_291 : i32 to vector<16xi32>
      %add3A_293 = arith.addi %add3A_282, %add3A_292 : vector<16xi32>
      %add3A_294 = arith.constant -1244255484 : i32
      %add3A_295 = vector.broadcast %add3A_294 : i32 to vector<16xi32>
      %add3A_296 = arith.addi %xor3A_290, %add3A_295 : vector<16xi32>
      %add3A_297 = arith.addi %add3A_293, %add3A_296 : vector<16xi32>
      %shift_left3A_298 = arith.constant 17 : i32
      %shift_left3A_299 = vector.broadcast %shift_left3A_298 : i32 to vector<16xi32>
      %shift_left3A_300 = arith.shli %add3A_296, %shift_left3A_299 : vector<16xi32>
      %shift_right_logical3A_301 = arith.constant 15 : i32
      %shift_right_logical3A_302 = vector.broadcast %shift_right_logical3A_301 : i32 to vector<16xi32>
      %shift_right_logical3A_303 = arith.shrui %add3A_296, %shift_right_logical3A_302 : vector<16xi32>
      %or3A_304 = arith.ori %shift_left3A_300, %shift_right_logical3A_303 : vector<16xi32>
      %xor3A_305 = arith.xori %add3A_297, %or3A_304 : vector<16xi32>
      %add3A_306 = arith.addi %add3A_297, %xor3A_305 : vector<16xi32>
      %shift_left3A_307 = arith.constant 29 : i32
      %shift_left3A_308 = vector.broadcast %shift_left3A_307 : i32 to vector<16xi32>
      %shift_left3A_309 = arith.shli %xor3A_305, %shift_left3A_308 : vector<16xi32>
      %shift_right_logical3A_310 = arith.constant 3 : i32
      %shift_right_logical3A_311 = vector.broadcast %shift_right_logical3A_310 : i32 to vector<16xi32>
      %shift_right_logical3A_312 = arith.shrui %xor3A_305, %shift_right_logical3A_311 : vector<16xi32>
      %or3A_313 = arith.ori %shift_left3A_309, %shift_right_logical3A_312 : vector<16xi32>
      %xor3A_314 = arith.xori %add3A_306, %or3A_313 : vector<16xi32>
      %add3A_315 = arith.addi %add3A_306, %xor3A_314 : vector<16xi32>
      %shift_left3A_316 = arith.constant 16 : i32
      %shift_left3A_317 = vector.broadcast %shift_left3A_316 : i32 to vector<16xi32>
      %shift_left3A_318 = arith.shli %xor3A_314, %shift_left3A_317 : vector<16xi32>
      %shift_right_logical3A_319 = arith.constant 16 : i32
      %shift_right_logical3A_320 = vector.broadcast %shift_right_logical3A_319 : i32 to vector<16xi32>
      %shift_right_logical3A_321 = arith.shrui %xor3A_314, %shift_right_logical3A_320 : vector<16xi32>
      %or3A_322 = arith.ori %shift_left3A_318, %shift_right_logical3A_321 : vector<16xi32>
      %xor3A_323 = arith.xori %add3A_315, %or3A_322 : vector<16xi32>
      %add3A_324 = arith.addi %add3A_315, %xor3A_323 : vector<16xi32>
      %shift_left3A_325 = arith.constant 24 : i32
      %shift_left3A_326 = vector.broadcast %shift_left3A_325 : i32 to vector<16xi32>
      %shift_left3A_327 = arith.shli %xor3A_323, %shift_left3A_326 : vector<16xi32>
      %shift_right_logical3A_328 = arith.constant 8 : i32
      %shift_right_logical3A_329 = vector.broadcast %shift_right_logical3A_328 : i32 to vector<16xi32>
      %shift_right_logical3A_330 = arith.shrui %xor3A_323, %shift_right_logical3A_329 : vector<16xi32>
      %or3A_331 = arith.ori %shift_left3A_327, %shift_right_logical3A_330 : vector<16xi32>
      %xor3A_332 = arith.xori %add3A_324, %or3A_331 : vector<16xi32>
      %add3A_333 = arith.constant -1244255485 : i32
      %add3A_334 = vector.broadcast %add3A_333 : i32 to vector<16xi32>
      %add3A_335 = arith.addi %add3A_324, %add3A_334 : vector<16xi32>
      %add3A_336 = arith.constant 64467759 : i32
      %add3A_337 = vector.broadcast %add3A_336 : i32 to vector<16xi32>
      %add3A_338 = arith.addi %xor3A_332, %add3A_337 : vector<16xi32>
      %add3A_339 = arith.addi %add3A_335, %add3A_338 : vector<16xi32>
      %shift_left3A_340 = arith.constant 13 : i32
      %shift_left3A_341 = vector.broadcast %shift_left3A_340 : i32 to vector<16xi32>
      %shift_left3A_342 = arith.shli %add3A_338, %shift_left3A_341 : vector<16xi32>
      %shift_right_logical3A_343 = arith.constant 19 : i32
      %shift_right_logical3A_344 = vector.broadcast %shift_right_logical3A_343 : i32 to vector<16xi32>
      %shift_right_logical3A_345 = arith.shrui %add3A_338, %shift_right_logical3A_344 : vector<16xi32>
      %or3A_346 = arith.ori %shift_left3A_342, %shift_right_logical3A_345 : vector<16xi32>
      %xor3A_347 = arith.xori %add3A_339, %or3A_346 : vector<16xi32>
      %add3A_348 = arith.addi %add3A_339, %xor3A_347 : vector<16xi32>
      %shift_left3A_349 = arith.constant 15 : i32
      %shift_left3A_350 = vector.broadcast %shift_left3A_349 : i32 to vector<16xi32>
      %shift_left3A_351 = arith.shli %xor3A_347, %shift_left3A_350 : vector<16xi32>
      %shift_right_logical3A_352 = arith.constant 17 : i32
      %shift_right_logical3A_353 = vector.broadcast %shift_right_logical3A_352 : i32 to vector<16xi32>
      %shift_right_logical3A_354 = arith.shrui %xor3A_347, %shift_right_logical3A_353 : vector<16xi32>
      %or3A_355 = arith.ori %shift_left3A_351, %shift_right_logical3A_354 : vector<16xi32>
      %xor3A_356 = arith.xori %add3A_348, %or3A_355 : vector<16xi32>
      %add3A_357 = arith.addi %add3A_348, %xor3A_356 : vector<16xi32>
      %shift_left3A_358 = arith.constant 26 : i32
      %shift_left3A_359 = vector.broadcast %shift_left3A_358 : i32 to vector<16xi32>
      %shift_left3A_360 = arith.shli %xor3A_356, %shift_left3A_359 : vector<16xi32>
      %shift_right_logical3A_361 = arith.constant 6 : i32
      %shift_right_logical3A_362 = vector.broadcast %shift_right_logical3A_361 : i32 to vector<16xi32>
      %shift_right_logical3A_363 = arith.shrui %xor3A_356, %shift_right_logical3A_362 : vector<16xi32>
      %or3A_364 = arith.ori %shift_left3A_360, %shift_right_logical3A_363 : vector<16xi32>
      %xor3A_365 = arith.xori %add3A_357, %or3A_364 : vector<16xi32>
      %add3A_366 = arith.addi %add3A_357, %xor3A_365 : vector<16xi32>
      %shift_left3A_367 = arith.constant 6 : i32
      %shift_left3A_368 = vector.broadcast %shift_left3A_367 : i32 to vector<16xi32>
      %shift_left3A_369 = arith.shli %xor3A_365, %shift_left3A_368 : vector<16xi32>
      %shift_right_logical3A_370 = arith.constant 26 : i32
      %shift_right_logical3A_371 = vector.broadcast %shift_right_logical3A_370 : i32 to vector<16xi32>
      %shift_right_logical3A_372 = arith.shrui %xor3A_365, %shift_right_logical3A_371 : vector<16xi32>
      %or3A_373 = arith.ori %shift_left3A_369, %shift_right_logical3A_372 : vector<16xi32>
      %xor3A_374 = arith.xori %add3A_366, %or3A_373 : vector<16xi32>
      %add3A_375 = arith.constant 64467757 : i32
      %add3A_376 = vector.broadcast %add3A_375 : i32 to vector<16xi32>
      %add3A_377 = arith.addi %add3A_366, %add3A_376 : vector<16xi32>
      %add3A_378 = arith.constant -1378843657 : i32
      %add3A_379 = vector.broadcast %add3A_378 : i32 to vector<16xi32>
      %add3A_380 = arith.addi %xor3A_374, %add3A_379 : vector<16xi32>
      %add3A_381 = arith.addi %add3A_377, %add3A_380 : vector<16xi32>
      %shift_left3A_382 = arith.constant 17 : i32
      %shift_left3A_383 = vector.broadcast %shift_left3A_382 : i32 to vector<16xi32>
      %shift_left3A_384 = arith.shli %add3A_380, %shift_left3A_383 : vector<16xi32>
      %shift_right_logical3A_385 = arith.constant 15 : i32
      %shift_right_logical3A_386 = vector.broadcast %shift_right_logical3A_385 : i32 to vector<16xi32>
      %shift_right_logical3A_387 = arith.shrui %add3A_380, %shift_right_logical3A_386 : vector<16xi32>
      %or3A_388 = arith.ori %shift_left3A_384, %shift_right_logical3A_387 : vector<16xi32>
      %xor3A_389 = arith.xori %add3A_381, %or3A_388 : vector<16xi32>
      %add3A_390 = arith.addi %add3A_381, %xor3A_389 : vector<16xi32>
      %shift_left3A_391 = arith.constant 29 : i32
      %shift_left3A_392 = vector.broadcast %shift_left3A_391 : i32 to vector<16xi32>
      %shift_left3A_393 = arith.shli %xor3A_389, %shift_left3A_392 : vector<16xi32>
      %shift_right_logical3A_394 = arith.constant 3 : i32
      %shift_right_logical3A_395 = vector.broadcast %shift_right_logical3A_394 : i32 to vector<16xi32>
      %shift_right_logical3A_396 = arith.shrui %xor3A_389, %shift_right_logical3A_395 : vector<16xi32>
      %or3A_397 = arith.ori %shift_left3A_393, %shift_right_logical3A_396 : vector<16xi32>
      %xor3A_398 = arith.xori %add3A_390, %or3A_397 : vector<16xi32>
      %add3A_399 = arith.addi %add3A_390, %xor3A_398 : vector<16xi32>
      %shift_left3A_400 = arith.constant 16 : i32
      %shift_left3A_401 = vector.broadcast %shift_left3A_400 : i32 to vector<16xi32>
      %shift_left3A_402 = arith.shli %xor3A_398, %shift_left3A_401 : vector<16xi32>
      %shift_right_logical3A_403 = arith.constant 16 : i32
      %shift_right_logical3A_404 = vector.broadcast %shift_right_logical3A_403 : i32 to vector<16xi32>
      %shift_right_logical3A_405 = arith.shrui %xor3A_398, %shift_right_logical3A_404 : vector<16xi32>
      %or3A_406 = arith.ori %shift_left3A_402, %shift_right_logical3A_405 : vector<16xi32>
      %xor3A_407 = arith.xori %add3A_399, %or3A_406 : vector<16xi32>
      %add3A_408 = arith.addi %add3A_399, %xor3A_407 : vector<16xi32>
      %shift_left3A_409 = arith.constant 24 : i32
      %shift_left3A_410 = vector.broadcast %shift_left3A_409 : i32 to vector<16xi32>
      %shift_left3A_411 = arith.shli %xor3A_407, %shift_left3A_410 : vector<16xi32>
      %shift_right_logical3A_412 = arith.constant 8 : i32
      %shift_right_logical3A_413 = vector.broadcast %shift_right_logical3A_412 : i32 to vector<16xi32>
      %shift_right_logical3A_414 = arith.shrui %xor3A_407, %shift_right_logical3A_413 : vector<16xi32>
      %or3A_415 = arith.ori %shift_left3A_411, %shift_right_logical3A_414 : vector<16xi32>
      %xor3A_416 = arith.xori %add3A_408, %or3A_415 : vector<16xi32>
      %add3A_417 = arith.constant -1378843660 : i32
      %add3A_418 = vector.broadcast %add3A_417 : i32 to vector<16xi32>
      %add3A_419 = arith.addi %add3A_408, %add3A_418 : vector<16xi32>
      %add3A_420 = arith.constant -1244255481 : i32
      %add3A_421 = vector.broadcast %add3A_420 : i32 to vector<16xi32>
      %add3A_422 = arith.addi %xor3A_416, %add3A_421 : vector<16xi32>
      %add3A_423 = arith.addi %add3A_419, %add3A_422 : vector<16xi32>
      %shift_left3A_424 = arith.constant 13 : i32
      %shift_left3A_425 = vector.broadcast %shift_left3A_424 : i32 to vector<16xi32>
      %shift_left3A_426 = arith.shli %add3A_422, %shift_left3A_425 : vector<16xi32>
      %shift_right_logical3A_427 = arith.constant 19 : i32
      %shift_right_logical3A_428 = vector.broadcast %shift_right_logical3A_427 : i32 to vector<16xi32>
      %shift_right_logical3A_429 = arith.shrui %add3A_422, %shift_right_logical3A_428 : vector<16xi32>
      %or3A_430 = arith.ori %shift_left3A_426, %shift_right_logical3A_429 : vector<16xi32>
      %xor3A_431 = arith.xori %add3A_423, %or3A_430 : vector<16xi32>
      %add3A_432 = arith.addi %add3A_423, %xor3A_431 : vector<16xi32>
      %shift_left3A_433 = arith.constant 15 : i32
      %shift_left3A_434 = vector.broadcast %shift_left3A_433 : i32 to vector<16xi32>
      %shift_left3A_435 = arith.shli %xor3A_431, %shift_left3A_434 : vector<16xi32>
      %shift_right_logical3A_436 = arith.constant 17 : i32
      %shift_right_logical3A_437 = vector.broadcast %shift_right_logical3A_436 : i32 to vector<16xi32>
      %shift_right_logical3A_438 = arith.shrui %xor3A_431, %shift_right_logical3A_437 : vector<16xi32>
      %or3A_439 = arith.ori %shift_left3A_435, %shift_right_logical3A_438 : vector<16xi32>
      %xor3A_440 = arith.xori %add3A_432, %or3A_439 : vector<16xi32>
      %add3A_441 = arith.addi %add3A_432, %xor3A_440 : vector<16xi32>
      %shift_left3A_442 = arith.constant 26 : i32
      %shift_left3A_443 = vector.broadcast %shift_left3A_442 : i32 to vector<16xi32>
      %shift_left3A_444 = arith.shli %xor3A_440, %shift_left3A_443 : vector<16xi32>
      %shift_right_logical3A_445 = arith.constant 6 : i32
      %shift_right_logical3A_446 = vector.broadcast %shift_right_logical3A_445 : i32 to vector<16xi32>
      %shift_right_logical3A_447 = arith.shrui %xor3A_440, %shift_right_logical3A_446 : vector<16xi32>
      %or3A_448 = arith.ori %shift_left3A_444, %shift_right_logical3A_447 : vector<16xi32>
      %xor3A_449 = arith.xori %add3A_441, %or3A_448 : vector<16xi32>
      %add3A_450 = arith.addi %add3A_441, %xor3A_449 : vector<16xi32>
      %shift_left3A_451 = arith.constant 6 : i32
      %shift_left3A_452 = vector.broadcast %shift_left3A_451 : i32 to vector<16xi32>
      %shift_left3A_453 = arith.shli %xor3A_449, %shift_left3A_452 : vector<16xi32>
      %shift_right_logical3A_454 = arith.constant 26 : i32
      %shift_right_logical3A_455 = vector.broadcast %shift_right_logical3A_454 : i32 to vector<16xi32>
      %shift_right_logical3A_456 = arith.shrui %xor3A_449, %shift_right_logical3A_455 : vector<16xi32>
      %or3A_457 = arith.ori %shift_left3A_453, %shift_right_logical3A_456 : vector<16xi32>
      %xor3A_458 = arith.xori %add3A_450, %or3A_457 : vector<16xi32>
      %add3A_459 = arith.constant -1244255485 : i32
      %add3A_460 = vector.broadcast %add3A_459 : i32 to vector<16xi32>
      %add3A_461 = arith.addi %add3A_450, %add3A_460 : vector<16xi32>
      %add3A_462 = arith.constant 64467762 : i32
      %add3A_463 = vector.broadcast %add3A_462 : i32 to vector<16xi32>
      %add3A_464 = arith.addi %xor3A_458, %add3A_463 : vector<16xi32>
      %xor3A_465 = arith.xori %add3A_461, %add3A_464 : vector<16xi32>
      %bitcast3A_466 = vector.bitcast %xor3A_465 : vector<16xi32> to vector<16xi32>
      %xor3A_467 = arith.constant -2147483648 : i32
      %xor3A_468 = vector.broadcast %xor3A_467 : i32 to vector<16xi32>
      %xor3A_469 = arith.xori %bitcast3A_466, %xor3A_468 : vector<16xi32>
      %lt3A_470 = arith.constant 1288490496 : i32
      %lt3A_471 = vector.broadcast %lt3A_470 : i32 to vector<16xi32>
      %lt3A_472 = arith.cmpi slt, %xor3A_469, %lt3A_471 : vector<16xi32>
      %and3A_473 = arith.andi %lt3A_472, %and3A : vector<16xi1>
      %broadcast_in_dim3A_474 = arith.constant -1829035798 : i32
      %broadcast_in_dim3A_475 = vector.broadcast %broadcast_in_dim3A_474 : i32 to vector<16xi32>
      %add3A_476 = arith.constant 255383827 : i32
      %add3A_477 = vector.broadcast %add3A_476 : i32 to vector<16xi32>
      %add3A_478 = arith.addi %bitcast3A, %add3A_477 : vector<16xi32>
      %add3A_479 = arith.addi %broadcast_in_dim3A_475, %add3A_478 : vector<16xi32>
      %shift_left3A_480 = arith.constant 13 : i32
      %shift_left3A_481 = vector.broadcast %shift_left3A_480 : i32 to vector<16xi32>
      %shift_left3A_482 = arith.shli %add3A_478, %shift_left3A_481 : vector<16xi32>
      %shift_right_logical3A_483 = arith.constant 19 : i32
      %shift_right_logical3A_484 = vector.broadcast %shift_right_logical3A_483 : i32 to vector<16xi32>
      %shift_right_logical3A_485 = arith.shrui %add3A_478, %shift_right_logical3A_484 : vector<16xi32>
      %or3A_486 = arith.ori %shift_left3A_482, %shift_right_logical3A_485 : vector<16xi32>
      %xor3A_487 = arith.xori %add3A_479, %or3A_486 : vector<16xi32>
      %add3A_488 = arith.addi %add3A_479, %xor3A_487 : vector<16xi32>
      %shift_left3A_489 = arith.constant 15 : i32
      %shift_left3A_490 = vector.broadcast %shift_left3A_489 : i32 to vector<16xi32>
      %shift_left3A_491 = arith.shli %xor3A_487, %shift_left3A_490 : vector<16xi32>
      %shift_right_logical3A_492 = arith.constant 17 : i32
      %shift_right_logical3A_493 = vector.broadcast %shift_right_logical3A_492 : i32 to vector<16xi32>
      %shift_right_logical3A_494 = arith.shrui %xor3A_487, %shift_right_logical3A_493 : vector<16xi32>
      %or3A_495 = arith.ori %shift_left3A_491, %shift_right_logical3A_494 : vector<16xi32>
      %xor3A_496 = arith.xori %add3A_488, %or3A_495 : vector<16xi32>
      %add3A_497 = arith.addi %add3A_488, %xor3A_496 : vector<16xi32>
      %shift_left3A_498 = arith.constant 26 : i32
      %shift_left3A_499 = vector.broadcast %shift_left3A_498 : i32 to vector<16xi32>
      %shift_left3A_500 = arith.shli %xor3A_496, %shift_left3A_499 : vector<16xi32>
      %shift_right_logical3A_501 = arith.constant 6 : i32
      %shift_right_logical3A_502 = vector.broadcast %shift_right_logical3A_501 : i32 to vector<16xi32>
      %shift_right_logical3A_503 = arith.shrui %xor3A_496, %shift_right_logical3A_502 : vector<16xi32>
      %or3A_504 = arith.ori %shift_left3A_500, %shift_right_logical3A_503 : vector<16xi32>
      %xor3A_505 = arith.xori %add3A_497, %or3A_504 : vector<16xi32>
      %add3A_506 = arith.addi %add3A_497, %xor3A_505 : vector<16xi32>
      %shift_left3A_507 = arith.constant 6 : i32
      %shift_left3A_508 = vector.broadcast %shift_left3A_507 : i32 to vector<16xi32>
      %shift_left3A_509 = arith.shli %xor3A_505, %shift_left3A_508 : vector<16xi32>
      %shift_right_logical3A_510 = arith.constant 26 : i32
      %shift_right_logical3A_511 = vector.broadcast %shift_right_logical3A_510 : i32 to vector<16xi32>
      %shift_right_logical3A_512 = arith.shrui %xor3A_505, %shift_right_logical3A_511 : vector<16xi32>
      %or3A_513 = arith.ori %shift_left3A_509, %shift_right_logical3A_512 : vector<16xi32>
      %xor3A_514 = arith.xori %add3A_506, %or3A_513 : vector<16xi32>
      %add3A_515 = arith.constant 255383827 : i32
      %add3A_516 = vector.broadcast %add3A_515 : i32 to vector<16xi32>
      %add3A_517 = arith.addi %add3A_506, %add3A_516 : vector<16xi32>
      %add3A_518 = arith.constant -2045582812 : i32
      %add3A_519 = vector.broadcast %add3A_518 : i32 to vector<16xi32>
      %add3A_520 = arith.addi %xor3A_514, %add3A_519 : vector<16xi32>
      %add3A_521 = arith.addi %add3A_517, %add3A_520 : vector<16xi32>
      %shift_left3A_522 = arith.constant 17 : i32
      %shift_left3A_523 = vector.broadcast %shift_left3A_522 : i32 to vector<16xi32>
      %shift_left3A_524 = arith.shli %add3A_520, %shift_left3A_523 : vector<16xi32>
      %shift_right_logical3A_525 = arith.constant 15 : i32
      %shift_right_logical3A_526 = vector.broadcast %shift_right_logical3A_525 : i32 to vector<16xi32>
      %shift_right_logical3A_527 = arith.shrui %add3A_520, %shift_right_logical3A_526 : vector<16xi32>
      %or3A_528 = arith.ori %shift_left3A_524, %shift_right_logical3A_527 : vector<16xi32>
      %xor3A_529 = arith.xori %add3A_521, %or3A_528 : vector<16xi32>
      %add3A_530 = arith.addi %add3A_521, %xor3A_529 : vector<16xi32>
      %shift_left3A_531 = arith.constant 29 : i32
      %shift_left3A_532 = vector.broadcast %shift_left3A_531 : i32 to vector<16xi32>
      %shift_left3A_533 = arith.shli %xor3A_529, %shift_left3A_532 : vector<16xi32>
      %shift_right_logical3A_534 = arith.constant 3 : i32
      %shift_right_logical3A_535 = vector.broadcast %shift_right_logical3A_534 : i32 to vector<16xi32>
      %shift_right_logical3A_536 = arith.shrui %xor3A_529, %shift_right_logical3A_535 : vector<16xi32>
      %or3A_537 = arith.ori %shift_left3A_533, %shift_right_logical3A_536 : vector<16xi32>
      %xor3A_538 = arith.xori %add3A_530, %or3A_537 : vector<16xi32>
      %add3A_539 = arith.addi %add3A_530, %xor3A_538 : vector<16xi32>
      %shift_left3A_540 = arith.constant 16 : i32
      %shift_left3A_541 = vector.broadcast %shift_left3A_540 : i32 to vector<16xi32>
      %shift_left3A_542 = arith.shli %xor3A_538, %shift_left3A_541 : vector<16xi32>
      %shift_right_logical3A_543 = arith.constant 16 : i32
      %shift_right_logical3A_544 = vector.broadcast %shift_right_logical3A_543 : i32 to vector<16xi32>
      %shift_right_logical3A_545 = arith.shrui %xor3A_538, %shift_right_logical3A_544 : vector<16xi32>
      %or3A_546 = arith.ori %shift_left3A_542, %shift_right_logical3A_545 : vector<16xi32>
      %xor3A_547 = arith.xori %add3A_539, %or3A_546 : vector<16xi32>
      %add3A_548 = arith.addi %add3A_539, %xor3A_547 : vector<16xi32>
      %shift_left3A_549 = arith.constant 24 : i32
      %shift_left3A_550 = vector.broadcast %shift_left3A_549 : i32 to vector<16xi32>
      %shift_left3A_551 = arith.shli %xor3A_547, %shift_left3A_550 : vector<16xi32>
      %shift_right_logical3A_552 = arith.constant 8 : i32
      %shift_right_logical3A_553 = vector.broadcast %shift_right_logical3A_552 : i32 to vector<16xi32>
      %shift_right_logical3A_554 = arith.shrui %xor3A_547, %shift_right_logical3A_553 : vector<16xi32>
      %or3A_555 = arith.ori %shift_left3A_551, %shift_right_logical3A_554 : vector<16xi32>
      %xor3A_556 = arith.xori %add3A_548, %or3A_555 : vector<16xi32>
      %add3A_557 = arith.constant -2045582813 : i32
      %add3A_558 = vector.broadcast %add3A_557 : i32 to vector<16xi32>
      %add3A_559 = arith.addi %add3A_548, %add3A_558 : vector<16xi32>
      %add3A_560 = arith.constant -1829035796 : i32
      %add3A_561 = vector.broadcast %add3A_560 : i32 to vector<16xi32>
      %add3A_562 = arith.addi %xor3A_556, %add3A_561 : vector<16xi32>
      %add3A_563 = arith.addi %add3A_559, %add3A_562 : vector<16xi32>
      %shift_left3A_564 = arith.constant 13 : i32
      %shift_left3A_565 = vector.broadcast %shift_left3A_564 : i32 to vector<16xi32>
      %shift_left3A_566 = arith.shli %add3A_562, %shift_left3A_565 : vector<16xi32>
      %shift_right_logical3A_567 = arith.constant 19 : i32
      %shift_right_logical3A_568 = vector.broadcast %shift_right_logical3A_567 : i32 to vector<16xi32>
      %shift_right_logical3A_569 = arith.shrui %add3A_562, %shift_right_logical3A_568 : vector<16xi32>
      %or3A_570 = arith.ori %shift_left3A_566, %shift_right_logical3A_569 : vector<16xi32>
      %xor3A_571 = arith.xori %add3A_563, %or3A_570 : vector<16xi32>
      %add3A_572 = arith.addi %add3A_563, %xor3A_571 : vector<16xi32>
      %shift_left3A_573 = arith.constant 15 : i32
      %shift_left3A_574 = vector.broadcast %shift_left3A_573 : i32 to vector<16xi32>
      %shift_left3A_575 = arith.shli %xor3A_571, %shift_left3A_574 : vector<16xi32>
      %shift_right_logical3A_576 = arith.constant 17 : i32
      %shift_right_logical3A_577 = vector.broadcast %shift_right_logical3A_576 : i32 to vector<16xi32>
      %shift_right_logical3A_578 = arith.shrui %xor3A_571, %shift_right_logical3A_577 : vector<16xi32>
      %or3A_579 = arith.ori %shift_left3A_575, %shift_right_logical3A_578 : vector<16xi32>
      %xor3A_580 = arith.xori %add3A_572, %or3A_579 : vector<16xi32>
      %add3A_581 = arith.addi %add3A_572, %xor3A_580 : vector<16xi32>
      %shift_left3A_582 = arith.constant 26 : i32
      %shift_left3A_583 = vector.broadcast %shift_left3A_582 : i32 to vector<16xi32>
      %shift_left3A_584 = arith.shli %xor3A_580, %shift_left3A_583 : vector<16xi32>
      %shift_right_logical3A_585 = arith.constant 6 : i32
      %shift_right_logical3A_586 = vector.broadcast %shift_right_logical3A_585 : i32 to vector<16xi32>
      %shift_right_logical3A_587 = arith.shrui %xor3A_580, %shift_right_logical3A_586 : vector<16xi32>
      %or3A_588 = arith.ori %shift_left3A_584, %shift_right_logical3A_587 : vector<16xi32>
      %xor3A_589 = arith.xori %add3A_581, %or3A_588 : vector<16xi32>
      %add3A_590 = arith.addi %add3A_581, %xor3A_589 : vector<16xi32>
      %shift_left3A_591 = arith.constant 6 : i32
      %shift_left3A_592 = vector.broadcast %shift_left3A_591 : i32 to vector<16xi32>
      %shift_left3A_593 = arith.shli %xor3A_589, %shift_left3A_592 : vector<16xi32>
      %shift_right_logical3A_594 = arith.constant 26 : i32
      %shift_right_logical3A_595 = vector.broadcast %shift_right_logical3A_594 : i32 to vector<16xi32>
      %shift_right_logical3A_596 = arith.shrui %xor3A_589, %shift_right_logical3A_595 : vector<16xi32>
      %or3A_597 = arith.ori %shift_left3A_593, %shift_right_logical3A_596 : vector<16xi32>
      %xor3A_598 = arith.xori %add3A_590, %or3A_597 : vector<16xi32>
      %add3A_599 = arith.constant -1829035798 : i32
      %add3A_600 = vector.broadcast %add3A_599 : i32 to vector<16xi32>
      %add3A_601 = arith.addi %add3A_590, %add3A_600 : vector<16xi32>
      %add3A_602 = arith.constant 255383830 : i32
      %add3A_603 = vector.broadcast %add3A_602 : i32 to vector<16xi32>
      %add3A_604 = arith.addi %xor3A_598, %add3A_603 : vector<16xi32>
      %add3A_605 = arith.addi %add3A_601, %add3A_604 : vector<16xi32>
      %shift_left3A_606 = arith.constant 17 : i32
      %shift_left3A_607 = vector.broadcast %shift_left3A_606 : i32 to vector<16xi32>
      %shift_left3A_608 = arith.shli %add3A_604, %shift_left3A_607 : vector<16xi32>
      %shift_right_logical3A_609 = arith.constant 15 : i32
      %shift_right_logical3A_610 = vector.broadcast %shift_right_logical3A_609 : i32 to vector<16xi32>
      %shift_right_logical3A_611 = arith.shrui %add3A_604, %shift_right_logical3A_610 : vector<16xi32>
      %or3A_612 = arith.ori %shift_left3A_608, %shift_right_logical3A_611 : vector<16xi32>
      %xor3A_613 = arith.xori %add3A_605, %or3A_612 : vector<16xi32>
      %add3A_614 = arith.addi %add3A_605, %xor3A_613 : vector<16xi32>
      %shift_left3A_615 = arith.constant 29 : i32
      %shift_left3A_616 = vector.broadcast %shift_left3A_615 : i32 to vector<16xi32>
      %shift_left3A_617 = arith.shli %xor3A_613, %shift_left3A_616 : vector<16xi32>
      %shift_right_logical3A_618 = arith.constant 3 : i32
      %shift_right_logical3A_619 = vector.broadcast %shift_right_logical3A_618 : i32 to vector<16xi32>
      %shift_right_logical3A_620 = arith.shrui %xor3A_613, %shift_right_logical3A_619 : vector<16xi32>
      %or3A_621 = arith.ori %shift_left3A_617, %shift_right_logical3A_620 : vector<16xi32>
      %xor3A_622 = arith.xori %add3A_614, %or3A_621 : vector<16xi32>
      %add3A_623 = arith.addi %add3A_614, %xor3A_622 : vector<16xi32>
      %shift_left3A_624 = arith.constant 16 : i32
      %shift_left3A_625 = vector.broadcast %shift_left3A_624 : i32 to vector<16xi32>
      %shift_left3A_626 = arith.shli %xor3A_622, %shift_left3A_625 : vector<16xi32>
      %shift_right_logical3A_627 = arith.constant 16 : i32
      %shift_right_logical3A_628 = vector.broadcast %shift_right_logical3A_627 : i32 to vector<16xi32>
      %shift_right_logical3A_629 = arith.shrui %xor3A_622, %shift_right_logical3A_628 : vector<16xi32>
      %or3A_630 = arith.ori %shift_left3A_626, %shift_right_logical3A_629 : vector<16xi32>
      %xor3A_631 = arith.xori %add3A_623, %or3A_630 : vector<16xi32>
      %add3A_632 = arith.addi %add3A_623, %xor3A_631 : vector<16xi32>
      %shift_left3A_633 = arith.constant 24 : i32
      %shift_left3A_634 = vector.broadcast %shift_left3A_633 : i32 to vector<16xi32>
      %shift_left3A_635 = arith.shli %xor3A_631, %shift_left3A_634 : vector<16xi32>
      %shift_right_logical3A_636 = arith.constant 8 : i32
      %shift_right_logical3A_637 = vector.broadcast %shift_right_logical3A_636 : i32 to vector<16xi32>
      %shift_right_logical3A_638 = arith.shrui %xor3A_631, %shift_right_logical3A_637 : vector<16xi32>
      %or3A_639 = arith.ori %shift_left3A_635, %shift_right_logical3A_638 : vector<16xi32>
      %xor3A_640 = arith.xori %add3A_632, %or3A_639 : vector<16xi32>
      %add3A_641 = arith.constant 255383827 : i32
      %add3A_642 = vector.broadcast %add3A_641 : i32 to vector<16xi32>
      %add3A_643 = arith.addi %add3A_632, %add3A_642 : vector<16xi32>
      %add3A_644 = arith.constant -2045582809 : i32
      %add3A_645 = vector.broadcast %add3A_644 : i32 to vector<16xi32>
      %add3A_646 = arith.addi %xor3A_640, %add3A_645 : vector<16xi32>
      %add3A_647 = arith.addi %add3A_643, %add3A_646 : vector<16xi32>
      %shift_left3A_648 = arith.constant 13 : i32
      %shift_left3A_649 = vector.broadcast %shift_left3A_648 : i32 to vector<16xi32>
      %shift_left3A_650 = arith.shli %add3A_646, %shift_left3A_649 : vector<16xi32>
      %shift_right_logical3A_651 = arith.constant 19 : i32
      %shift_right_logical3A_652 = vector.broadcast %shift_right_logical3A_651 : i32 to vector<16xi32>
      %shift_right_logical3A_653 = arith.shrui %add3A_646, %shift_right_logical3A_652 : vector<16xi32>
      %or3A_654 = arith.ori %shift_left3A_650, %shift_right_logical3A_653 : vector<16xi32>
      %xor3A_655 = arith.xori %add3A_647, %or3A_654 : vector<16xi32>
      %add3A_656 = arith.addi %add3A_647, %xor3A_655 : vector<16xi32>
      %shift_left3A_657 = arith.constant 15 : i32
      %shift_left3A_658 = vector.broadcast %shift_left3A_657 : i32 to vector<16xi32>
      %shift_left3A_659 = arith.shli %xor3A_655, %shift_left3A_658 : vector<16xi32>
      %shift_right_logical3A_660 = arith.constant 17 : i32
      %shift_right_logical3A_661 = vector.broadcast %shift_right_logical3A_660 : i32 to vector<16xi32>
      %shift_right_logical3A_662 = arith.shrui %xor3A_655, %shift_right_logical3A_661 : vector<16xi32>
      %or3A_663 = arith.ori %shift_left3A_659, %shift_right_logical3A_662 : vector<16xi32>
      %xor3A_664 = arith.xori %add3A_656, %or3A_663 : vector<16xi32>
      %add3A_665 = arith.addi %add3A_656, %xor3A_664 : vector<16xi32>
      %shift_left3A_666 = arith.constant 26 : i32
      %shift_left3A_667 = vector.broadcast %shift_left3A_666 : i32 to vector<16xi32>
      %shift_left3A_668 = arith.shli %xor3A_664, %shift_left3A_667 : vector<16xi32>
      %shift_right_logical3A_669 = arith.constant 6 : i32
      %shift_right_logical3A_670 = vector.broadcast %shift_right_logical3A_669 : i32 to vector<16xi32>
      %shift_right_logical3A_671 = arith.shrui %xor3A_664, %shift_right_logical3A_670 : vector<16xi32>
      %or3A_672 = arith.ori %shift_left3A_668, %shift_right_logical3A_671 : vector<16xi32>
      %xor3A_673 = arith.xori %add3A_665, %or3A_672 : vector<16xi32>
      %add3A_674 = arith.addi %add3A_665, %xor3A_673 : vector<16xi32>
      %shift_left3A_675 = arith.constant 6 : i32
      %shift_left3A_676 = vector.broadcast %shift_left3A_675 : i32 to vector<16xi32>
      %shift_left3A_677 = arith.shli %xor3A_673, %shift_left3A_676 : vector<16xi32>
      %shift_right_logical3A_678 = arith.constant 26 : i32
      %shift_right_logical3A_679 = vector.broadcast %shift_right_logical3A_678 : i32 to vector<16xi32>
      %shift_right_logical3A_680 = arith.shrui %xor3A_673, %shift_right_logical3A_679 : vector<16xi32>
      %or3A_681 = arith.ori %shift_left3A_677, %shift_right_logical3A_680 : vector<16xi32>
      %xor3A_682 = arith.xori %add3A_674, %or3A_681 : vector<16xi32>
      %add3A_683 = arith.constant -2045582813 : i32
      %add3A_684 = vector.broadcast %add3A_683 : i32 to vector<16xi32>
      %add3A_685 = arith.addi %add3A_674, %add3A_684 : vector<16xi32>
      %add3A_686 = arith.constant -1829035793 : i32
      %add3A_687 = vector.broadcast %add3A_686 : i32 to vector<16xi32>
      %add3A_688 = arith.addi %xor3A_682, %add3A_687 : vector<16xi32>
      %xor3A_689 = arith.xori %add3A_685, %add3A_688 : vector<16xi32>
      %bitcast3A_690 = vector.bitcast %xor3A_689 : vector<16xi32> to vector<16xi32>
      %xor3A_691 = arith.constant -2147483648 : i32
      %xor3A_692 = vector.broadcast %xor3A_691 : i32 to vector<16xi32>
      %xor3A_693 = arith.xori %bitcast3A_690, %xor3A_692 : vector<16xi32>
      %lt3A_694 = arith.constant 0 : i32
      %lt3A_695 = vector.broadcast %lt3A_694 : i32 to vector<16xi32>
      %lt3A_696 = arith.cmpi slt, %xor3A_693, %lt3A_695 : vector<16xi32>
      %and3A_697 = arith.andi %lt3A_696, %and3A : vector<16xi1>
      %bitcast3A_698 = vector.bitcast %xor3A_465 : vector<16xi32> to vector<16xi32>
      %xor3A_699 = arith.constant -2147483648 : i32
      %xor3A_700 = vector.broadcast %xor3A_699 : i32 to vector<16xi32>
      %xor3A_701 = arith.xori %bitcast3A_698, %xor3A_700 : vector<16xi32>
      %ge3A = arith.constant 1288490496 : i32
      %ge3A_702 = vector.broadcast %ge3A : i32 to vector<16xi32>
      %ge3A_703 = arith.cmpi sge, %xor3A_701, %ge3A_702 : vector<16xi32>
      %and3A_704 = arith.andi %and3A_697, %ge3A_703 : vector<16xi1>
      %broadcast_in_dim3A_705 = arith.constant 1914800406 : i32
      %broadcast_in_dim3A_706 = vector.broadcast %broadcast_in_dim3A_705 : i32 to vector<16xi32>
      %add3A_707 = arith.constant 1741898942 : i32
      %add3A_708 = vector.broadcast %add3A_707 : i32 to vector<16xi32>
      %add3A_709 = arith.addi %bitcast3A, %add3A_708 : vector<16xi32>
      %add3A_710 = arith.addi %broadcast_in_dim3A_706, %add3A_709 : vector<16xi32>
      %shift_left3A_711 = arith.constant 13 : i32
      %shift_left3A_712 = vector.broadcast %shift_left3A_711 : i32 to vector<16xi32>
      %shift_left3A_713 = arith.shli %add3A_709, %shift_left3A_712 : vector<16xi32>
      %shift_right_logical3A_714 = arith.constant 19 : i32
      %shift_right_logical3A_715 = vector.broadcast %shift_right_logical3A_714 : i32 to vector<16xi32>
      %shift_right_logical3A_716 = arith.shrui %add3A_709, %shift_right_logical3A_715 : vector<16xi32>
      %or3A_717 = arith.ori %shift_left3A_713, %shift_right_logical3A_716 : vector<16xi32>
      %xor3A_718 = arith.xori %add3A_710, %or3A_717 : vector<16xi32>
      %add3A_719 = arith.addi %add3A_710, %xor3A_718 : vector<16xi32>
      %shift_left3A_720 = arith.constant 15 : i32
      %shift_left3A_721 = vector.broadcast %shift_left3A_720 : i32 to vector<16xi32>
      %shift_left3A_722 = arith.shli %xor3A_718, %shift_left3A_721 : vector<16xi32>
      %shift_right_logical3A_723 = arith.constant 17 : i32
      %shift_right_logical3A_724 = vector.broadcast %shift_right_logical3A_723 : i32 to vector<16xi32>
      %shift_right_logical3A_725 = arith.shrui %xor3A_718, %shift_right_logical3A_724 : vector<16xi32>
      %or3A_726 = arith.ori %shift_left3A_722, %shift_right_logical3A_725 : vector<16xi32>
      %xor3A_727 = arith.xori %add3A_719, %or3A_726 : vector<16xi32>
      %add3A_728 = arith.addi %add3A_719, %xor3A_727 : vector<16xi32>
      %shift_left3A_729 = arith.constant 26 : i32
      %shift_left3A_730 = vector.broadcast %shift_left3A_729 : i32 to vector<16xi32>
      %shift_left3A_731 = arith.shli %xor3A_727, %shift_left3A_730 : vector<16xi32>
      %shift_right_logical3A_732 = arith.constant 6 : i32
      %shift_right_logical3A_733 = vector.broadcast %shift_right_logical3A_732 : i32 to vector<16xi32>
      %shift_right_logical3A_734 = arith.shrui %xor3A_727, %shift_right_logical3A_733 : vector<16xi32>
      %or3A_735 = arith.ori %shift_left3A_731, %shift_right_logical3A_734 : vector<16xi32>
      %xor3A_736 = arith.xori %add3A_728, %or3A_735 : vector<16xi32>
      %add3A_737 = arith.addi %add3A_728, %xor3A_736 : vector<16xi32>
      %shift_left3A_738 = arith.constant 6 : i32
      %shift_left3A_739 = vector.broadcast %shift_left3A_738 : i32 to vector<16xi32>
      %shift_left3A_740 = arith.shli %xor3A_736, %shift_left3A_739 : vector<16xi32>
      %shift_right_logical3A_741 = arith.constant 26 : i32
      %shift_right_logical3A_742 = vector.broadcast %shift_right_logical3A_741 : i32 to vector<16xi32>
      %shift_right_logical3A_743 = arith.shrui %xor3A_736, %shift_right_logical3A_742 : vector<16xi32>
      %or3A_744 = arith.ori %shift_left3A_740, %shift_right_logical3A_743 : vector<16xi32>
      %xor3A_745 = arith.xori %add3A_737, %or3A_744 : vector<16xi32>
      %add3A_746 = arith.constant 1741898942 : i32
      %add3A_747 = vector.broadcast %add3A_746 : i32 to vector<16xi32>
      %add3A_748 = arith.addi %add3A_737, %add3A_747 : vector<16xi32>
      %add3A_749 = arith.constant 237229683 : i32
      %add3A_750 = vector.broadcast %add3A_749 : i32 to vector<16xi32>
      %add3A_751 = arith.addi %xor3A_745, %add3A_750 : vector<16xi32>
      %add3A_752 = arith.addi %add3A_748, %add3A_751 : vector<16xi32>
      %shift_left3A_753 = arith.constant 17 : i32
      %shift_left3A_754 = vector.broadcast %shift_left3A_753 : i32 to vector<16xi32>
      %shift_left3A_755 = arith.shli %add3A_751, %shift_left3A_754 : vector<16xi32>
      %shift_right_logical3A_756 = arith.constant 15 : i32
      %shift_right_logical3A_757 = vector.broadcast %shift_right_logical3A_756 : i32 to vector<16xi32>
      %shift_right_logical3A_758 = arith.shrui %add3A_751, %shift_right_logical3A_757 : vector<16xi32>
      %or3A_759 = arith.ori %shift_left3A_755, %shift_right_logical3A_758 : vector<16xi32>
      %xor3A_760 = arith.xori %add3A_752, %or3A_759 : vector<16xi32>
      %add3A_761 = arith.addi %add3A_752, %xor3A_760 : vector<16xi32>
      %shift_left3A_762 = arith.constant 29 : i32
      %shift_left3A_763 = vector.broadcast %shift_left3A_762 : i32 to vector<16xi32>
      %shift_left3A_764 = arith.shli %xor3A_760, %shift_left3A_763 : vector<16xi32>
      %shift_right_logical3A_765 = arith.constant 3 : i32
      %shift_right_logical3A_766 = vector.broadcast %shift_right_logical3A_765 : i32 to vector<16xi32>
      %shift_right_logical3A_767 = arith.shrui %xor3A_760, %shift_right_logical3A_766 : vector<16xi32>
      %or3A_768 = arith.ori %shift_left3A_764, %shift_right_logical3A_767 : vector<16xi32>
      %xor3A_769 = arith.xori %add3A_761, %or3A_768 : vector<16xi32>
      %add3A_770 = arith.addi %add3A_761, %xor3A_769 : vector<16xi32>
      %shift_left3A_771 = arith.constant 16 : i32
      %shift_left3A_772 = vector.broadcast %shift_left3A_771 : i32 to vector<16xi32>
      %shift_left3A_773 = arith.shli %xor3A_769, %shift_left3A_772 : vector<16xi32>
      %shift_right_logical3A_774 = arith.constant 16 : i32
      %shift_right_logical3A_775 = vector.broadcast %shift_right_logical3A_774 : i32 to vector<16xi32>
      %shift_right_logical3A_776 = arith.shrui %xor3A_769, %shift_right_logical3A_775 : vector<16xi32>
      %or3A_777 = arith.ori %shift_left3A_773, %shift_right_logical3A_776 : vector<16xi32>
      %xor3A_778 = arith.xori %add3A_770, %or3A_777 : vector<16xi32>
      %add3A_779 = arith.addi %add3A_770, %xor3A_778 : vector<16xi32>
      %shift_left3A_780 = arith.constant 24 : i32
      %shift_left3A_781 = vector.broadcast %shift_left3A_780 : i32 to vector<16xi32>
      %shift_left3A_782 = arith.shli %xor3A_778, %shift_left3A_781 : vector<16xi32>
      %shift_right_logical3A_783 = arith.constant 8 : i32
      %shift_right_logical3A_784 = vector.broadcast %shift_right_logical3A_783 : i32 to vector<16xi32>
      %shift_right_logical3A_785 = arith.shrui %xor3A_778, %shift_right_logical3A_784 : vector<16xi32>
      %or3A_786 = arith.ori %shift_left3A_782, %shift_right_logical3A_785 : vector<16xi32>
      %xor3A_787 = arith.xori %add3A_779, %or3A_786 : vector<16xi32>
      %add3A_788 = arith.constant 237229682 : i32
      %add3A_789 = vector.broadcast %add3A_788 : i32 to vector<16xi32>
      %add3A_790 = arith.addi %add3A_779, %add3A_789 : vector<16xi32>
      %add3A_791 = arith.constant 1914800408 : i32
      %add3A_792 = vector.broadcast %add3A_791 : i32 to vector<16xi32>
      %add3A_793 = arith.addi %xor3A_787, %add3A_792 : vector<16xi32>
      %add3A_794 = arith.addi %add3A_790, %add3A_793 : vector<16xi32>
      %shift_left3A_795 = arith.constant 13 : i32
      %shift_left3A_796 = vector.broadcast %shift_left3A_795 : i32 to vector<16xi32>
      %shift_left3A_797 = arith.shli %add3A_793, %shift_left3A_796 : vector<16xi32>
      %shift_right_logical3A_798 = arith.constant 19 : i32
      %shift_right_logical3A_799 = vector.broadcast %shift_right_logical3A_798 : i32 to vector<16xi32>
      %shift_right_logical3A_800 = arith.shrui %add3A_793, %shift_right_logical3A_799 : vector<16xi32>
      %or3A_801 = arith.ori %shift_left3A_797, %shift_right_logical3A_800 : vector<16xi32>
      %xor3A_802 = arith.xori %add3A_794, %or3A_801 : vector<16xi32>
      %add3A_803 = arith.addi %add3A_794, %xor3A_802 : vector<16xi32>
      %shift_left3A_804 = arith.constant 15 : i32
      %shift_left3A_805 = vector.broadcast %shift_left3A_804 : i32 to vector<16xi32>
      %shift_left3A_806 = arith.shli %xor3A_802, %shift_left3A_805 : vector<16xi32>
      %shift_right_logical3A_807 = arith.constant 17 : i32
      %shift_right_logical3A_808 = vector.broadcast %shift_right_logical3A_807 : i32 to vector<16xi32>
      %shift_right_logical3A_809 = arith.shrui %xor3A_802, %shift_right_logical3A_808 : vector<16xi32>
      %or3A_810 = arith.ori %shift_left3A_806, %shift_right_logical3A_809 : vector<16xi32>
      %xor3A_811 = arith.xori %add3A_803, %or3A_810 : vector<16xi32>
      %add3A_812 = arith.addi %add3A_803, %xor3A_811 : vector<16xi32>
      %shift_left3A_813 = arith.constant 26 : i32
      %shift_left3A_814 = vector.broadcast %shift_left3A_813 : i32 to vector<16xi32>
      %shift_left3A_815 = arith.shli %xor3A_811, %shift_left3A_814 : vector<16xi32>
      %shift_right_logical3A_816 = arith.constant 6 : i32
      %shift_right_logical3A_817 = vector.broadcast %shift_right_logical3A_816 : i32 to vector<16xi32>
      %shift_right_logical3A_818 = arith.shrui %xor3A_811, %shift_right_logical3A_817 : vector<16xi32>
      %or3A_819 = arith.ori %shift_left3A_815, %shift_right_logical3A_818 : vector<16xi32>
      %xor3A_820 = arith.xori %add3A_812, %or3A_819 : vector<16xi32>
      %add3A_821 = arith.addi %add3A_812, %xor3A_820 : vector<16xi32>
      %shift_left3A_822 = arith.constant 6 : i32
      %shift_left3A_823 = vector.broadcast %shift_left3A_822 : i32 to vector<16xi32>
      %shift_left3A_824 = arith.shli %xor3A_820, %shift_left3A_823 : vector<16xi32>
      %shift_right_logical3A_825 = arith.constant 26 : i32
      %shift_right_logical3A_826 = vector.broadcast %shift_right_logical3A_825 : i32 to vector<16xi32>
      %shift_right_logical3A_827 = arith.shrui %xor3A_820, %shift_right_logical3A_826 : vector<16xi32>
      %or3A_828 = arith.ori %shift_left3A_824, %shift_right_logical3A_827 : vector<16xi32>
      %xor3A_829 = arith.xori %add3A_821, %or3A_828 : vector<16xi32>
      %add3A_830 = arith.constant 1914800406 : i32
      %add3A_831 = vector.broadcast %add3A_830 : i32 to vector<16xi32>
      %add3A_832 = arith.addi %add3A_821, %add3A_831 : vector<16xi32>
      %add3A_833 = arith.constant 1741898945 : i32
      %add3A_834 = vector.broadcast %add3A_833 : i32 to vector<16xi32>
      %add3A_835 = arith.addi %xor3A_829, %add3A_834 : vector<16xi32>
      %add3A_836 = arith.addi %add3A_832, %add3A_835 : vector<16xi32>
      %shift_left3A_837 = arith.constant 17 : i32
      %shift_left3A_838 = vector.broadcast %shift_left3A_837 : i32 to vector<16xi32>
      %shift_left3A_839 = arith.shli %add3A_835, %shift_left3A_838 : vector<16xi32>
      %shift_right_logical3A_840 = arith.constant 15 : i32
      %shift_right_logical3A_841 = vector.broadcast %shift_right_logical3A_840 : i32 to vector<16xi32>
      %shift_right_logical3A_842 = arith.shrui %add3A_835, %shift_right_logical3A_841 : vector<16xi32>
      %or3A_843 = arith.ori %shift_left3A_839, %shift_right_logical3A_842 : vector<16xi32>
      %xor3A_844 = arith.xori %add3A_836, %or3A_843 : vector<16xi32>
      %add3A_845 = arith.addi %add3A_836, %xor3A_844 : vector<16xi32>
      %shift_left3A_846 = arith.constant 29 : i32
      %shift_left3A_847 = vector.broadcast %shift_left3A_846 : i32 to vector<16xi32>
      %shift_left3A_848 = arith.shli %xor3A_844, %shift_left3A_847 : vector<16xi32>
      %shift_right_logical3A_849 = arith.constant 3 : i32
      %shift_right_logical3A_850 = vector.broadcast %shift_right_logical3A_849 : i32 to vector<16xi32>
      %shift_right_logical3A_851 = arith.shrui %xor3A_844, %shift_right_logical3A_850 : vector<16xi32>
      %or3A_852 = arith.ori %shift_left3A_848, %shift_right_logical3A_851 : vector<16xi32>
      %xor3A_853 = arith.xori %add3A_845, %or3A_852 : vector<16xi32>
      %add3A_854 = arith.addi %add3A_845, %xor3A_853 : vector<16xi32>
      %shift_left3A_855 = arith.constant 16 : i32
      %shift_left3A_856 = vector.broadcast %shift_left3A_855 : i32 to vector<16xi32>
      %shift_left3A_857 = arith.shli %xor3A_853, %shift_left3A_856 : vector<16xi32>
      %shift_right_logical3A_858 = arith.constant 16 : i32
      %shift_right_logical3A_859 = vector.broadcast %shift_right_logical3A_858 : i32 to vector<16xi32>
      %shift_right_logical3A_860 = arith.shrui %xor3A_853, %shift_right_logical3A_859 : vector<16xi32>
      %or3A_861 = arith.ori %shift_left3A_857, %shift_right_logical3A_860 : vector<16xi32>
      %xor3A_862 = arith.xori %add3A_854, %or3A_861 : vector<16xi32>
      %add3A_863 = arith.addi %add3A_854, %xor3A_862 : vector<16xi32>
      %shift_left3A_864 = arith.constant 24 : i32
      %shift_left3A_865 = vector.broadcast %shift_left3A_864 : i32 to vector<16xi32>
      %shift_left3A_866 = arith.shli %xor3A_862, %shift_left3A_865 : vector<16xi32>
      %shift_right_logical3A_867 = arith.constant 8 : i32
      %shift_right_logical3A_868 = vector.broadcast %shift_right_logical3A_867 : i32 to vector<16xi32>
      %shift_right_logical3A_869 = arith.shrui %xor3A_862, %shift_right_logical3A_868 : vector<16xi32>
      %or3A_870 = arith.ori %shift_left3A_866, %shift_right_logical3A_869 : vector<16xi32>
      %xor3A_871 = arith.xori %add3A_863, %or3A_870 : vector<16xi32>
      %add3A_872 = arith.constant 1741898942 : i32
      %add3A_873 = vector.broadcast %add3A_872 : i32 to vector<16xi32>
      %add3A_874 = arith.addi %add3A_863, %add3A_873 : vector<16xi32>
      %add3A_875 = arith.constant 237229686 : i32
      %add3A_876 = vector.broadcast %add3A_875 : i32 to vector<16xi32>
      %add3A_877 = arith.addi %xor3A_871, %add3A_876 : vector<16xi32>
      %add3A_878 = arith.addi %add3A_874, %add3A_877 : vector<16xi32>
      %shift_left3A_879 = arith.constant 13 : i32
      %shift_left3A_880 = vector.broadcast %shift_left3A_879 : i32 to vector<16xi32>
      %shift_left3A_881 = arith.shli %add3A_877, %shift_left3A_880 : vector<16xi32>
      %shift_right_logical3A_882 = arith.constant 19 : i32
      %shift_right_logical3A_883 = vector.broadcast %shift_right_logical3A_882 : i32 to vector<16xi32>
      %shift_right_logical3A_884 = arith.shrui %add3A_877, %shift_right_logical3A_883 : vector<16xi32>
      %or3A_885 = arith.ori %shift_left3A_881, %shift_right_logical3A_884 : vector<16xi32>
      %xor3A_886 = arith.xori %add3A_878, %or3A_885 : vector<16xi32>
      %add3A_887 = arith.addi %add3A_878, %xor3A_886 : vector<16xi32>
      %shift_left3A_888 = arith.constant 15 : i32
      %shift_left3A_889 = vector.broadcast %shift_left3A_888 : i32 to vector<16xi32>
      %shift_left3A_890 = arith.shli %xor3A_886, %shift_left3A_889 : vector<16xi32>
      %shift_right_logical3A_891 = arith.constant 17 : i32
      %shift_right_logical3A_892 = vector.broadcast %shift_right_logical3A_891 : i32 to vector<16xi32>
      %shift_right_logical3A_893 = arith.shrui %xor3A_886, %shift_right_logical3A_892 : vector<16xi32>
      %or3A_894 = arith.ori %shift_left3A_890, %shift_right_logical3A_893 : vector<16xi32>
      %xor3A_895 = arith.xori %add3A_887, %or3A_894 : vector<16xi32>
      %add3A_896 = arith.addi %add3A_887, %xor3A_895 : vector<16xi32>
      %shift_left3A_897 = arith.constant 26 : i32
      %shift_left3A_898 = vector.broadcast %shift_left3A_897 : i32 to vector<16xi32>
      %shift_left3A_899 = arith.shli %xor3A_895, %shift_left3A_898 : vector<16xi32>
      %shift_right_logical3A_900 = arith.constant 6 : i32
      %shift_right_logical3A_901 = vector.broadcast %shift_right_logical3A_900 : i32 to vector<16xi32>
      %shift_right_logical3A_902 = arith.shrui %xor3A_895, %shift_right_logical3A_901 : vector<16xi32>
      %or3A_903 = arith.ori %shift_left3A_899, %shift_right_logical3A_902 : vector<16xi32>
      %xor3A_904 = arith.xori %add3A_896, %or3A_903 : vector<16xi32>
      %add3A_905 = arith.addi %add3A_896, %xor3A_904 : vector<16xi32>
      %shift_left3A_906 = arith.constant 6 : i32
      %shift_left3A_907 = vector.broadcast %shift_left3A_906 : i32 to vector<16xi32>
      %shift_left3A_908 = arith.shli %xor3A_904, %shift_left3A_907 : vector<16xi32>
      %shift_right_logical3A_909 = arith.constant 26 : i32
      %shift_right_logical3A_910 = vector.broadcast %shift_right_logical3A_909 : i32 to vector<16xi32>
      %shift_right_logical3A_911 = arith.shrui %xor3A_904, %shift_right_logical3A_910 : vector<16xi32>
      %or3A_912 = arith.ori %shift_left3A_908, %shift_right_logical3A_911 : vector<16xi32>
      %xor3A_913 = arith.xori %add3A_905, %or3A_912 : vector<16xi32>
      %add3A_914 = arith.constant 237229682 : i32
      %add3A_915 = vector.broadcast %add3A_914 : i32 to vector<16xi32>
      %add3A_916 = arith.addi %add3A_905, %add3A_915 : vector<16xi32>
      %add3A_917 = arith.constant 1914800411 : i32
      %add3A_918 = vector.broadcast %add3A_917 : i32 to vector<16xi32>
      %add3A_919 = arith.addi %xor3A_913, %add3A_918 : vector<16xi32>
      %xor3A_920 = arith.xori %add3A_916, %add3A_919 : vector<16xi32>
      %jit3A_921 = arith.constant 100000 : i32
      %eq3A_922 = arith.constant 0 : i32
      %eq3A_923 = arith.cmpi eq, %jit3A_921, %eq3A_922 : i32
      %jit3A_924 = arith.constant 1 : i32
      %select_n3A_925 = arith.select %eq3A_923, %jit3A_924, %jit3A_921 : i32
      %rem3A = vector.broadcast %select_n3A_925 : i32 to vector<16xi32>
      %rem3A_926 = arith.remui %xor3A_920, %rem3A : vector<16xi32>
      %ne3A = arith.constant 0 : i32
      %ne3A_927 = vector.broadcast %ne3A : i32 to vector<16xi32>
      %ne3A_928 = arith.cmpi ne, %rem3A_926, %ne3A_927 : vector<16xi32>
      %lt3A_929 = arith.constant 0 : i32
      %lt3A_930 = vector.broadcast %lt3A_929 : i32 to vector<16xi32>
      %lt3A_931 = arith.cmpi ult, %rem3A_926, %lt3A_930 : vector<16xi32>
      %lt3A_932 = arith.constant 0 : i32
      %lt3A_933 = arith.cmpi ult, %select_n3A_925, %lt3A_932 : i32
      %ne3A_934 = vector.broadcast %lt3A_933 : i1 to vector<16xi1>
      %ne3A_935 = vector.broadcast %ne3A_934 : vector<16xi1> to vector<16xi1>
      %ne3A_936 = arith.xori %lt3A_931, %ne3A_935 : vector<16xi1>
      %and3A_937 = arith.andi %ne3A_936, %ne3A_928 : vector<16xi1>
      %add3A_938 = vector.broadcast %select_n3A_925 : i32 to vector<16xi32>
      %add3A_939 = arith.addi %rem3A_926, %add3A_938 : vector<16xi32>
      %select_n3A_940 = arith.select %and3A_937, %add3A_939, %rem3A_926 : vector<16xi1>, vector<16xi32>
      %bitcast3A_941 = vector.bitcast %select_n3A_940 : vector<16xi32> to vector<16xi32>
      %jit3A_942 = arith.constant 4 : i32
      %broadcast_in_dim3A_943 = vector.broadcast %jit3A_942 : i32 to vector<16xi32>
      %select_n3A_944 = arith.select %and3A_473, %broadcast_in_dim3A_943, %get3A_19 : vector<16xi1>, vector<16xi32>
      %select_n3A_945 = arith.select %and3A_704, %bitcast3A_941, %select_n3A_944 : vector<16xi1>, vector<16xi32>
      %mul3A_946 = arith.constant 16 : i32
      %mul3A_947 = arith.muli %scan3A_10, %mul3A_946 : i32
      %swap3A_948 = arith.index_cast %mul3A_947 : i32 to index
      %swap3A_949 = tpu.vector_load %arg8[%swap3A_948] {strides = array<i32>} : memref<2048xi32, #tpu.memory_space<vmem>>, vector<16xi32>,
      %swap3A_950 = vector.shape_cast %swap3A_949 : vector<16xi32> to vector<16xi32>
      %swap3A_951 = vector.shape_cast %select_n3A_945 : vector<16xi32> to vector<16xi32>
      tpu.vector_store %arg8[%swap3A_948], %swap3A_951 {strides = array<i32>} : memref<2048xi32, #tpu.memory_space<vmem>>, vector<16xi32>,
    }
    %scan3A_9 = arith.constant 128 : i32
    "tpu.region"() ({
      %run_scoped3A = tpu.sem_alloc : memref<!tpu.dma_semaphore, #tpu.memory_space<semaphore_mem>>
      %dma_start3A = arith.constant 0 : i32
      %dma_start3A_10 = tpu.memref_slice %arg4[%add3A, %dma_start3A] : memref<16x2048xi32, #tpu.memory_space<hbm>> -> memref<1x2048xi32, #tpu.memory_space<hbm>>
      %dma_start3A_11 = tpu.memref_squeeze %dma_start3A_10 : memref<1x2048xi32, #tpu.memory_space<hbm>> -> memref<2048xi32, #tpu.memory_space<hbm>>
      %dma_start3A_12 = arith.constant 0 : i32
      %dma_start3A_13 = tpu.memref_slice %arg4[%add3A, %dma_start3A_12] : memref<16x2048xi32, #tpu.memory_space<hbm>> -> memref<1x2048xi32, #tpu.memory_space<hbm>>
      %dma_start3A_14 = tpu.memref_squeeze %dma_start3A_13 : memref<1x2048xi32, #tpu.memory_space<hbm>> -> memref<2048xi32, #tpu.memory_space<hbm>>
      tpu.enqueue_dma source(%arg8 : memref<2048xi32, #tpu.memory_space<vmem>>) target(%dma_start3A_14 : memref<2048xi32, #tpu.memory_space<hbm>>) target_semaphore(%run_scoped3A : memref<!tpu.dma_semaphore, #tpu.memory_space<semaphore_mem>>)
      %dma_wait3A = arith.constant 0 : i32
      %dma_wait3A_15 = tpu.memref_slice %arg4[%add3A, %dma_wait3A] : memref<16x2048xi32, #tpu.memory_space<hbm>> -> memref<1x2048xi32, #tpu.memory_space<hbm>>
      %dma_wait3A_16 = tpu.memref_squeeze %dma_wait3A_15 : memref<1x2048xi32, #tpu.memory_space<hbm>> -> memref<2048xi32, #tpu.memory_space<hbm>>
      %dma_wait3A_17 = arith.constant 0 : i32
      %dma_wait3A_18 = tpu.memref_slice %arg4[%add3A, %dma_wait3A_17] : memref<16x2048xi32, #tpu.memory_space<hbm>> -> memref<1x2048xi32, #tpu.memory_space<hbm>>
      %dma_wait3A_19 = tpu.memref_squeeze %dma_wait3A_18 : memref<1x2048xi32, #tpu.memory_space<hbm>> -> memref<2048xi32, #tpu.memory_space<hbm>>
      tpu.wait_dma2 semaphore(%run_scoped3A : memref<!tpu.dma_semaphore, #tpu.memory_space<semaphore_mem>>) src(%arg8 : memref<2048xi32, #tpu.memory_space<vmem>>) dst(%dma_wait3A_19 : memref<2048xi32, #tpu.memory_space<hbm>>)
      tpu.yield
    }) : () -> ()
    "tpu.region"() ({
      %run_scoped3A = tpu.sem_alloc : memref<!tpu.dma_semaphore, #tpu.memory_space<semaphore_mem>>
      %dma_start3A = arith.constant 0 : i32
      %dma_start3A_10 = tpu.memref_slice %arg5[%add3A, %dma_start3A] : memref<16x2048xi32, #tpu.memory_space<hbm>> -> memref<1x2048xi32, #tpu.memory_space<hbm>>
      %dma_start3A_11 = tpu.memref_squeeze %dma_start3A_10 : memref<1x2048xi32, #tpu.memory_space<hbm>> -> memref<2048xi32, #tpu.memory_space<hbm>>
      %dma_start3A_12 = arith.constant 0 : i32
      %dma_start3A_13 = tpu.memref_slice %arg5[%add3A, %dma_start3A_12] : memref<16x2048xi32, #tpu.memory_space<hbm>> -> memref<1x2048xi32, #tpu.memory_space<hbm>>
      %dma_start3A_14 = tpu.memref_squeeze %dma_start3A_13 : memref<1x2048xi32, #tpu.memory_space<hbm>> -> memref<2048xi32, #tpu.memory_space<hbm>>
      tpu.enqueue_dma source(%arg9 : memref<2048xi32, #tpu.memory_space<vmem>>) target(%dma_start3A_14 : memref<2048xi32, #tpu.memory_space<hbm>>) target_semaphore(%run_scoped3A : memref<!tpu.dma_semaphore, #tpu.memory_space<semaphore_mem>>)
      %dma_wait3A = arith.constant 0 : i32
      %dma_wait3A_15 = tpu.memref_slice %arg5[%add3A, %dma_wait3A] : memref<16x2048xi32, #tpu.memory_space<hbm>> -> memref<1x2048xi32, #tpu.memory_space<hbm>>
      %dma_wait3A_16 = tpu.memref_squeeze %dma_wait3A_15 : memref<1x2048xi32, #tpu.memory_space<hbm>> -> memref<2048xi32, #tpu.memory_space<hbm>>
      %dma_wait3A_17 = arith.constant 0 : i32
      %dma_wait3A_18 = tpu.memref_slice %arg5[%add3A, %dma_wait3A_17] : memref<16x2048xi32, #tpu.memory_space<hbm>> -> memref<1x2048xi32, #tpu.memory_space<hbm>>
      %dma_wait3A_19 = tpu.memref_squeeze %dma_wait3A_18 : memref<1x2048xi32, #tpu.memory_space<hbm>> -> memref<2048xi32, #tpu.memory_space<hbm>>
      tpu.wait_dma2 semaphore(%run_scoped3A : memref<!tpu.dma_semaphore, #tpu.memory_space<semaphore_mem>>) src(%arg9 : memref<2048xi32, #tpu.memory_space<vmem>>) dst(%dma_wait3A_19 : memref<2048xi32, #tpu.memory_space<hbm>>)
      tpu.yield
    }) : () -> ()
    return
  }
}

module attributes {stable_mosaic.version = 14 : i64} {
  func.func @_collator_block(%arg0: i32, %arg1: memref<16x2048xi32, #tpu.memory_space<vmem>>, %arg2: memref<16x2048xi32, #tpu.memory_space<vmem>>, %arg3: memref<16x2048xi32, #tpu.memory_space<vmem>>, %arg4: memref<16x2048xi32, #tpu.memory_space<vmem>>) attributes {dimension_semantics = [#tpu.dimension_semantics<parallel>], iteration_bounds = array<i64: 7>, scalar_prefetch = 0 : i64, scratch_operands = 0 : i64, tpu.core_type = #tpu.core_type<tc>, window_params = [{transform_indices = @transform_0, window_bounds = array<i64: 16, 2048>}, {transform_indices = @transform_1, window_bounds = array<i64: 16, 2048>}, {transform_indices = @transform_2, window_bounds = array<i64: 16, 2048>}, {transform_indices = @transform_3, window_bounds = array<i64: 16, 2048>}]} {
    %get3A = arith.constant 0 : index
    %get3A_0 = arith.constant 0 : index
    %get3A_1 = vector.load %arg1[%get3A, %get3A_0] : memref<16x2048xi32, #tpu.memory_space<vmem>>, vector<16x2048xi32>
    %get3A_2 = arith.constant 0 : index
    %get3A_3 = arith.constant 0 : index
    %get3A_4 = vector.load %arg2[%get3A_2, %get3A_3] : memref<16x2048xi32, #tpu.memory_space<vmem>>, vector<16x2048xi32>
    %get3A_5 = arith.constant dense<0> : vector<16x2048xi32>
    %get3A_6 = arith.cmpi ne, %get3A_4, %get3A_5 : vector<16x2048xi32>
    %iota3A = tpu.iota {dimensions = array<i32: 0>} : vector<16x2048xi32>
    %iota3A_7 = tpu.iota {dimensions = array<i32: 1>} : vector<16x2048xi32>
    %mul3A = arith.constant 32768 : i32
    %mul3A_8 = arith.muli %arg0, %mul3A : i32
    %mul3A_9 = arith.constant 2048 : i32
    %mul3A_10 = vector.broadcast %mul3A_9 : i32 to vector<16x2048xi32>
    %mul3A_11 = arith.muli %iota3A, %mul3A_10 : vector<16x2048xi32>
    %add3A = vector.broadcast %mul3A_8 : i32 to vector<16x2048xi32>
    %add3A_12 = arith.addi %add3A, %mul3A_11 : vector<16x2048xi32>
    %add3A_13 = arith.addi %add3A_12, %iota3A_7 : vector<16x2048xi32>
    %broadcast_in_dim3A = arith.constant 1832780943 : i32
    %broadcast_in_dim3A_14 = vector.broadcast %broadcast_in_dim3A : i32 to vector<16x2048xi32>
    %add3A_15 = arith.constant 270669613 : i32
    %add3A_16 = vector.broadcast %add3A_15 : i32 to vector<16x2048xi32>
    %add3A_17 = arith.addi %add3A_13, %add3A_16 : vector<16x2048xi32>
    %add3A_18 = arith.addi %broadcast_in_dim3A_14, %add3A_17 : vector<16x2048xi32>
    %shift_left3A = arith.constant 13 : i32
    %shift_left3A_19 = vector.broadcast %shift_left3A : i32 to vector<16x2048xi32>
    %shift_left3A_20 = arith.shli %add3A_17, %shift_left3A_19 : vector<16x2048xi32>
    %shift_right_logical3A = arith.constant 19 : i32
    %shift_right_logical3A_21 = vector.broadcast %shift_right_logical3A : i32 to vector<16x2048xi32>
    %shift_right_logical3A_22 = arith.shrui %add3A_17, %shift_right_logical3A_21 : vector<16x2048xi32>
    %or3A = arith.ori %shift_left3A_20, %shift_right_logical3A_22 : vector<16x2048xi32>
    %xor3A = arith.xori %add3A_18, %or3A : vector<16x2048xi32>
    %add3A_23 = arith.addi %add3A_18, %xor3A : vector<16x2048xi32>
    %shift_left3A_24 = arith.constant 15 : i32
    %shift_left3A_25 = vector.broadcast %shift_left3A_24 : i32 to vector<16x2048xi32>
    %shift_left3A_26 = arith.shli %xor3A, %shift_left3A_25 : vector<16x2048xi32>
    %shift_right_logical3A_27 = arith.constant 17 : i32
    %shift_right_logical3A_28 = vector.broadcast %shift_right_logical3A_27 : i32 to vector<16x2048xi32>
    %shift_right_logical3A_29 = arith.shrui %xor3A, %shift_right_logical3A_28 : vector<16x2048xi32>
    %or3A_30 = arith.ori %shift_left3A_26, %shift_right_logical3A_29 : vector<16x2048xi32>
    %xor3A_31 = arith.xori %add3A_23, %or3A_30 : vector<16x2048xi32>
    %add3A_32 = arith.addi %add3A_23, %xor3A_31 : vector<16x2048xi32>
    %shift_left3A_33 = arith.constant 26 : i32
    %shift_left3A_34 = vector.broadcast %shift_left3A_33 : i32 to vector<16x2048xi32>
    %shift_left3A_35 = arith.shli %xor3A_31, %shift_left3A_34 : vector<16x2048xi32>
    %shift_right_logical3A_36 = arith.constant 6 : i32
    %shift_right_logical3A_37 = vector.broadcast %shift_right_logical3A_36 : i32 to vector<16x2048xi32>
    %shift_right_logical3A_38 = arith.shrui %xor3A_31, %shift_right_logical3A_37 : vector<16x2048xi32>
    %or3A_39 = arith.ori %shift_left3A_35, %shift_right_logical3A_38 : vector<16x2048xi32>
    %xor3A_40 = arith.xori %add3A_32, %or3A_39 : vector<16x2048xi32>
    %add3A_41 = arith.addi %add3A_32, %xor3A_40 : vector<16x2048xi32>
    %shift_left3A_42 = arith.constant 6 : i32
    %shift_left3A_43 = vector.broadcast %shift_left3A_42 : i32 to vector<16x2048xi32>
    %shift_left3A_44 = arith.shli %xor3A_40, %shift_left3A_43 : vector<16x2048xi32>
    %shift_right_logical3A_45 = arith.constant 26 : i32
    %shift_right_logical3A_46 = vector.broadcast %shift_right_logical3A_45 : i32 to vector<16x2048xi32>
    %shift_right_logical3A_47 = arith.shrui %xor3A_40, %shift_right_logical3A_46 : vector<16x2048xi32>
    %or3A_48 = arith.ori %shift_left3A_44, %shift_right_logical3A_47 : vector<16x2048xi32>
    %xor3A_49 = arith.xori %add3A_41, %or3A_48 : vector<16x2048xi32>
    %add3A_50 = arith.constant 270669613 : i32
    %add3A_51 = vector.broadcast %add3A_50 : i32 to vector<16x2048xi32>
    %add3A_52 = arith.addi %add3A_41, %add3A_51 : vector<16x2048xi32>
    %add3A_53 = arith.constant 1724713081 : i32
    %add3A_54 = vector.broadcast %add3A_53 : i32 to vector<16x2048xi32>
    %add3A_55 = arith.addi %xor3A_49, %add3A_54 : vector<16x2048xi32>
    %add3A_56 = arith.addi %add3A_52, %add3A_55 : vector<16x2048xi32>
    %shift_left3A_57 = arith.constant 17 : i32
    %shift_left3A_58 = vector.broadcast %shift_left3A_57 : i32 to vector<16x2048xi32>
    %shift_left3A_59 = arith.shli %add3A_55, %shift_left3A_58 : vector<16x2048xi32>
    %shift_right_logical3A_60 = arith.constant 15 : i32
    %shift_right_logical3A_61 = vector.broadcast %shift_right_logical3A_60 : i32 to vector<16x2048xi32>
    %shift_right_logical3A_62 = arith.shrui %add3A_55, %shift_right_logical3A_61 : vector<16x2048xi32>
    %or3A_63 = arith.ori %shift_left3A_59, %shift_right_logical3A_62 : vector<16x2048xi32>
    %xor3A_64 = arith.xori %add3A_56, %or3A_63 : vector<16x2048xi32>
    %add3A_65 = arith.addi %add3A_56, %xor3A_64 : vector<16x2048xi32>
    %shift_left3A_66 = arith.constant 29 : i32
    %shift_left3A_67 = vector.broadcast %shift_left3A_66 : i32 to vector<16x2048xi32>
    %shift_left3A_68 = arith.shli %xor3A_64, %shift_left3A_67 : vector<16x2048xi32>
    %shift_right_logical3A_69 = arith.constant 3 : i32
    %shift_right_logical3A_70 = vector.broadcast %shift_right_logical3A_69 : i32 to vector<16x2048xi32>
    %shift_right_logical3A_71 = arith.shrui %xor3A_64, %shift_right_logical3A_70 : vector<16x2048xi32>
    %or3A_72 = arith.ori %shift_left3A_68, %shift_right_logical3A_71 : vector<16x2048xi32>
    %xor3A_73 = arith.xori %add3A_65, %or3A_72 : vector<16x2048xi32>
    %add3A_74 = arith.addi %add3A_65, %xor3A_73 : vector<16x2048xi32>
    %shift_left3A_75 = arith.constant 16 : i32
    %shift_left3A_76 = vector.broadcast %shift_left3A_75 : i32 to vector<16x2048xi32>
    %shift_left3A_77 = arith.shli %xor3A_73, %shift_left3A_76 : vector<16x2048xi32>
    %shift_right_logical3A_78 = arith.constant 16 : i32
    %shift_right_logical3A_79 = vector.broadcast %shift_right_logical3A_78 : i32 to vector<16x2048xi32>
    %shift_right_logical3A_80 = arith.shrui %xor3A_73, %shift_right_logical3A_79 : vector<16x2048xi32>
    %or3A_81 = arith.ori %shift_left3A_77, %shift_right_logical3A_80 : vector<16x2048xi32>
    %xor3A_82 = arith.xori %add3A_74, %or3A_81 : vector<16x2048xi32>
    %add3A_83 = arith.addi %add3A_74, %xor3A_82 : vector<16x2048xi32>
    %shift_left3A_84 = arith.constant 24 : i32
    %shift_left3A_85 = vector.broadcast %shift_left3A_84 : i32 to vector<16x2048xi32>
    %shift_left3A_86 = arith.shli %xor3A_82, %shift_left3A_85 : vector<16x2048xi32>
    %shift_right_logical3A_87 = arith.constant 8 : i32
    %shift_right_logical3A_88 = vector.broadcast %shift_right_logical3A_87 : i32 to vector<16x2048xi32>
    %shift_right_logical3A_89 = arith.shrui %xor3A_82, %shift_right_logical3A_88 : vector<16x2048xi32>
    %or3A_90 = arith.ori %shift_left3A_86, %shift_right_logical3A_89 : vector<16x2048xi32>
    %xor3A_91 = arith.xori %add3A_83, %or3A_90 : vector<16x2048xi32>
    %add3A_92 = arith.constant 1724713080 : i32
    %add3A_93 = vector.broadcast %add3A_92 : i32 to vector<16x2048xi32>
    %add3A_94 = arith.addi %add3A_83, %add3A_93 : vector<16x2048xi32>
    %add3A_95 = arith.constant 1832780945 : i32
    %add3A_96 = vector.broadcast %add3A_95 : i32 to vector<16x2048xi32>
    %add3A_97 = arith.addi %xor3A_91, %add3A_96 : vector<16x2048xi32>
    %add3A_98 = arith.addi %add3A_94, %add3A_97 : vector<16x2048xi32>
    %shift_left3A_99 = arith.constant 13 : i32
    %shift_left3A_100 = vector.broadcast %shift_left3A_99 : i32 to vector<16x2048xi32>
    %shift_left3A_101 = arith.shli %add3A_97, %shift_left3A_100 : vector<16x2048xi32>
    %shift_right_logical3A_102 = arith.constant 19 : i32
    %shift_right_logical3A_103 = vector.broadcast %shift_right_logical3A_102 : i32 to vector<16x2048xi32>
    %shift_right_logical3A_104 = arith.shrui %add3A_97, %shift_right_logical3A_103 : vector<16x2048xi32>
    %or3A_105 = arith.ori %shift_left3A_101, %shift_right_logical3A_104 : vector<16x2048xi32>
    %xor3A_106 = arith.xori %add3A_98, %or3A_105 : vector<16x2048xi32>
    %add3A_107 = arith.addi %add3A_98, %xor3A_106 : vector<16x2048xi32>
    %shift_left3A_108 = arith.constant 15 : i32
    %shift_left3A_109 = vector.broadcast %shift_left3A_108 : i32 to vector<16x2048xi32>
    %shift_left3A_110 = arith.shli %xor3A_106, %shift_left3A_109 : vector<16x2048xi32>
    %shift_right_logical3A_111 = arith.constant 17 : i32
    %shift_right_logical3A_112 = vector.broadcast %shift_right_logical3A_111 : i32 to vector<16x2048xi32>
    %shift_right_logical3A_113 = arith.shrui %xor3A_106, %shift_right_logical3A_112 : vector<16x2048xi32>
    %or3A_114 = arith.ori %shift_left3A_110, %shift_right_logical3A_113 : vector<16x2048xi32>
    %xor3A_115 = arith.xori %add3A_107, %or3A_114 : vector<16x2048xi32>
    %add3A_116 = arith.addi %add3A_107, %xor3A_115 : vector<16x2048xi32>
    %shift_left3A_117 = arith.constant 26 : i32
    %shift_left3A_118 = vector.broadcast %shift_left3A_117 : i32 to vector<16x2048xi32>
    %shift_left3A_119 = arith.shli %xor3A_115, %shift_left3A_118 : vector<16x2048xi32>
    %shift_right_logical3A_120 = arith.constant 6 : i32
    %shift_right_logical3A_121 = vector.broadcast %shift_right_logical3A_120 : i32 to vector<16x2048xi32>
    %shift_right_logical3A_122 = arith.shrui %xor3A_115, %shift_right_logical3A_121 : vector<16x2048xi32>
    %or3A_123 = arith.ori %shift_left3A_119, %shift_right_logical3A_122 : vector<16x2048xi32>
    %xor3A_124 = arith.xori %add3A_116, %or3A_123 : vector<16x2048xi32>
    %add3A_125 = arith.addi %add3A_116, %xor3A_124 : vector<16x2048xi32>
    %shift_left3A_126 = arith.constant 6 : i32
    %shift_left3A_127 = vector.broadcast %shift_left3A_126 : i32 to vector<16x2048xi32>
    %shift_left3A_128 = arith.shli %xor3A_124, %shift_left3A_127 : vector<16x2048xi32>
    %shift_right_logical3A_129 = arith.constant 26 : i32
    %shift_right_logical3A_130 = vector.broadcast %shift_right_logical3A_129 : i32 to vector<16x2048xi32>
    %shift_right_logical3A_131 = arith.shrui %xor3A_124, %shift_right_logical3A_130 : vector<16x2048xi32>
    %or3A_132 = arith.ori %shift_left3A_128, %shift_right_logical3A_131 : vector<16x2048xi32>
    %xor3A_133 = arith.xori %add3A_125, %or3A_132 : vector<16x2048xi32>
    %add3A_134 = arith.constant 1832780943 : i32
    %add3A_135 = vector.broadcast %add3A_134 : i32 to vector<16x2048xi32>
    %add3A_136 = arith.addi %add3A_125, %add3A_135 : vector<16x2048xi32>
    %add3A_137 = arith.constant 270669616 : i32
    %add3A_138 = vector.broadcast %add3A_137 : i32 to vector<16x2048xi32>
    %add3A_139 = arith.addi %xor3A_133, %add3A_138 : vector<16x2048xi32>
    %add3A_140 = arith.addi %add3A_136, %add3A_139 : vector<16x2048xi32>
    %shift_left3A_141 = arith.constant 17 : i32
    %shift_left3A_142 = vector.broadcast %shift_left3A_141 : i32 to vector<16x2048xi32>
    %shift_left3A_143 = arith.shli %add3A_139, %shift_left3A_142 : vector<16x2048xi32>
    %shift_right_logical3A_144 = arith.constant 15 : i32
    %shift_right_logical3A_145 = vector.broadcast %shift_right_logical3A_144 : i32 to vector<16x2048xi32>
    %shift_right_logical3A_146 = arith.shrui %add3A_139, %shift_right_logical3A_145 : vector<16x2048xi32>
    %or3A_147 = arith.ori %shift_left3A_143, %shift_right_logical3A_146 : vector<16x2048xi32>
    %xor3A_148 = arith.xori %add3A_140, %or3A_147 : vector<16x2048xi32>
    %add3A_149 = arith.addi %add3A_140, %xor3A_148 : vector<16x2048xi32>
    %shift_left3A_150 = arith.constant 29 : i32
    %shift_left3A_151 = vector.broadcast %shift_left3A_150 : i32 to vector<16x2048xi32>
    %shift_left3A_152 = arith.shli %xor3A_148, %shift_left3A_151 : vector<16x2048xi32>
    %shift_right_logical3A_153 = arith.constant 3 : i32
    %shift_right_logical3A_154 = vector.broadcast %shift_right_logical3A_153 : i32 to vector<16x2048xi32>
    %shift_right_logical3A_155 = arith.shrui %xor3A_148, %shift_right_logical3A_154 : vector<16x2048xi32>
    %or3A_156 = arith.ori %shift_left3A_152, %shift_right_logical3A_155 : vector<16x2048xi32>
    %xor3A_157 = arith.xori %add3A_149, %or3A_156 : vector<16x2048xi32>
    %add3A_158 = arith.addi %add3A_149, %xor3A_157 : vector<16x2048xi32>
    %shift_left3A_159 = arith.constant 16 : i32
    %shift_left3A_160 = vector.broadcast %shift_left3A_159 : i32 to vector<16x2048xi32>
    %shift_left3A_161 = arith.shli %xor3A_157, %shift_left3A_160 : vector<16x2048xi32>
    %shift_right_logical3A_162 = arith.constant 16 : i32
    %shift_right_logical3A_163 = vector.broadcast %shift_right_logical3A_162 : i32 to vector<16x2048xi32>
    %shift_right_logical3A_164 = arith.shrui %xor3A_157, %shift_right_logical3A_163 : vector<16x2048xi32>
    %or3A_165 = arith.ori %shift_left3A_161, %shift_right_logical3A_164 : vector<16x2048xi32>
    %xor3A_166 = arith.xori %add3A_158, %or3A_165 : vector<16x2048xi32>
    %add3A_167 = arith.addi %add3A_158, %xor3A_166 : vector<16x2048xi32>
    %shift_left3A_168 = arith.constant 24 : i32
    %shift_left3A_169 = vector.broadcast %shift_left3A_168 : i32 to vector<16x2048xi32>
    %shift_left3A_170 = arith.shli %xor3A_166, %shift_left3A_169 : vector<16x2048xi32>
    %shift_right_logical3A_171 = arith.constant 8 : i32
    %shift_right_logical3A_172 = vector.broadcast %shift_right_logical3A_171 : i32 to vector<16x2048xi32>
    %shift_right_logical3A_173 = arith.shrui %xor3A_166, %shift_right_logical3A_172 : vector<16x2048xi32>
    %or3A_174 = arith.ori %shift_left3A_170, %shift_right_logical3A_173 : vector<16x2048xi32>
    %xor3A_175 = arith.xori %add3A_167, %or3A_174 : vector<16x2048xi32>
    %add3A_176 = arith.constant 270669613 : i32
    %add3A_177 = vector.broadcast %add3A_176 : i32 to vector<16x2048xi32>
    %add3A_178 = arith.addi %add3A_167, %add3A_177 : vector<16x2048xi32>
    %add3A_179 = arith.constant 1724713084 : i32
    %add3A_180 = vector.broadcast %add3A_179 : i32 to vector<16x2048xi32>
    %add3A_181 = arith.addi %xor3A_175, %add3A_180 : vector<16x2048xi32>
    %add3A_182 = arith.addi %add3A_178, %add3A_181 : vector<16x2048xi32>
    %shift_left3A_183 = arith.constant 13 : i32
    %shift_left3A_184 = vector.broadcast %shift_left3A_183 : i32 to vector<16x2048xi32>
    %shift_left3A_185 = arith.shli %add3A_181, %shift_left3A_184 : vector<16x2048xi32>
    %shift_right_logical3A_186 = arith.constant 19 : i32
    %shift_right_logical3A_187 = vector.broadcast %shift_right_logical3A_186 : i32 to vector<16x2048xi32>
    %shift_right_logical3A_188 = arith.shrui %add3A_181, %shift_right_logical3A_187 : vector<16x2048xi32>
    %or3A_189 = arith.ori %shift_left3A_185, %shift_right_logical3A_188 : vector<16x2048xi32>
    %xor3A_190 = arith.xori %add3A_182, %or3A_189 : vector<16x2048xi32>
    %add3A_191 = arith.addi %add3A_182, %xor3A_190 : vector<16x2048xi32>
    %shift_left3A_192 = arith.constant 15 : i32
    %shift_left3A_193 = vector.broadcast %shift_left3A_192 : i32 to vector<16x2048xi32>
    %shift_left3A_194 = arith.shli %xor3A_190, %shift_left3A_193 : vector<16x2048xi32>
    %shift_right_logical3A_195 = arith.constant 17 : i32
    %shift_right_logical3A_196 = vector.broadcast %shift_right_logical3A_195 : i32 to vector<16x2048xi32>
    %shift_right_logical3A_197 = arith.shrui %xor3A_190, %shift_right_logical3A_196 : vector<16x2048xi32>
    %or3A_198 = arith.ori %shift_left3A_194, %shift_right_logical3A_197 : vector<16x2048xi32>
    %xor3A_199 = arith.xori %add3A_191, %or3A_198 : vector<16x2048xi32>
    %add3A_200 = arith.addi %add3A_191, %xor3A_199 : vector<16x2048xi32>
    %shift_left3A_201 = arith.constant 26 : i32
    %shift_left3A_202 = vector.broadcast %shift_left3A_201 : i32 to vector<16x2048xi32>
    %shift_left3A_203 = arith.shli %xor3A_199, %shift_left3A_202 : vector<16x2048xi32>
    %shift_right_logical3A_204 = arith.constant 6 : i32
    %shift_right_logical3A_205 = vector.broadcast %shift_right_logical3A_204 : i32 to vector<16x2048xi32>
    %shift_right_logical3A_206 = arith.shrui %xor3A_199, %shift_right_logical3A_205 : vector<16x2048xi32>
    %or3A_207 = arith.ori %shift_left3A_203, %shift_right_logical3A_206 : vector<16x2048xi32>
    %xor3A_208 = arith.xori %add3A_200, %or3A_207 : vector<16x2048xi32>
    %add3A_209 = arith.addi %add3A_200, %xor3A_208 : vector<16x2048xi32>
    %shift_left3A_210 = arith.constant 6 : i32
    %shift_left3A_211 = vector.broadcast %shift_left3A_210 : i32 to vector<16x2048xi32>
    %shift_left3A_212 = arith.shli %xor3A_208, %shift_left3A_211 : vector<16x2048xi32>
    %shift_right_logical3A_213 = arith.constant 26 : i32
    %shift_right_logical3A_214 = vector.broadcast %shift_right_logical3A_213 : i32 to vector<16x2048xi32>
    %shift_right_logical3A_215 = arith.shrui %xor3A_208, %shift_right_logical3A_214 : vector<16x2048xi32>
    %or3A_216 = arith.ori %shift_left3A_212, %shift_right_logical3A_215 : vector<16x2048xi32>
    %xor3A_217 = arith.xori %add3A_209, %or3A_216 : vector<16x2048xi32>
    %add3A_218 = arith.constant 1724713080 : i32
    %add3A_219 = vector.broadcast %add3A_218 : i32 to vector<16x2048xi32>
    %add3A_220 = arith.addi %add3A_209, %add3A_219 : vector<16x2048xi32>
    %add3A_221 = arith.constant 1832780948 : i32
    %add3A_222 = vector.broadcast %add3A_221 : i32 to vector<16x2048xi32>
    %add3A_223 = arith.addi %xor3A_217, %add3A_222 : vector<16x2048xi32>
    %xor3A_224 = arith.xori %add3A_220, %add3A_223 : vector<16x2048xi32>
    %lt3A = arith.constant 644245504 : i32
    %lt3A_225 = vector.broadcast %lt3A : i32 to vector<16x2048xi32>
    %lt3A_226 = arith.cmpi ult, %xor3A_224, %lt3A_225 : vector<16x2048xi32>
    %not3A = arith.constant dense<true> : vector<16x2048xi1>
    %not3A_227 = arith.xori %get3A_6, %not3A : vector<16x2048xi1>
    %and3A = arith.andi %lt3A_226, %not3A_227 : vector<16x2048xi1>
    %jit3A = arith.constant -100 : i32
    %broadcast_in_dim3A_228 = vector.broadcast %jit3A : i32 to vector<16x2048xi32>
    %select_n3A = arith.select %and3A, %get3A_1, %broadcast_in_dim3A_228 : vector<16x2048xi1>, vector<16x2048xi32>
    %swap3A = arith.constant 0 : index
    %swap3A_229 = arith.constant 0 : index
    %swap3A_230 = vector.load %arg4[%swap3A, %swap3A_229] : memref<16x2048xi32, #tpu.memory_space<vmem>>, vector<16x2048xi32>
    tpu.vector_store %arg4[%swap3A, %swap3A_229], %select_n3A {strides = array<i32>} : memref<16x2048xi32, #tpu.memory_space<vmem>>, vector<16x2048xi32>,
    %broadcast_in_dim3A_231 = arith.constant 64467757 : i32
    %broadcast_in_dim3A_232 = vector.broadcast %broadcast_in_dim3A_231 : i32 to vector<16x2048xi32>
    %add3A_233 = arith.constant -1378843660 : i32
    %add3A_234 = vector.broadcast %add3A_233 : i32 to vector<16x2048xi32>
    %add3A_235 = arith.addi %add3A_13, %add3A_234 : vector<16x2048xi32>
    %add3A_236 = arith.addi %broadcast_in_dim3A_232, %add3A_235 : vector<16x2048xi32>
    %shift_left3A_237 = arith.constant 13 : i32
    %shift_left3A_238 = vector.broadcast %shift_left3A_237 : i32 to vector<16x2048xi32>
    %shift_left3A_239 = arith.shli %add3A_235, %shift_left3A_238 : vector<16x2048xi32>
    %shift_right_logical3A_240 = arith.constant 19 : i32
    %shift_right_logical3A_241 = vector.broadcast %shift_right_logical3A_240 : i32 to vector<16x2048xi32>
    %shift_right_logical3A_242 = arith.shrui %add3A_235, %shift_right_logical3A_241 : vector<16x2048xi32>
    %or3A_243 = arith.ori %shift_left3A_239, %shift_right_logical3A_242 : vector<16x2048xi32>
    %xor3A_244 = arith.xori %add3A_236, %or3A_243 : vector<16x2048xi32>
    %add3A_245 = arith.addi %add3A_236, %xor3A_244 : vector<16x2048xi32>
    %shift_left3A_246 = arith.constant 15 : i32
    %shift_left3A_247 = vector.broadcast %shift_left3A_246 : i32 to vector<16x2048xi32>
    %shift_left3A_248 = arith.shli %xor3A_244, %shift_left3A_247 : vector<16x2048xi32>
    %shift_right_logical3A_249 = arith.constant 17 : i32
    %shift_right_logical3A_250 = vector.broadcast %shift_right_logical3A_249 : i32 to vector<16x2048xi32>
    %shift_right_logical3A_251 = arith.shrui %xor3A_244, %shift_right_logical3A_250 : vector<16x2048xi32>
    %or3A_252 = arith.ori %shift_left3A_248, %shift_right_logical3A_251 : vector<16x2048xi32>
    %xor3A_253 = arith.xori %add3A_245, %or3A_252 : vector<16x2048xi32>
    %add3A_254 = arith.addi %add3A_245, %xor3A_253 : vector<16x2048xi32>
    %shift_left3A_255 = arith.constant 26 : i32
    %shift_left3A_256 = vector.broadcast %shift_left3A_255 : i32 to vector<16x2048xi32>
    %shift_left3A_257 = arith.shli %xor3A_253, %shift_left3A_256 : vector<16x2048xi32>
    %shift_right_logical3A_258 = arith.constant 6 : i32
    %shift_right_logical3A_259 = vector.broadcast %shift_right_logical3A_258 : i32 to vector<16x2048xi32>
    %shift_right_logical3A_260 = arith.shrui %xor3A_253, %shift_right_logical3A_259 : vector<16x2048xi32>
    %or3A_261 = arith.ori %shift_left3A_257, %shift_right_logical3A_260 : vector<16x2048xi32>
    %xor3A_262 = arith.xori %add3A_254, %or3A_261 : vector<16x2048xi32>
    %add3A_263 = arith.addi %add3A_254, %xor3A_262 : vector<16x2048xi32>
    %shift_left3A_264 = arith.constant 6 : i32
    %shift_left3A_265 = vector.broadcast %shift_left3A_264 : i32 to vector<16x2048xi32>
    %shift_left3A_266 = arith.shli %xor3A_262, %shift_left3A_265 : vector<16x2048xi32>
    %shift_right_logical3A_267 = arith.constant 26 : i32
    %shift_right_logical3A_268 = vector.broadcast %shift_right_logical3A_267 : i32 to vector<16x2048xi32>
    %shift_right_logical3A_269 = arith.shrui %xor3A_262, %shift_right_logical3A_268 : vector<16x2048xi32>
    %or3A_270 = arith.ori %shift_left3A_266, %shift_right_logical3A_269 : vector<16x2048xi32>
    %xor3A_271 = arith.xori %add3A_263, %or3A_270 : vector<16x2048xi32>
    %add3A_272 = arith.constant -1378843660 : i32
    %add3A_273 = vector.broadcast %add3A_272 : i32 to vector<16x2048xi32>
    %add3A_274 = arith.addi %add3A_263, %add3A_273 : vector<16x2048xi32>
    %add3A_275 = arith.constant -1244255484 : i32
    %add3A_276 = vector.broadcast %add3A_275 : i32 to vector<16x2048xi32>
    %add3A_277 = arith.addi %xor3A_271, %add3A_276 : vector<16x2048xi32>
    %add3A_278 = arith.addi %add3A_274, %add3A_277 : vector<16x2048xi32>
    %shift_left3A_279 = arith.constant 17 : i32
    %shift_left3A_280 = vector.broadcast %shift_left3A_279 : i32 to vector<16x2048xi32>
    %shift_left3A_281 = arith.shli %add3A_277, %shift_left3A_280 : vector<16x2048xi32>
    %shift_right_logical3A_282 = arith.constant 15 : i32
    %shift_right_logical3A_283 = vector.broadcast %shift_right_logical3A_282 : i32 to vector<16x2048xi32>
    %shift_right_logical3A_284 = arith.shrui %add3A_277, %shift_right_logical3A_283 : vector<16x2048xi32>
    %or3A_285 = arith.ori %shift_left3A_281, %shift_right_logical3A_284 : vector<16x2048xi32>
    %xor3A_286 = arith.xori %add3A_278, %or3A_285 : vector<16x2048xi32>
    %add3A_287 = arith.addi %add3A_278, %xor3A_286 : vector<16x2048xi32>
    %shift_left3A_288 = arith.constant 29 : i32
    %shift_left3A_289 = vector.broadcast %shift_left3A_288 : i32 to vector<16x2048xi32>
    %shift_left3A_290 = arith.shli %xor3A_286, %shift_left3A_289 : vector<16x2048xi32>
    %shift_right_logical3A_291 = arith.constant 3 : i32
    %shift_right_logical3A_292 = vector.broadcast %shift_right_logical3A_291 : i32 to vector<16x2048xi32>
    %shift_right_logical3A_293 = arith.shrui %xor3A_286, %shift_right_logical3A_292 : vector<16x2048xi32>
    %or3A_294 = arith.ori %shift_left3A_290, %shift_right_logical3A_293 : vector<16x2048xi32>
    %xor3A_295 = arith.xori %add3A_287, %or3A_294 : vector<16x2048xi32>
    %add3A_296 = arith.addi %add3A_287, %xor3A_295 : vector<16x2048xi32>
    %shift_left3A_297 = arith.constant 16 : i32
    %shift_left3A_298 = vector.broadcast %shift_left3A_297 : i32 to vector<16x2048xi32>
    %shift_left3A_299 = arith.shli %xor3A_295, %shift_left3A_298 : vector<16x2048xi32>
    %shift_right_logical3A_300 = arith.constant 16 : i32
    %shift_right_logical3A_301 = vector.broadcast %shift_right_logical3A_300 : i32 to vector<16x2048xi32>
    %shift_right_logical3A_302 = arith.shrui %xor3A_295, %shift_right_logical3A_301 : vector<16x2048xi32>
    %or3A_303 = arith.ori %shift_left3A_299, %shift_right_logical3A_302 : vector<16x2048xi32>
    %xor3A_304 = arith.xori %add3A_296, %or3A_303 : vector<16x2048xi32>
    %add3A_305 = arith.addi %add3A_296, %xor3A_304 : vector<16x2048xi32>
    %shift_left3A_306 = arith.constant 24 : i32
    %shift_left3A_307 = vector.broadcast %shift_left3A_306 : i32 to vector<16x2048xi32>
    %shift_left3A_308 = arith.shli %xor3A_304, %shift_left3A_307 : vector<16x2048xi32>
    %shift_right_logical3A_309 = arith.constant 8 : i32
    %shift_right_logical3A_310 = vector.broadcast %shift_right_logical3A_309 : i32 to vector<16x2048xi32>
    %shift_right_logical3A_311 = arith.shrui %xor3A_304, %shift_right_logical3A_310 : vector<16x2048xi32>
    %or3A_312 = arith.ori %shift_left3A_308, %shift_right_logical3A_311 : vector<16x2048xi32>
    %xor3A_313 = arith.xori %add3A_305, %or3A_312 : vector<16x2048xi32>
    %add3A_314 = arith.constant -1244255485 : i32
    %add3A_315 = vector.broadcast %add3A_314 : i32 to vector<16x2048xi32>
    %add3A_316 = arith.addi %add3A_305, %add3A_315 : vector<16x2048xi32>
    %add3A_317 = arith.constant 64467759 : i32
    %add3A_318 = vector.broadcast %add3A_317 : i32 to vector<16x2048xi32>
    %add3A_319 = arith.addi %xor3A_313, %add3A_318 : vector<16x2048xi32>
    %add3A_320 = arith.addi %add3A_316, %add3A_319 : vector<16x2048xi32>
    %shift_left3A_321 = arith.constant 13 : i32
    %shift_left3A_322 = vector.broadcast %shift_left3A_321 : i32 to vector<16x2048xi32>
    %shift_left3A_323 = arith.shli %add3A_319, %shift_left3A_322 : vector<16x2048xi32>
    %shift_right_logical3A_324 = arith.constant 19 : i32
    %shift_right_logical3A_325 = vector.broadcast %shift_right_logical3A_324 : i32 to vector<16x2048xi32>
    %shift_right_logical3A_326 = arith.shrui %add3A_319, %shift_right_logical3A_325 : vector<16x2048xi32>
    %or3A_327 = arith.ori %shift_left3A_323, %shift_right_logical3A_326 : vector<16x2048xi32>
    %xor3A_328 = arith.xori %add3A_320, %or3A_327 : vector<16x2048xi32>
    %add3A_329 = arith.addi %add3A_320, %xor3A_328 : vector<16x2048xi32>
    %shift_left3A_330 = arith.constant 15 : i32
    %shift_left3A_331 = vector.broadcast %shift_left3A_330 : i32 to vector<16x2048xi32>
    %shift_left3A_332 = arith.shli %xor3A_328, %shift_left3A_331 : vector<16x2048xi32>
    %shift_right_logical3A_333 = arith.constant 17 : i32
    %shift_right_logical3A_334 = vector.broadcast %shift_right_logical3A_333 : i32 to vector<16x2048xi32>
    %shift_right_logical3A_335 = arith.shrui %xor3A_328, %shift_right_logical3A_334 : vector<16x2048xi32>
    %or3A_336 = arith.ori %shift_left3A_332, %shift_right_logical3A_335 : vector<16x2048xi32>
    %xor3A_337 = arith.xori %add3A_329, %or3A_336 : vector<16x2048xi32>
    %add3A_338 = arith.addi %add3A_329, %xor3A_337 : vector<16x2048xi32>
    %shift_left3A_339 = arith.constant 26 : i32
    %shift_left3A_340 = vector.broadcast %shift_left3A_339 : i32 to vector<16x2048xi32>
    %shift_left3A_341 = arith.shli %xor3A_337, %shift_left3A_340 : vector<16x2048xi32>
    %shift_right_logical3A_342 = arith.constant 6 : i32
    %shift_right_logical3A_343 = vector.broadcast %shift_right_logical3A_342 : i32 to vector<16x2048xi32>
    %shift_right_logical3A_344 = arith.shrui %xor3A_337, %shift_right_logical3A_343 : vector<16x2048xi32>
    %or3A_345 = arith.ori %shift_left3A_341, %shift_right_logical3A_344 : vector<16x2048xi32>
    %xor3A_346 = arith.xori %add3A_338, %or3A_345 : vector<16x2048xi32>
    %add3A_347 = arith.addi %add3A_338, %xor3A_346 : vector<16x2048xi32>
    %shift_left3A_348 = arith.constant 6 : i32
    %shift_left3A_349 = vector.broadcast %shift_left3A_348 : i32 to vector<16x2048xi32>
    %shift_left3A_350 = arith.shli %xor3A_346, %shift_left3A_349 : vector<16x2048xi32>
    %shift_right_logical3A_351 = arith.constant 26 : i32
    %shift_right_logical3A_352 = vector.broadcast %shift_right_logical3A_351 : i32 to vector<16x2048xi32>
    %shift_right_logical3A_353 = arith.shrui %xor3A_346, %shift_right_logical3A_352 : vector<16x2048xi32>
    %or3A_354 = arith.ori %shift_left3A_350, %shift_right_logical3A_353 : vector<16x2048xi32>
    %xor3A_355 = arith.xori %add3A_347, %or3A_354 : vector<16x2048xi32>
    %add3A_356 = arith.constant 64467757 : i32
    %add3A_357 = vector.broadcast %add3A_356 : i32 to vector<16x2048xi32>
    %add3A_358 = arith.addi %add3A_347, %add3A_357 : vector<16x2048xi32>
    %add3A_359 = arith.constant -1378843657 : i32
    %add3A_360 = vector.broadcast %add3A_359 : i32 to vector<16x2048xi32>
    %add3A_361 = arith.addi %xor3A_355, %add3A_360 : vector<16x2048xi32>
    %add3A_362 = arith.addi %add3A_358, %add3A_361 : vector<16x2048xi32>
    %shift_left3A_363 = arith.constant 17 : i32
    %shift_left3A_364 = vector.broadcast %shift_left3A_363 : i32 to vector<16x2048xi32>
    %shift_left3A_365 = arith.shli %add3A_361, %shift_left3A_364 : vector<16x2048xi32>
    %shift_right_logical3A_366 = arith.constant 15 : i32
    %shift_right_logical3A_367 = vector.broadcast %shift_right_logical3A_366 : i32 to vector<16x2048xi32>
    %shift_right_logical3A_368 = arith.shrui %add3A_361, %shift_right_logical3A_367 : vector<16x2048xi32>
    %or3A_369 = arith.ori %shift_left3A_365, %shift_right_logical3A_368 : vector<16x2048xi32>
    %xor3A_370 = arith.xori %add3A_362, %or3A_369 : vector<16x2048xi32>
    %add3A_371 = arith.addi %add3A_362, %xor3A_370 : vector<16x2048xi32>
    %shift_left3A_372 = arith.constant 29 : i32
    %shift_left3A_373 = vector.broadcast %shift_left3A_372 : i32 to vector<16x2048xi32>
    %shift_left3A_374 = arith.shli %xor3A_370, %shift_left3A_373 : vector<16x2048xi32>
    %shift_right_logical3A_375 = arith.constant 3 : i32
    %shift_right_logical3A_376 = vector.broadcast %shift_right_logical3A_375 : i32 to vector<16x2048xi32>
    %shift_right_logical3A_377 = arith.shrui %xor3A_370, %shift_right_logical3A_376 : vector<16x2048xi32>
    %or3A_378 = arith.ori %shift_left3A_374, %shift_right_logical3A_377 : vector<16x2048xi32>
    %xor3A_379 = arith.xori %add3A_371, %or3A_378 : vector<16x2048xi32>
    %add3A_380 = arith.addi %add3A_371, %xor3A_379 : vector<16x2048xi32>
    %shift_left3A_381 = arith.constant 16 : i32
    %shift_left3A_382 = vector.broadcast %shift_left3A_381 : i32 to vector<16x2048xi32>
    %shift_left3A_383 = arith.shli %xor3A_379, %shift_left3A_382 : vector<16x2048xi32>
    %shift_right_logical3A_384 = arith.constant 16 : i32
    %shift_right_logical3A_385 = vector.broadcast %shift_right_logical3A_384 : i32 to vector<16x2048xi32>
    %shift_right_logical3A_386 = arith.shrui %xor3A_379, %shift_right_logical3A_385 : vector<16x2048xi32>
    %or3A_387 = arith.ori %shift_left3A_383, %shift_right_logical3A_386 : vector<16x2048xi32>
    %xor3A_388 = arith.xori %add3A_380, %or3A_387 : vector<16x2048xi32>
    %add3A_389 = arith.addi %add3A_380, %xor3A_388 : vector<16x2048xi32>
    %shift_left3A_390 = arith.constant 24 : i32
    %shift_left3A_391 = vector.broadcast %shift_left3A_390 : i32 to vector<16x2048xi32>
    %shift_left3A_392 = arith.shli %xor3A_388, %shift_left3A_391 : vector<16x2048xi32>
    %shift_right_logical3A_393 = arith.constant 8 : i32
    %shift_right_logical3A_394 = vector.broadcast %shift_right_logical3A_393 : i32 to vector<16x2048xi32>
    %shift_right_logical3A_395 = arith.shrui %xor3A_388, %shift_right_logical3A_394 : vector<16x2048xi32>
    %or3A_396 = arith.ori %shift_left3A_392, %shift_right_logical3A_395 : vector<16x2048xi32>
    %xor3A_397 = arith.xori %add3A_389, %or3A_396 : vector<16x2048xi32>
    %add3A_398 = arith.constant -1378843660 : i32
    %add3A_399 = vector.broadcast %add3A_398 : i32 to vector<16x2048xi32>
    %add3A_400 = arith.addi %add3A_389, %add3A_399 : vector<16x2048xi32>
    %add3A_401 = arith.constant -1244255481 : i32
    %add3A_402 = vector.broadcast %add3A_401 : i32 to vector<16x2048xi32>
    %add3A_403 = arith.addi %xor3A_397, %add3A_402 : vector<16x2048xi32>
    %add3A_404 = arith.addi %add3A_400, %add3A_403 : vector<16x2048xi32>
    %shift_left3A_405 = arith.constant 13 : i32
    %shift_left3A_406 = vector.broadcast %shift_left3A_405 : i32 to vector<16x2048xi32>
    %shift_left3A_407 = arith.shli %add3A_403, %shift_left3A_406 : vector<16x2048xi32>
    %shift_right_logical3A_408 = arith.constant 19 : i32
    %shift_right_logical3A_409 = vector.broadcast %shift_right_logical3A_408 : i32 to vector<16x2048xi32>
    %shift_right_logical3A_410 = arith.shrui %add3A_403, %shift_right_logical3A_409 : vector<16x2048xi32>
    %or3A_411 = arith.ori %shift_left3A_407, %shift_right_logical3A_410 : vector<16x2048xi32>
    %xor3A_412 = arith.xori %add3A_404, %or3A_411 : vector<16x2048xi32>
    %add3A_413 = arith.addi %add3A_404, %xor3A_412 : vector<16x2048xi32>
    %shift_left3A_414 = arith.constant 15 : i32
    %shift_left3A_415 = vector.broadcast %shift_left3A_414 : i32 to vector<16x2048xi32>
    %shift_left3A_416 = arith.shli %xor3A_412, %shift_left3A_415 : vector<16x2048xi32>
    %shift_right_logical3A_417 = arith.constant 17 : i32
    %shift_right_logical3A_418 = vector.broadcast %shift_right_logical3A_417 : i32 to vector<16x2048xi32>
    %shift_right_logical3A_419 = arith.shrui %xor3A_412, %shift_right_logical3A_418 : vector<16x2048xi32>
    %or3A_420 = arith.ori %shift_left3A_416, %shift_right_logical3A_419 : vector<16x2048xi32>
    %xor3A_421 = arith.xori %add3A_413, %or3A_420 : vector<16x2048xi32>
    %add3A_422 = arith.addi %add3A_413, %xor3A_421 : vector<16x2048xi32>
    %shift_left3A_423 = arith.constant 26 : i32
    %shift_left3A_424 = vector.broadcast %shift_left3A_423 : i32 to vector<16x2048xi32>
    %shift_left3A_425 = arith.shli %xor3A_421, %shift_left3A_424 : vector<16x2048xi32>
    %shift_right_logical3A_426 = arith.constant 6 : i32
    %shift_right_logical3A_427 = vector.broadcast %shift_right_logical3A_426 : i32 to vector<16x2048xi32>
    %shift_right_logical3A_428 = arith.shrui %xor3A_421, %shift_right_logical3A_427 : vector<16x2048xi32>
    %or3A_429 = arith.ori %shift_left3A_425, %shift_right_logical3A_428 : vector<16x2048xi32>
    %xor3A_430 = arith.xori %add3A_422, %or3A_429 : vector<16x2048xi32>
    %add3A_431 = arith.addi %add3A_422, %xor3A_430 : vector<16x2048xi32>
    %shift_left3A_432 = arith.constant 6 : i32
    %shift_left3A_433 = vector.broadcast %shift_left3A_432 : i32 to vector<16x2048xi32>
    %shift_left3A_434 = arith.shli %xor3A_430, %shift_left3A_433 : vector<16x2048xi32>
    %shift_right_logical3A_435 = arith.constant 26 : i32
    %shift_right_logical3A_436 = vector.broadcast %shift_right_logical3A_435 : i32 to vector<16x2048xi32>
    %shift_right_logical3A_437 = arith.shrui %xor3A_430, %shift_right_logical3A_436 : vector<16x2048xi32>
    %or3A_438 = arith.ori %shift_left3A_434, %shift_right_logical3A_437 : vector<16x2048xi32>
    %xor3A_439 = arith.xori %add3A_431, %or3A_438 : vector<16x2048xi32>
    %add3A_440 = arith.constant -1244255485 : i32
    %add3A_441 = vector.broadcast %add3A_440 : i32 to vector<16x2048xi32>
    %add3A_442 = arith.addi %add3A_431, %add3A_441 : vector<16x2048xi32>
    %add3A_443 = arith.constant 64467762 : i32
    %add3A_444 = vector.broadcast %add3A_443 : i32 to vector<16x2048xi32>
    %add3A_445 = arith.addi %xor3A_439, %add3A_444 : vector<16x2048xi32>
    %xor3A_446 = arith.xori %add3A_442, %add3A_445 : vector<16x2048xi32>
    %lt3A_447 = arith.constant -858993152 : i32
    %lt3A_448 = vector.broadcast %lt3A_447 : i32 to vector<16x2048xi32>
    %lt3A_449 = arith.cmpi ult, %xor3A_446, %lt3A_448 : vector<16x2048xi32>
    %and3A_450 = arith.andi %lt3A_449, %and3A : vector<16x2048xi1>
    %broadcast_in_dim3A_451 = arith.constant -1829035798 : i32
    %broadcast_in_dim3A_452 = vector.broadcast %broadcast_in_dim3A_451 : i32 to vector<16x2048xi32>
    %add3A_453 = arith.constant 255383827 : i32
    %add3A_454 = vector.broadcast %add3A_453 : i32 to vector<16x2048xi32>
    %add3A_455 = arith.addi %add3A_13, %add3A_454 : vector<16x2048xi32>
    %add3A_456 = arith.addi %broadcast_in_dim3A_452, %add3A_455 : vector<16x2048xi32>
    %shift_left3A_457 = arith.constant 13 : i32
    %shift_left3A_458 = vector.broadcast %shift_left3A_457 : i32 to vector<16x2048xi32>
    %shift_left3A_459 = arith.shli %add3A_455, %shift_left3A_458 : vector<16x2048xi32>
    %shift_right_logical3A_460 = arith.constant 19 : i32
    %shift_right_logical3A_461 = vector.broadcast %shift_right_logical3A_460 : i32 to vector<16x2048xi32>
    %shift_right_logical3A_462 = arith.shrui %add3A_455, %shift_right_logical3A_461 : vector<16x2048xi32>
    %or3A_463 = arith.ori %shift_left3A_459, %shift_right_logical3A_462 : vector<16x2048xi32>
    %xor3A_464 = arith.xori %add3A_456, %or3A_463 : vector<16x2048xi32>
    %add3A_465 = arith.addi %add3A_456, %xor3A_464 : vector<16x2048xi32>
    %shift_left3A_466 = arith.constant 15 : i32
    %shift_left3A_467 = vector.broadcast %shift_left3A_466 : i32 to vector<16x2048xi32>
    %shift_left3A_468 = arith.shli %xor3A_464, %shift_left3A_467 : vector<16x2048xi32>
    %shift_right_logical3A_469 = arith.constant 17 : i32
    %shift_right_logical3A_470 = vector.broadcast %shift_right_logical3A_469 : i32 to vector<16x2048xi32>
    %shift_right_logical3A_471 = arith.shrui %xor3A_464, %shift_right_logical3A_470 : vector<16x2048xi32>
    %or3A_472 = arith.ori %shift_left3A_468, %shift_right_logical3A_471 : vector<16x2048xi32>
    %xor3A_473 = arith.xori %add3A_465, %or3A_472 : vector<16x2048xi32>
    %add3A_474 = arith.addi %add3A_465, %xor3A_473 : vector<16x2048xi32>
    %shift_left3A_475 = arith.constant 26 : i32
    %shift_left3A_476 = vector.broadcast %shift_left3A_475 : i32 to vector<16x2048xi32>
    %shift_left3A_477 = arith.shli %xor3A_473, %shift_left3A_476 : vector<16x2048xi32>
    %shift_right_logical3A_478 = arith.constant 6 : i32
    %shift_right_logical3A_479 = vector.broadcast %shift_right_logical3A_478 : i32 to vector<16x2048xi32>
    %shift_right_logical3A_480 = arith.shrui %xor3A_473, %shift_right_logical3A_479 : vector<16x2048xi32>
    %or3A_481 = arith.ori %shift_left3A_477, %shift_right_logical3A_480 : vector<16x2048xi32>
    %xor3A_482 = arith.xori %add3A_474, %or3A_481 : vector<16x2048xi32>
    %add3A_483 = arith.addi %add3A_474, %xor3A_482 : vector<16x2048xi32>
    %shift_left3A_484 = arith.constant 6 : i32
    %shift_left3A_485 = vector.broadcast %shift_left3A_484 : i32 to vector<16x2048xi32>
    %shift_left3A_486 = arith.shli %xor3A_482, %shift_left3A_485 : vector<16x2048xi32>
    %shift_right_logical3A_487 = arith.constant 26 : i32
    %shift_right_logical3A_488 = vector.broadcast %shift_right_logical3A_487 : i32 to vector<16x2048xi32>
    %shift_right_logical3A_489 = arith.shrui %xor3A_482, %shift_right_logical3A_488 : vector<16x2048xi32>
    %or3A_490 = arith.ori %shift_left3A_486, %shift_right_logical3A_489 : vector<16x2048xi32>
    %xor3A_491 = arith.xori %add3A_483, %or3A_490 : vector<16x2048xi32>
    %add3A_492 = arith.constant 255383827 : i32
    %add3A_493 = vector.broadcast %add3A_492 : i32 to vector<16x2048xi32>
    %add3A_494 = arith.addi %add3A_483, %add3A_493 : vector<16x2048xi32>
    %add3A_495 = arith.constant -2045582812 : i32
    %add3A_496 = vector.broadcast %add3A_495 : i32 to vector<16x2048xi32>
    %add3A_497 = arith.addi %xor3A_491, %add3A_496 : vector<16x2048xi32>
    %add3A_498 = arith.addi %add3A_494, %add3A_497 : vector<16x2048xi32>
    %shift_left3A_499 = arith.constant 17 : i32
    %shift_left3A_500 = vector.broadcast %shift_left3A_499 : i32 to vector<16x2048xi32>
    %shift_left3A_501 = arith.shli %add3A_497, %shift_left3A_500 : vector<16x2048xi32>
    %shift_right_logical3A_502 = arith.constant 15 : i32
    %shift_right_logical3A_503 = vector.broadcast %shift_right_logical3A_502 : i32 to vector<16x2048xi32>
    %shift_right_logical3A_504 = arith.shrui %add3A_497, %shift_right_logical3A_503 : vector<16x2048xi32>
    %or3A_505 = arith.ori %shift_left3A_501, %shift_right_logical3A_504 : vector<16x2048xi32>
    %xor3A_506 = arith.xori %add3A_498, %or3A_505 : vector<16x2048xi32>
    %add3A_507 = arith.addi %add3A_498, %xor3A_506 : vector<16x2048xi32>
    %shift_left3A_508 = arith.constant 29 : i32
    %shift_left3A_509 = vector.broadcast %shift_left3A_508 : i32 to vector<16x2048xi32>
    %shift_left3A_510 = arith.shli %xor3A_506, %shift_left3A_509 : vector<16x2048xi32>
    %shift_right_logical3A_511 = arith.constant 3 : i32
    %shift_right_logical3A_512 = vector.broadcast %shift_right_logical3A_511 : i32 to vector<16x2048xi32>
    %shift_right_logical3A_513 = arith.shrui %xor3A_506, %shift_right_logical3A_512 : vector<16x2048xi32>
    %or3A_514 = arith.ori %shift_left3A_510, %shift_right_logical3A_513 : vector<16x2048xi32>
    %xor3A_515 = arith.xori %add3A_507, %or3A_514 : vector<16x2048xi32>
    %add3A_516 = arith.addi %add3A_507, %xor3A_515 : vector<16x2048xi32>
    %shift_left3A_517 = arith.constant 16 : i32
    %shift_left3A_518 = vector.broadcast %shift_left3A_517 : i32 to vector<16x2048xi32>
    %shift_left3A_519 = arith.shli %xor3A_515, %shift_left3A_518 : vector<16x2048xi32>
    %shift_right_logical3A_520 = arith.constant 16 : i32
    %shift_right_logical3A_521 = vector.broadcast %shift_right_logical3A_520 : i32 to vector<16x2048xi32>
    %shift_right_logical3A_522 = arith.shrui %xor3A_515, %shift_right_logical3A_521 : vector<16x2048xi32>
    %or3A_523 = arith.ori %shift_left3A_519, %shift_right_logical3A_522 : vector<16x2048xi32>
    %xor3A_524 = arith.xori %add3A_516, %or3A_523 : vector<16x2048xi32>
    %add3A_525 = arith.addi %add3A_516, %xor3A_524 : vector<16x2048xi32>
    %shift_left3A_526 = arith.constant 24 : i32
    %shift_left3A_527 = vector.broadcast %shift_left3A_526 : i32 to vector<16x2048xi32>
    %shift_left3A_528 = arith.shli %xor3A_524, %shift_left3A_527 : vector<16x2048xi32>
    %shift_right_logical3A_529 = arith.constant 8 : i32
    %shift_right_logical3A_530 = vector.broadcast %shift_right_logical3A_529 : i32 to vector<16x2048xi32>
    %shift_right_logical3A_531 = arith.shrui %xor3A_524, %shift_right_logical3A_530 : vector<16x2048xi32>
    %or3A_532 = arith.ori %shift_left3A_528, %shift_right_logical3A_531 : vector<16x2048xi32>
    %xor3A_533 = arith.xori %add3A_525, %or3A_532 : vector<16x2048xi32>
    %add3A_534 = arith.constant -2045582813 : i32
    %add3A_535 = vector.broadcast %add3A_534 : i32 to vector<16x2048xi32>
    %add3A_536 = arith.addi %add3A_525, %add3A_535 : vector<16x2048xi32>
    %add3A_537 = arith.constant -1829035796 : i32
    %add3A_538 = vector.broadcast %add3A_537 : i32 to vector<16x2048xi32>
    %add3A_539 = arith.addi %xor3A_533, %add3A_538 : vector<16x2048xi32>
    %add3A_540 = arith.addi %add3A_536, %add3A_539 : vector<16x2048xi32>
    %shift_left3A_541 = arith.constant 13 : i32
    %shift_left3A_542 = vector.broadcast %shift_left3A_541 : i32 to vector<16x2048xi32>
    %shift_left3A_543 = arith.shli %add3A_539, %shift_left3A_542 : vector<16x2048xi32>
    %shift_right_logical3A_544 = arith.constant 19 : i32
    %shift_right_logical3A_545 = vector.broadcast %shift_right_logical3A_544 : i32 to vector<16x2048xi32>
    %shift_right_logical3A_546 = arith.shrui %add3A_539, %shift_right_logical3A_545 : vector<16x2048xi32>
    %or3A_547 = arith.ori %shift_left3A_543, %shift_right_logical3A_546 : vector<16x2048xi32>
    %xor3A_548 = arith.xori %add3A_540, %or3A_547 : vector<16x2048xi32>
    %add3A_549 = arith.addi %add3A_540, %xor3A_548 : vector<16x2048xi32>
    %shift_left3A_550 = arith.constant 15 : i32
    %shift_left3A_551 = vector.broadcast %shift_left3A_550 : i32 to vector<16x2048xi32>
    %shift_left3A_552 = arith.shli %xor3A_548, %shift_left3A_551 : vector<16x2048xi32>
    %shift_right_logical3A_553 = arith.constant 17 : i32
    %shift_right_logical3A_554 = vector.broadcast %shift_right_logical3A_553 : i32 to vector<16x2048xi32>
    %shift_right_logical3A_555 = arith.shrui %xor3A_548, %shift_right_logical3A_554 : vector<16x2048xi32>
    %or3A_556 = arith.ori %shift_left3A_552, %shift_right_logical3A_555 : vector<16x2048xi32>
    %xor3A_557 = arith.xori %add3A_549, %or3A_556 : vector<16x2048xi32>
    %add3A_558 = arith.addi %add3A_549, %xor3A_557 : vector<16x2048xi32>
    %shift_left3A_559 = arith.constant 26 : i32
    %shift_left3A_560 = vector.broadcast %shift_left3A_559 : i32 to vector<16x2048xi32>
    %shift_left3A_561 = arith.shli %xor3A_557, %shift_left3A_560 : vector<16x2048xi32>
    %shift_right_logical3A_562 = arith.constant 6 : i32
    %shift_right_logical3A_563 = vector.broadcast %shift_right_logical3A_562 : i32 to vector<16x2048xi32>
    %shift_right_logical3A_564 = arith.shrui %xor3A_557, %shift_right_logical3A_563 : vector<16x2048xi32>
    %or3A_565 = arith.ori %shift_left3A_561, %shift_right_logical3A_564 : vector<16x2048xi32>
    %xor3A_566 = arith.xori %add3A_558, %or3A_565 : vector<16x2048xi32>
    %add3A_567 = arith.addi %add3A_558, %xor3A_566 : vector<16x2048xi32>
    %shift_left3A_568 = arith.constant 6 : i32
    %shift_left3A_569 = vector.broadcast %shift_left3A_568 : i32 to vector<16x2048xi32>
    %shift_left3A_570 = arith.shli %xor3A_566, %shift_left3A_569 : vector<16x2048xi32>
    %shift_right_logical3A_571 = arith.constant 26 : i32
    %shift_right_logical3A_572 = vector.broadcast %shift_right_logical3A_571 : i32 to vector<16x2048xi32>
    %shift_right_logical3A_573 = arith.shrui %xor3A_566, %shift_right_logical3A_572 : vector<16x2048xi32>
    %or3A_574 = arith.ori %shift_left3A_570, %shift_right_logical3A_573 : vector<16x2048xi32>
    %xor3A_575 = arith.xori %add3A_567, %or3A_574 : vector<16x2048xi32>
    %add3A_576 = arith.constant -1829035798 : i32
    %add3A_577 = vector.broadcast %add3A_576 : i32 to vector<16x2048xi32>
    %add3A_578 = arith.addi %add3A_567, %add3A_577 : vector<16x2048xi32>
    %add3A_579 = arith.constant 255383830 : i32
    %add3A_580 = vector.broadcast %add3A_579 : i32 to vector<16x2048xi32>
    %add3A_581 = arith.addi %xor3A_575, %add3A_580 : vector<16x2048xi32>
    %add3A_582 = arith.addi %add3A_578, %add3A_581 : vector<16x2048xi32>
    %shift_left3A_583 = arith.constant 17 : i32
    %shift_left3A_584 = vector.broadcast %shift_left3A_583 : i32 to vector<16x2048xi32>
    %shift_left3A_585 = arith.shli %add3A_581, %shift_left3A_584 : vector<16x2048xi32>
    %shift_right_logical3A_586 = arith.constant 15 : i32
    %shift_right_logical3A_587 = vector.broadcast %shift_right_logical3A_586 : i32 to vector<16x2048xi32>
    %shift_right_logical3A_588 = arith.shrui %add3A_581, %shift_right_logical3A_587 : vector<16x2048xi32>
    %or3A_589 = arith.ori %shift_left3A_585, %shift_right_logical3A_588 : vector<16x2048xi32>
    %xor3A_590 = arith.xori %add3A_582, %or3A_589 : vector<16x2048xi32>
    %add3A_591 = arith.addi %add3A_582, %xor3A_590 : vector<16x2048xi32>
    %shift_left3A_592 = arith.constant 29 : i32
    %shift_left3A_593 = vector.broadcast %shift_left3A_592 : i32 to vector<16x2048xi32>
    %shift_left3A_594 = arith.shli %xor3A_590, %shift_left3A_593 : vector<16x2048xi32>
    %shift_right_logical3A_595 = arith.constant 3 : i32
    %shift_right_logical3A_596 = vector.broadcast %shift_right_logical3A_595 : i32 to vector<16x2048xi32>
    %shift_right_logical3A_597 = arith.shrui %xor3A_590, %shift_right_logical3A_596 : vector<16x2048xi32>
    %or3A_598 = arith.ori %shift_left3A_594, %shift_right_logical3A_597 : vector<16x2048xi32>
    %xor3A_599 = arith.xori %add3A_591, %or3A_598 : vector<16x2048xi32>
    %add3A_600 = arith.addi %add3A_591, %xor3A_599 : vector<16x2048xi32>
    %shift_left3A_601 = arith.constant 16 : i32
    %shift_left3A_602 = vector.broadcast %shift_left3A_601 : i32 to vector<16x2048xi32>
    %shift_left3A_603 = arith.shli %xor3A_599, %shift_left3A_602 : vector<16x2048xi32>
    %shift_right_logical3A_604 = arith.constant 16 : i32
    %shift_right_logical3A_605 = vector.broadcast %shift_right_logical3A_604 : i32 to vector<16x2048xi32>
    %shift_right_logical3A_606 = arith.shrui %xor3A_599, %shift_right_logical3A_605 : vector<16x2048xi32>
    %or3A_607 = arith.ori %shift_left3A_603, %shift_right_logical3A_606 : vector<16x2048xi32>
    %xor3A_608 = arith.xori %add3A_600, %or3A_607 : vector<16x2048xi32>
    %add3A_609 = arith.addi %add3A_600, %xor3A_608 : vector<16x2048xi32>
    %shift_left3A_610 = arith.constant 24 : i32
    %shift_left3A_611 = vector.broadcast %shift_left3A_610 : i32 to vector<16x2048xi32>
    %shift_left3A_612 = arith.shli %xor3A_608, %shift_left3A_611 : vector<16x2048xi32>
    %shift_right_logical3A_613 = arith.constant 8 : i32
    %shift_right_logical3A_614 = vector.broadcast %shift_right_logical3A_613 : i32 to vector<16x2048xi32>
    %shift_right_logical3A_615 = arith.shrui %xor3A_608, %shift_right_logical3A_614 : vector<16x2048xi32>
    %or3A_616 = arith.ori %shift_left3A_612, %shift_right_logical3A_615 : vector<16x2048xi32>
    %xor3A_617 = arith.xori %add3A_609, %or3A_616 : vector<16x2048xi32>
    %add3A_618 = arith.constant 255383827 : i32
    %add3A_619 = vector.broadcast %add3A_618 : i32 to vector<16x2048xi32>
    %add3A_620 = arith.addi %add3A_609, %add3A_619 : vector<16x2048xi32>
    %add3A_621 = arith.constant -2045582809 : i32
    %add3A_622 = vector.broadcast %add3A_621 : i32 to vector<16x2048xi32>
    %add3A_623 = arith.addi %xor3A_617, %add3A_622 : vector<16x2048xi32>
    %add3A_624 = arith.addi %add3A_620, %add3A_623 : vector<16x2048xi32>
    %shift_left3A_625 = arith.constant 13 : i32
    %shift_left3A_626 = vector.broadcast %shift_left3A_625 : i32 to vector<16x2048xi32>
    %shift_left3A_627 = arith.shli %add3A_623, %shift_left3A_626 : vector<16x2048xi32>
    %shift_right_logical3A_628 = arith.constant 19 : i32
    %shift_right_logical3A_629 = vector.broadcast %shift_right_logical3A_628 : i32 to vector<16x2048xi32>
    %shift_right_logical3A_630 = arith.shrui %add3A_623, %shift_right_logical3A_629 : vector<16x2048xi32>
    %or3A_631 = arith.ori %shift_left3A_627, %shift_right_logical3A_630 : vector<16x2048xi32>
    %xor3A_632 = arith.xori %add3A_624, %or3A_631 : vector<16x2048xi32>
    %add3A_633 = arith.addi %add3A_624, %xor3A_632 : vector<16x2048xi32>
    %shift_left3A_634 = arith.constant 15 : i32
    %shift_left3A_635 = vector.broadcast %shift_left3A_634 : i32 to vector<16x2048xi32>
    %shift_left3A_636 = arith.shli %xor3A_632, %shift_left3A_635 : vector<16x2048xi32>
    %shift_right_logical3A_637 = arith.constant 17 : i32
    %shift_right_logical3A_638 = vector.broadcast %shift_right_logical3A_637 : i32 to vector<16x2048xi32>
    %shift_right_logical3A_639 = arith.shrui %xor3A_632, %shift_right_logical3A_638 : vector<16x2048xi32>
    %or3A_640 = arith.ori %shift_left3A_636, %shift_right_logical3A_639 : vector<16x2048xi32>
    %xor3A_641 = arith.xori %add3A_633, %or3A_640 : vector<16x2048xi32>
    %add3A_642 = arith.addi %add3A_633, %xor3A_641 : vector<16x2048xi32>
    %shift_left3A_643 = arith.constant 26 : i32
    %shift_left3A_644 = vector.broadcast %shift_left3A_643 : i32 to vector<16x2048xi32>
    %shift_left3A_645 = arith.shli %xor3A_641, %shift_left3A_644 : vector<16x2048xi32>
    %shift_right_logical3A_646 = arith.constant 6 : i32
    %shift_right_logical3A_647 = vector.broadcast %shift_right_logical3A_646 : i32 to vector<16x2048xi32>
    %shift_right_logical3A_648 = arith.shrui %xor3A_641, %shift_right_logical3A_647 : vector<16x2048xi32>
    %or3A_649 = arith.ori %shift_left3A_645, %shift_right_logical3A_648 : vector<16x2048xi32>
    %xor3A_650 = arith.xori %add3A_642, %or3A_649 : vector<16x2048xi32>
    %add3A_651 = arith.addi %add3A_642, %xor3A_650 : vector<16x2048xi32>
    %shift_left3A_652 = arith.constant 6 : i32
    %shift_left3A_653 = vector.broadcast %shift_left3A_652 : i32 to vector<16x2048xi32>
    %shift_left3A_654 = arith.shli %xor3A_650, %shift_left3A_653 : vector<16x2048xi32>
    %shift_right_logical3A_655 = arith.constant 26 : i32
    %shift_right_logical3A_656 = vector.broadcast %shift_right_logical3A_655 : i32 to vector<16x2048xi32>
    %shift_right_logical3A_657 = arith.shrui %xor3A_650, %shift_right_logical3A_656 : vector<16x2048xi32>
    %or3A_658 = arith.ori %shift_left3A_654, %shift_right_logical3A_657 : vector<16x2048xi32>
    %xor3A_659 = arith.xori %add3A_651, %or3A_658 : vector<16x2048xi32>
    %add3A_660 = arith.constant -2045582813 : i32
    %add3A_661 = vector.broadcast %add3A_660 : i32 to vector<16x2048xi32>
    %add3A_662 = arith.addi %add3A_651, %add3A_661 : vector<16x2048xi32>
    %add3A_663 = arith.constant -1829035793 : i32
    %add3A_664 = vector.broadcast %add3A_663 : i32 to vector<16x2048xi32>
    %add3A_665 = arith.addi %xor3A_659, %add3A_664 : vector<16x2048xi32>
    %xor3A_666 = arith.xori %add3A_662, %add3A_665 : vector<16x2048xi32>
    %lt3A_667 = arith.constant -2147483648 : i32
    %lt3A_668 = vector.broadcast %lt3A_667 : i32 to vector<16x2048xi32>
    %lt3A_669 = arith.cmpi ult, %xor3A_666, %lt3A_668 : vector<16x2048xi32>
    %and3A_670 = arith.andi %lt3A_669, %and3A : vector<16x2048xi1>
    %not3A_671 = arith.constant dense<true> : vector<16x2048xi1>
    %not3A_672 = arith.xori %and3A_450, %not3A_671 : vector<16x2048xi1>
    %and3A_673 = arith.andi %and3A_670, %not3A_672 : vector<16x2048xi1>
    %broadcast_in_dim3A_674 = arith.constant 1914800406 : i32
    %broadcast_in_dim3A_675 = vector.broadcast %broadcast_in_dim3A_674 : i32 to vector<16x2048xi32>
    %add3A_676 = arith.constant 1741898942 : i32
    %add3A_677 = vector.broadcast %add3A_676 : i32 to vector<16x2048xi32>
    %add3A_678 = arith.addi %add3A_13, %add3A_677 : vector<16x2048xi32>
    %add3A_679 = arith.addi %broadcast_in_dim3A_675, %add3A_678 : vector<16x2048xi32>
    %shift_left3A_680 = arith.constant 13 : i32
    %shift_left3A_681 = vector.broadcast %shift_left3A_680 : i32 to vector<16x2048xi32>
    %shift_left3A_682 = arith.shli %add3A_678, %shift_left3A_681 : vector<16x2048xi32>
    %shift_right_logical3A_683 = arith.constant 19 : i32
    %shift_right_logical3A_684 = vector.broadcast %shift_right_logical3A_683 : i32 to vector<16x2048xi32>
    %shift_right_logical3A_685 = arith.shrui %add3A_678, %shift_right_logical3A_684 : vector<16x2048xi32>
    %or3A_686 = arith.ori %shift_left3A_682, %shift_right_logical3A_685 : vector<16x2048xi32>
    %xor3A_687 = arith.xori %add3A_679, %or3A_686 : vector<16x2048xi32>
    %add3A_688 = arith.addi %add3A_679, %xor3A_687 : vector<16x2048xi32>
    %shift_left3A_689 = arith.constant 15 : i32
    %shift_left3A_690 = vector.broadcast %shift_left3A_689 : i32 to vector<16x2048xi32>
    %shift_left3A_691 = arith.shli %xor3A_687, %shift_left3A_690 : vector<16x2048xi32>
    %shift_right_logical3A_692 = arith.constant 17 : i32
    %shift_right_logical3A_693 = vector.broadcast %shift_right_logical3A_692 : i32 to vector<16x2048xi32>
    %shift_right_logical3A_694 = arith.shrui %xor3A_687, %shift_right_logical3A_693 : vector<16x2048xi32>
    %or3A_695 = arith.ori %shift_left3A_691, %shift_right_logical3A_694 : vector<16x2048xi32>
    %xor3A_696 = arith.xori %add3A_688, %or3A_695 : vector<16x2048xi32>
    %add3A_697 = arith.addi %add3A_688, %xor3A_696 : vector<16x2048xi32>
    %shift_left3A_698 = arith.constant 26 : i32
    %shift_left3A_699 = vector.broadcast %shift_left3A_698 : i32 to vector<16x2048xi32>
    %shift_left3A_700 = arith.shli %xor3A_696, %shift_left3A_699 : vector<16x2048xi32>
    %shift_right_logical3A_701 = arith.constant 6 : i32
    %shift_right_logical3A_702 = vector.broadcast %shift_right_logical3A_701 : i32 to vector<16x2048xi32>
    %shift_right_logical3A_703 = arith.shrui %xor3A_696, %shift_right_logical3A_702 : vector<16x2048xi32>
    %or3A_704 = arith.ori %shift_left3A_700, %shift_right_logical3A_703 : vector<16x2048xi32>
    %xor3A_705 = arith.xori %add3A_697, %or3A_704 : vector<16x2048xi32>
    %add3A_706 = arith.addi %add3A_697, %xor3A_705 : vector<16x2048xi32>
    %shift_left3A_707 = arith.constant 6 : i32
    %shift_left3A_708 = vector.broadcast %shift_left3A_707 : i32 to vector<16x2048xi32>
    %shift_left3A_709 = arith.shli %xor3A_705, %shift_left3A_708 : vector<16x2048xi32>
    %shift_right_logical3A_710 = arith.constant 26 : i32
    %shift_right_logical3A_711 = vector.broadcast %shift_right_logical3A_710 : i32 to vector<16x2048xi32>
    %shift_right_logical3A_712 = arith.shrui %xor3A_705, %shift_right_logical3A_711 : vector<16x2048xi32>
    %or3A_713 = arith.ori %shift_left3A_709, %shift_right_logical3A_712 : vector<16x2048xi32>
    %xor3A_714 = arith.xori %add3A_706, %or3A_713 : vector<16x2048xi32>
    %add3A_715 = arith.constant 1741898942 : i32
    %add3A_716 = vector.broadcast %add3A_715 : i32 to vector<16x2048xi32>
    %add3A_717 = arith.addi %add3A_706, %add3A_716 : vector<16x2048xi32>
    %add3A_718 = arith.constant 237229683 : i32
    %add3A_719 = vector.broadcast %add3A_718 : i32 to vector<16x2048xi32>
    %add3A_720 = arith.addi %xor3A_714, %add3A_719 : vector<16x2048xi32>
    %add3A_721 = arith.addi %add3A_717, %add3A_720 : vector<16x2048xi32>
    %shift_left3A_722 = arith.constant 17 : i32
    %shift_left3A_723 = vector.broadcast %shift_left3A_722 : i32 to vector<16x2048xi32>
    %shift_left3A_724 = arith.shli %add3A_720, %shift_left3A_723 : vector<16x2048xi32>
    %shift_right_logical3A_725 = arith.constant 15 : i32
    %shift_right_logical3A_726 = vector.broadcast %shift_right_logical3A_725 : i32 to vector<16x2048xi32>
    %shift_right_logical3A_727 = arith.shrui %add3A_720, %shift_right_logical3A_726 : vector<16x2048xi32>
    %or3A_728 = arith.ori %shift_left3A_724, %shift_right_logical3A_727 : vector<16x2048xi32>
    %xor3A_729 = arith.xori %add3A_721, %or3A_728 : vector<16x2048xi32>
    %add3A_730 = arith.addi %add3A_721, %xor3A_729 : vector<16x2048xi32>
    %shift_left3A_731 = arith.constant 29 : i32
    %shift_left3A_732 = vector.broadcast %shift_left3A_731 : i32 to vector<16x2048xi32>
    %shift_left3A_733 = arith.shli %xor3A_729, %shift_left3A_732 : vector<16x2048xi32>
    %shift_right_logical3A_734 = arith.constant 3 : i32
    %shift_right_logical3A_735 = vector.broadcast %shift_right_logical3A_734 : i32 to vector<16x2048xi32>
    %shift_right_logical3A_736 = arith.shrui %xor3A_729, %shift_right_logical3A_735 : vector<16x2048xi32>
    %or3A_737 = arith.ori %shift_left3A_733, %shift_right_logical3A_736 : vector<16x2048xi32>
    %xor3A_738 = arith.xori %add3A_730, %or3A_737 : vector<16x2048xi32>
    %add3A_739 = arith.addi %add3A_730, %xor3A_738 : vector<16x2048xi32>
    %shift_left3A_740 = arith.constant 16 : i32
    %shift_left3A_741 = vector.broadcast %shift_left3A_740 : i32 to vector<16x2048xi32>
    %shift_left3A_742 = arith.shli %xor3A_738, %shift_left3A_741 : vector<16x2048xi32>
    %shift_right_logical3A_743 = arith.constant 16 : i32
    %shift_right_logical3A_744 = vector.broadcast %shift_right_logical3A_743 : i32 to vector<16x2048xi32>
    %shift_right_logical3A_745 = arith.shrui %xor3A_738, %shift_right_logical3A_744 : vector<16x2048xi32>
    %or3A_746 = arith.ori %shift_left3A_742, %shift_right_logical3A_745 : vector<16x2048xi32>
    %xor3A_747 = arith.xori %add3A_739, %or3A_746 : vector<16x2048xi32>
    %add3A_748 = arith.addi %add3A_739, %xor3A_747 : vector<16x2048xi32>
    %shift_left3A_749 = arith.constant 24 : i32
    %shift_left3A_750 = vector.broadcast %shift_left3A_749 : i32 to vector<16x2048xi32>
    %shift_left3A_751 = arith.shli %xor3A_747, %shift_left3A_750 : vector<16x2048xi32>
    %shift_right_logical3A_752 = arith.constant 8 : i32
    %shift_right_logical3A_753 = vector.broadcast %shift_right_logical3A_752 : i32 to vector<16x2048xi32>
    %shift_right_logical3A_754 = arith.shrui %xor3A_747, %shift_right_logical3A_753 : vector<16x2048xi32>
    %or3A_755 = arith.ori %shift_left3A_751, %shift_right_logical3A_754 : vector<16x2048xi32>
    %xor3A_756 = arith.xori %add3A_748, %or3A_755 : vector<16x2048xi32>
    %add3A_757 = arith.constant 237229682 : i32
    %add3A_758 = vector.broadcast %add3A_757 : i32 to vector<16x2048xi32>
    %add3A_759 = arith.addi %add3A_748, %add3A_758 : vector<16x2048xi32>
    %add3A_760 = arith.constant 1914800408 : i32
    %add3A_761 = vector.broadcast %add3A_760 : i32 to vector<16x2048xi32>
    %add3A_762 = arith.addi %xor3A_756, %add3A_761 : vector<16x2048xi32>
    %add3A_763 = arith.addi %add3A_759, %add3A_762 : vector<16x2048xi32>
    %shift_left3A_764 = arith.constant 13 : i32
    %shift_left3A_765 = vector.broadcast %shift_left3A_764 : i32 to vector<16x2048xi32>
    %shift_left3A_766 = arith.shli %add3A_762, %shift_left3A_765 : vector<16x2048xi32>
    %shift_right_logical3A_767 = arith.constant 19 : i32
    %shift_right_logical3A_768 = vector.broadcast %shift_right_logical3A_767 : i32 to vector<16x2048xi32>
    %shift_right_logical3A_769 = arith.shrui %add3A_762, %shift_right_logical3A_768 : vector<16x2048xi32>
    %or3A_770 = arith.ori %shift_left3A_766, %shift_right_logical3A_769 : vector<16x2048xi32>
    %xor3A_771 = arith.xori %add3A_763, %or3A_770 : vector<16x2048xi32>
    %add3A_772 = arith.addi %add3A_763, %xor3A_771 : vector<16x2048xi32>
    %shift_left3A_773 = arith.constant 15 : i32
    %shift_left3A_774 = vector.broadcast %shift_left3A_773 : i32 to vector<16x2048xi32>
    %shift_left3A_775 = arith.shli %xor3A_771, %shift_left3A_774 : vector<16x2048xi32>
    %shift_right_logical3A_776 = arith.constant 17 : i32
    %shift_right_logical3A_777 = vector.broadcast %shift_right_logical3A_776 : i32 to vector<16x2048xi32>
    %shift_right_logical3A_778 = arith.shrui %xor3A_771, %shift_right_logical3A_777 : vector<16x2048xi32>
    %or3A_779 = arith.ori %shift_left3A_775, %shift_right_logical3A_778 : vector<16x2048xi32>
    %xor3A_780 = arith.xori %add3A_772, %or3A_779 : vector<16x2048xi32>
    %add3A_781 = arith.addi %add3A_772, %xor3A_780 : vector<16x2048xi32>
    %shift_left3A_782 = arith.constant 26 : i32
    %shift_left3A_783 = vector.broadcast %shift_left3A_782 : i32 to vector<16x2048xi32>
    %shift_left3A_784 = arith.shli %xor3A_780, %shift_left3A_783 : vector<16x2048xi32>
    %shift_right_logical3A_785 = arith.constant 6 : i32
    %shift_right_logical3A_786 = vector.broadcast %shift_right_logical3A_785 : i32 to vector<16x2048xi32>
    %shift_right_logical3A_787 = arith.shrui %xor3A_780, %shift_right_logical3A_786 : vector<16x2048xi32>
    %or3A_788 = arith.ori %shift_left3A_784, %shift_right_logical3A_787 : vector<16x2048xi32>
    %xor3A_789 = arith.xori %add3A_781, %or3A_788 : vector<16x2048xi32>
    %add3A_790 = arith.addi %add3A_781, %xor3A_789 : vector<16x2048xi32>
    %shift_left3A_791 = arith.constant 6 : i32
    %shift_left3A_792 = vector.broadcast %shift_left3A_791 : i32 to vector<16x2048xi32>
    %shift_left3A_793 = arith.shli %xor3A_789, %shift_left3A_792 : vector<16x2048xi32>
    %shift_right_logical3A_794 = arith.constant 26 : i32
    %shift_right_logical3A_795 = vector.broadcast %shift_right_logical3A_794 : i32 to vector<16x2048xi32>
    %shift_right_logical3A_796 = arith.shrui %xor3A_789, %shift_right_logical3A_795 : vector<16x2048xi32>
    %or3A_797 = arith.ori %shift_left3A_793, %shift_right_logical3A_796 : vector<16x2048xi32>
    %xor3A_798 = arith.xori %add3A_790, %or3A_797 : vector<16x2048xi32>
    %add3A_799 = arith.constant 1914800406 : i32
    %add3A_800 = vector.broadcast %add3A_799 : i32 to vector<16x2048xi32>
    %add3A_801 = arith.addi %add3A_790, %add3A_800 : vector<16x2048xi32>
    %add3A_802 = arith.constant 1741898945 : i32
    %add3A_803 = vector.broadcast %add3A_802 : i32 to vector<16x2048xi32>
    %add3A_804 = arith.addi %xor3A_798, %add3A_803 : vector<16x2048xi32>
    %add3A_805 = arith.addi %add3A_801, %add3A_804 : vector<16x2048xi32>
    %shift_left3A_806 = arith.constant 17 : i32
    %shift_left3A_807 = vector.broadcast %shift_left3A_806 : i32 to vector<16x2048xi32>
    %shift_left3A_808 = arith.shli %add3A_804, %shift_left3A_807 : vector<16x2048xi32>
    %shift_right_logical3A_809 = arith.constant 15 : i32
    %shift_right_logical3A_810 = vector.broadcast %shift_right_logical3A_809 : i32 to vector<16x2048xi32>
    %shift_right_logical3A_811 = arith.shrui %add3A_804, %shift_right_logical3A_810 : vector<16x2048xi32>
    %or3A_812 = arith.ori %shift_left3A_808, %shift_right_logical3A_811 : vector<16x2048xi32>
    %xor3A_813 = arith.xori %add3A_805, %or3A_812 : vector<16x2048xi32>
    %add3A_814 = arith.addi %add3A_805, %xor3A_813 : vector<16x2048xi32>
    %shift_left3A_815 = arith.constant 29 : i32
    %shift_left3A_816 = vector.broadcast %shift_left3A_815 : i32 to vector<16x2048xi32>
    %shift_left3A_817 = arith.shli %xor3A_813, %shift_left3A_816 : vector<16x2048xi32>
    %shift_right_logical3A_818 = arith.constant 3 : i32
    %shift_right_logical3A_819 = vector.broadcast %shift_right_logical3A_818 : i32 to vector<16x2048xi32>
    %shift_right_logical3A_820 = arith.shrui %xor3A_813, %shift_right_logical3A_819 : vector<16x2048xi32>
    %or3A_821 = arith.ori %shift_left3A_817, %shift_right_logical3A_820 : vector<16x2048xi32>
    %xor3A_822 = arith.xori %add3A_814, %or3A_821 : vector<16x2048xi32>
    %add3A_823 = arith.addi %add3A_814, %xor3A_822 : vector<16x2048xi32>
    %shift_left3A_824 = arith.constant 16 : i32
    %shift_left3A_825 = vector.broadcast %shift_left3A_824 : i32 to vector<16x2048xi32>
    %shift_left3A_826 = arith.shli %xor3A_822, %shift_left3A_825 : vector<16x2048xi32>
    %shift_right_logical3A_827 = arith.constant 16 : i32
    %shift_right_logical3A_828 = vector.broadcast %shift_right_logical3A_827 : i32 to vector<16x2048xi32>
    %shift_right_logical3A_829 = arith.shrui %xor3A_822, %shift_right_logical3A_828 : vector<16x2048xi32>
    %or3A_830 = arith.ori %shift_left3A_826, %shift_right_logical3A_829 : vector<16x2048xi32>
    %xor3A_831 = arith.xori %add3A_823, %or3A_830 : vector<16x2048xi32>
    %add3A_832 = arith.addi %add3A_823, %xor3A_831 : vector<16x2048xi32>
    %shift_left3A_833 = arith.constant 24 : i32
    %shift_left3A_834 = vector.broadcast %shift_left3A_833 : i32 to vector<16x2048xi32>
    %shift_left3A_835 = arith.shli %xor3A_831, %shift_left3A_834 : vector<16x2048xi32>
    %shift_right_logical3A_836 = arith.constant 8 : i32
    %shift_right_logical3A_837 = vector.broadcast %shift_right_logical3A_836 : i32 to vector<16x2048xi32>
    %shift_right_logical3A_838 = arith.shrui %xor3A_831, %shift_right_logical3A_837 : vector<16x2048xi32>
    %or3A_839 = arith.ori %shift_left3A_835, %shift_right_logical3A_838 : vector<16x2048xi32>
    %xor3A_840 = arith.xori %add3A_832, %or3A_839 : vector<16x2048xi32>
    %add3A_841 = arith.constant 1741898942 : i32
    %add3A_842 = vector.broadcast %add3A_841 : i32 to vector<16x2048xi32>
    %add3A_843 = arith.addi %add3A_832, %add3A_842 : vector<16x2048xi32>
    %add3A_844 = arith.constant 237229686 : i32
    %add3A_845 = vector.broadcast %add3A_844 : i32 to vector<16x2048xi32>
    %add3A_846 = arith.addi %xor3A_840, %add3A_845 : vector<16x2048xi32>
    %add3A_847 = arith.addi %add3A_843, %add3A_846 : vector<16x2048xi32>
    %shift_left3A_848 = arith.constant 13 : i32
    %shift_left3A_849 = vector.broadcast %shift_left3A_848 : i32 to vector<16x2048xi32>
    %shift_left3A_850 = arith.shli %add3A_846, %shift_left3A_849 : vector<16x2048xi32>
    %shift_right_logical3A_851 = arith.constant 19 : i32
    %shift_right_logical3A_852 = vector.broadcast %shift_right_logical3A_851 : i32 to vector<16x2048xi32>
    %shift_right_logical3A_853 = arith.shrui %add3A_846, %shift_right_logical3A_852 : vector<16x2048xi32>
    %or3A_854 = arith.ori %shift_left3A_850, %shift_right_logical3A_853 : vector<16x2048xi32>
    %xor3A_855 = arith.xori %add3A_847, %or3A_854 : vector<16x2048xi32>
    %add3A_856 = arith.addi %add3A_847, %xor3A_855 : vector<16x2048xi32>
    %shift_left3A_857 = arith.constant 15 : i32
    %shift_left3A_858 = vector.broadcast %shift_left3A_857 : i32 to vector<16x2048xi32>
    %shift_left3A_859 = arith.shli %xor3A_855, %shift_left3A_858 : vector<16x2048xi32>
    %shift_right_logical3A_860 = arith.constant 17 : i32
    %shift_right_logical3A_861 = vector.broadcast %shift_right_logical3A_860 : i32 to vector<16x2048xi32>
    %shift_right_logical3A_862 = arith.shrui %xor3A_855, %shift_right_logical3A_861 : vector<16x2048xi32>
    %or3A_863 = arith.ori %shift_left3A_859, %shift_right_logical3A_862 : vector<16x2048xi32>
    %xor3A_864 = arith.xori %add3A_856, %or3A_863 : vector<16x2048xi32>
    %add3A_865 = arith.addi %add3A_856, %xor3A_864 : vector<16x2048xi32>
    %shift_left3A_866 = arith.constant 26 : i32
    %shift_left3A_867 = vector.broadcast %shift_left3A_866 : i32 to vector<16x2048xi32>
    %shift_left3A_868 = arith.shli %xor3A_864, %shift_left3A_867 : vector<16x2048xi32>
    %shift_right_logical3A_869 = arith.constant 6 : i32
    %shift_right_logical3A_870 = vector.broadcast %shift_right_logical3A_869 : i32 to vector<16x2048xi32>
    %shift_right_logical3A_871 = arith.shrui %xor3A_864, %shift_right_logical3A_870 : vector<16x2048xi32>
    %or3A_872 = arith.ori %shift_left3A_868, %shift_right_logical3A_871 : vector<16x2048xi32>
    %xor3A_873 = arith.xori %add3A_865, %or3A_872 : vector<16x2048xi32>
    %add3A_874 = arith.addi %add3A_865, %xor3A_873 : vector<16x2048xi32>
    %shift_left3A_875 = arith.constant 6 : i32
    %shift_left3A_876 = vector.broadcast %shift_left3A_875 : i32 to vector<16x2048xi32>
    %shift_left3A_877 = arith.shli %xor3A_873, %shift_left3A_876 : vector<16x2048xi32>
    %shift_right_logical3A_878 = arith.constant 26 : i32
    %shift_right_logical3A_879 = vector.broadcast %shift_right_logical3A_878 : i32 to vector<16x2048xi32>
    %shift_right_logical3A_880 = arith.shrui %xor3A_873, %shift_right_logical3A_879 : vector<16x2048xi32>
    %or3A_881 = arith.ori %shift_left3A_877, %shift_right_logical3A_880 : vector<16x2048xi32>
    %xor3A_882 = arith.xori %add3A_874, %or3A_881 : vector<16x2048xi32>
    %add3A_883 = arith.constant 237229682 : i32
    %add3A_884 = vector.broadcast %add3A_883 : i32 to vector<16x2048xi32>
    %add3A_885 = arith.addi %add3A_874, %add3A_884 : vector<16x2048xi32>
    %add3A_886 = arith.constant 1914800411 : i32
    %add3A_887 = vector.broadcast %add3A_886 : i32 to vector<16x2048xi32>
    %add3A_888 = arith.addi %xor3A_882, %add3A_887 : vector<16x2048xi32>
    %xor3A_889 = arith.xori %add3A_885, %add3A_888 : vector<16x2048xi32>
    %jit3A_890 = arith.constant 100000 : i32
    %eq3A = arith.constant 0 : i32
    %eq3A_891 = arith.cmpi eq, %jit3A_890, %eq3A : i32
    %jit3A_892 = arith.constant 1 : i32
    %select_n3A_893 = arith.select %eq3A_891, %jit3A_892, %jit3A_890 : i32
    %rem3A = vector.broadcast %select_n3A_893 : i32 to vector<16x2048xi32>
    %rem3A_894 = arith.remui %xor3A_889, %rem3A : vector<16x2048xi32>
    %ne3A = arith.constant 0 : i32
    %ne3A_895 = vector.broadcast %ne3A : i32 to vector<16x2048xi32>
    %ne3A_896 = arith.cmpi ne, %rem3A_894, %ne3A_895 : vector<16x2048xi32>
    %lt3A_897 = arith.constant 0 : i32
    %lt3A_898 = vector.broadcast %lt3A_897 : i32 to vector<16x2048xi32>
    %lt3A_899 = arith.cmpi ult, %rem3A_894, %lt3A_898 : vector<16x2048xi32>
    %lt3A_900 = arith.constant 0 : i32
    %lt3A_901 = arith.cmpi ult, %select_n3A_893, %lt3A_900 : i32
    %ne3A_902 = vector.broadcast %lt3A_901 : i1 to vector<16x2048xi1>
    %ne3A_903 = vector.broadcast %ne3A_902 : vector<16x2048xi1> to vector<16x2048xi1>
    %ne3A_904 = arith.xori %lt3A_899, %ne3A_903 : vector<16x2048xi1>
    %and3A_905 = arith.andi %ne3A_904, %ne3A_896 : vector<16x2048xi1>
    %add3A_906 = vector.broadcast %select_n3A_893 : i32 to vector<16x2048xi32>
    %add3A_907 = arith.addi %rem3A_894, %add3A_906 : vector<16x2048xi32>
    %select_n3A_908 = arith.select %and3A_905, %add3A_907, %rem3A_894 : vector<16x2048xi1>, vector<16x2048xi32>
    %jit3A_909 = arith.constant 4 : i32
    %broadcast_in_dim3A_910 = vector.broadcast %jit3A_909 : i32 to vector<16x2048xi32>
    %select_n3A_911 = arith.select %and3A_450, %broadcast_in_dim3A_910, %get3A_1 : vector<16x2048xi1>, vector<16x2048xi32>
    %select_n3A_912 = arith.select %and3A_673, %select_n3A_908, %select_n3A_911 : vector<16x2048xi1>, vector<16x2048xi32>
    %swap3A_913 = arith.constant 0 : index
    %swap3A_914 = arith.constant 0 : index
    %swap3A_915 = vector.load %arg3[%swap3A_913, %swap3A_914] : memref<16x2048xi32, #tpu.memory_space<vmem>>, vector<16x2048xi32>
    tpu.vector_store %arg3[%swap3A_913, %swap3A_914], %select_n3A_912 {strides = array<i32>} : memref<16x2048xi32, #tpu.memory_space<vmem>>, vector<16x2048xi32>,
    return
  }
  func.func @transform_0(%arg0: i32) -> (i32, i32) {
    %c0_i32 = arith.constant 0 : i32
    %c0_i32_0 = arith.constant 0 : i32
    return %arg0, %c0_i32 : i32, i32
  }
  func.func @transform_1(%arg0: i32) -> (i32, i32) {
    %c0_i32 = arith.constant 0 : i32
    %c0_i32_0 = arith.constant 0 : i32
    return %arg0, %c0_i32 : i32, i32
  }
  func.func @transform_2(%arg0: i32) -> (i32, i32) {
    %c0_i32 = arith.constant 0 : i32
    %c0_i32_0 = arith.constant 0 : i32
    return %arg0, %c0_i32 : i32, i32
  }
  func.func @transform_3(%arg0: i32) -> (i32, i32) {
    %c0_i32 = arith.constant 0 : i32
    %c0_i32_0 = arith.constant 0 : i32
    return %arg0, %c0_i32 : i32, i32
  }
}

</mosaic_0001>

<sc_bundles>
// kernel: kernel.4.cloned.1.call-start
scs
__scs_entry_jumppad:
0x0: {  	(pc) =	sbr.rel $0x88, $3  }
0x1: {  	(tag) =	ssettag $0x0;
	lr =	simm.s32 $0x1  }
0x2: {  	[smem:$0x3F9F] =	sst lr;
	_ =	strace $0xD0000000  }
0x3: {  	_ = 	snop  }
0x4: {  	_ = 	snop  }
0x5: {  	_ = 	snop  }
0x6: {  	_ = 	snop  }
0x7: {  	_ = 	snop  }
__scs_overlays_trampoline_lowered:
0x8: {  	[smem:$0x3FAE] =	sst s0  }
0x9: {  	[smem:$0x3FAF] =	sst s1  }
0xa: {  	[smem:$0x3FB0] =	sst s2  }
0xb: {  	[smem:$0x3FB1] =	sst s3  }
0xc: {  	[smem:$0x3FB2] =	sst s4  }
0xd: {  	[smem:$0x3FB3] =	sst s5  }
0xe: {  	[smem:$0x3FB4] =	sst s6  }
0xf: {  	[smem:$0x3FB5] =	sst s7  }
0x10: {  	[smem:$0x3FB6] =	sst s8  }
0x11: {  	[smem:$0x3FB7] =	sst s9;
	s0 =	simm.s32 @!p0 $0x0  }
0x12: {  	s1 =	sld [smem:$0x3F9D];
	s0 =	simm.s32 @p0 $0x1  }
0x13: {  	[smem:$0x3FB8] =	sst s0;
	s0 =	simm.s32 @!p1 $0x0  }
0x14: {  	s2 =	sld [smem:$0x3F9C];
	s0 =	simm.s32 @p1 $0x1  }
0x15: {  	[smem:$0x3FB9] =	sst s0;
	s0 =	simm.s32 @!p2 $0x0  }
0x16: {  	s3 =	sld [smem:$0x3FDB];
	s0 =	simm.s32 @p2 $0x1  }
0x17: {  	s4 =	simm.s32 $0x1BF5;
	[smem:$0x3FBB] =	sst s0  }
0x18: {  	s0 =	sld [smem:$0x3F9E];
	_ =	swait.ge [sflag:s4], $0x0  }
0x19: {  	s7 =	sld [smem:$0x3F9F]  }
0x1a: {  	s8 =	sadd.s32 $0xFFFFE003, lr  }
0x1b: {  	s9 =	sadd.s32 $0xFFFFFEF7, lr;
	s5 =	simm.s32 $0xFFFFFFFF;
	p2 =	slt.u32 s8, $0xFFFFF086  }
0x1c: {  	p1 =	slt.u32 s9, $0xF7A;
	s5 =	simm.s32 @!p2 $0x0  }
0x1d: {  	s5 =	simm.s32 @p1 $0x1;
	p0 =	seq.s32 s7, s2  }
0x1e: {  	s7 =	smul.u32 @!p0 $0xF7A, s2;
	p2 =	seq.s32 @!p0 s5, $0x0  }
0x1f: {  	s9 =	smul.u32 $0xF7A, s1;
	s8 =	simm.s32 @!p0 $0x1BF5;
	p2 =	por !p2, p0  }
0x20: {  	[sflag:s8] =	ssyncset.s32 @!p0 $0xFFFFF086;
	s6 =	sadd.s32 @!p0 s3, s7;
	s7 =	simm.s32 @!p0 $0x108  }
0x21: {  	s3 =	sadd.s32 s3, s9;
	s6 =	sadd.s32 @!p0 $0x88, s6;
	s7 =	simm.s32 @p2 $0x1082  }
0x22: {  	[simem:s7], [sflag:s8] =	dma.local @!p0 [hbm:s6], $0xF7A  }
0x23: {  	s9 =	sor.u32 $0xD0000000, s2;
	s6 =	simm.s32 $0x108;
	_ =	swait.ge @!p0 [sflag:s8], $0x0  }
0x24: {  	s3 =	sadd.s32 $0x88, s3;
	s6 =	simm.s32 @!p1 $0x1082;
	[sflag:s4] =	ssyncset.s32 $0xFFFFF086  }
0x25: {  	[simem:s6], [sflag:s4] =	dma.local [hbm:s3], $0xF7A  }
0x26: {  	[smem:$0x3F9F] =	sst s1;
	(tag) =	ssettag s2;
	_ =	strace s9  }
0x27: {  	s1 =	sld [smem:$0x3FAF]  }
0x28: {  	s2 =	sld [smem:$0x3FB0]  }
0x29: {  	s4 =	sld [smem:$0x3FB2]  }
0x2a: {  	p0 =	seq.s32 s5, $0x0;
	s5 =	sld [smem:$0x3FB3]  }
0x2b: {  	s6 =	sld [smem:$0x3FB4]  }
0x2c: {  	s7 =	sld [smem:$0x3FB5]  }
0x2d: {  	s3 =	simm.s32 $0x108;
	s8 =	sld [smem:$0x3FB6]  }
0x2e: {  	s3 =	simm.s32 @!p0 $0x1082;
	s9 =	sld [smem:$0x3FB7]  }
0x2f: {  	lr =	sadd.s32 s0, s3;
	s0 =	sld [smem:$0x3FAE]  }
0x30: {  	s3 =	sld [smem:$0x3FB1]  }
0x31: {  	[smem:$0x3FBA] =	sst s10  }
0x32: {  	s10 =	sld [smem:$0x3FB8];
	_ =	sdelay $0x3  }
0x33: {  	p0 =	seq.s32 s10, $0x1;
	s10 =	sld [smem:$0x3FBA];
	_ =	sdelay $0x3  }
0x34: {  	[smem:$0x3FBA] =	sst s10  }
0x35: {  	s10 =	sld [smem:$0x3FB9];
	_ =	sdelay $0x3  }
0x36: {  	p1 =	seq.s32 s10, $0x1;
	s10 =	sld [smem:$0x3FBA];
	_ =	sdelay $0x3  }
0x37: {  	[smem:$0x3FBA] =	sst s10  }
0x38: {  	s10 =	sld [smem:$0x3FBB]  }
0x39: {  	_ = 	snop;
	(pc) =	sbr.ind lr, $3  }
0x3a: {  	_ = 	snop  }
0x3b: {  	_ = 	snop  }
0x3c: {  	p2 =	seq.s32 s10, $0x1;
	s10 =	sld [smem:$0x3FBA]  }
0x3d: {  	_ =	shalt  }
0x3e: {  	_ =	shalt  }
0x3f: {  	_ =	shalt  }
0x40: {  	_ =	shalt  }
0x41: {  	_ =	shalt  }
0x42: {  	_ =	shalt  }
0x43: {  	_ =	shalt  }
0x44: {  	_ =	shalt  }
0x45: {  	_ =	shalt  }
0x46: {  	_ =	shalt  }
0x47: {  	_ =	shalt  }
0x48: {  	_ =	shalt  }
0x49: {  	_ =	shalt  }
0x4a: {  	_ =	shalt  }
0x4b: {  	_ =	shalt  }
0x4c: {  	_ =	shalt  }
0x4d: {  	_ =	shalt  }
0x4e: {  	_ =	shalt  }
0x4f: {  	_ =	shalt  }
0x50: {  	_ =	shalt  }
0x51: {  	_ =	shalt  }
0x52: {  	_ =	shalt  }
0x53: {  	_ =	shalt  }
0x54: {  	_ =	shalt  }
0x55: {  	_ =	shalt  }
0x56: {  	_ =	shalt  }
0x57: {  	_ =	shalt  }
0x58: {  	_ =	shalt  }
0x59: {  	_ =	shalt  }
0x5a: {  	_ =	shalt  }
0x5b: {  	_ =	shalt  }
0x5c: {  	_ =	shalt  }
0x5d: {  	_ =	shalt  }
0x5e: {  	_ =	shalt  }
0x5f: {  	_ =	shalt  }
0x60: {  	_ =	shalt  }
0x61: {  	_ =	shalt  }
0x62: {  	_ =	shalt  }
0x63: {  	_ =	shalt  }
0x64: {  	_ =	shalt  }
0x65: {  	_ =	shalt  }
0x66: {  	_ =	shalt  }
0x67: {  	_ =	shalt  }
0x68: {  	_ =	shalt  }
0x69: {  	_ =	shalt  }
0x6a: {  	_ =	shalt  }
0x6b: {  	_ =	shalt  }
0x6c: {  	_ =	shalt  }
0x6d: {  	_ =	shalt  }
0x6e: {  	_ =	shalt  }
0x6f: {  	_ =	shalt  }
0x70: {  	_ =	shalt  }
0x71: {  	_ =	shalt  }
0x72: {  	_ =	shalt  }
0x73: {  	_ =	shalt  }
0x74: {  	_ =	shalt  }
0x75: {  	_ =	shalt  }
0x76: {  	_ =	shalt  }
0x77: {  	_ =	shalt  }
0x78: {  	_ =	shalt  }
0x79: {  	_ =	shalt  }
0x7a: {  	_ =	shalt  }
0x7b: {  	_ =	shalt  }
0x7c: {  	_ =	shalt  }
0x7d: {  	_ =	shalt  }
0x7e: {  	_ =	shalt  }
0x7f: {  	_ =	shalt  }
0x80: {  	_ =	shalt  }
0x81: {  	_ =	shalt  }
0x82: {  	_ =	shalt  }
0x83: {  	_ =	shalt  }
0x84: {  	_ =	shalt  }
0x85: {  	_ =	shalt  }
0x86: {  	_ =	shalt  }
0x87: {  	_ =	shalt  }
.Lfunc_end0:
.L_simem_size_0:
called_computation_lowered:
.L_overlay_start_0:
0x88: {  	s0 =	sld [smem:$0x3FD9]  }
0x89: {  	s1 =	sld [smem:$0x3FFE];
	_ =	sdelay $0x3  }
0x8a: {  	s0 =	sadd.s32 s1, s0  }
0x8b: {  	[smem:$0x3FC6] =	sst s0  }
0x8c: {  	_ = 	snop  }
0x8d: {  	s0 =	sld [smem:$0x3FD0];
	_ =	sdelay $0x2  }
0x8e: {  	s13 =	simm.s32 $0xA;
	s2 =	simm.s32 $0x10  }
0x8f: {  	[smem:s2], [sflag:s13] =	dma.local [hbm:s0], $0x1  }
0x90: {  	_ =	swait.eq [sflag:s13], $0x1  }
0x91: {  	[sflag:s13] =	ssyncset.done $0x0  }
0x92: {  	s14 =	sld [smem:$0x10];
	[sflag:s13] =	ssyncadd.s32 $0xFFFFFFFF  }
0x93: {  	s15 =	sld [smem:$0x11];
	(tm) =	ssettm $0x1  }
0x94: {  	s16 =	sld [smem:$0x3FFB];
	_ =	sdelay $0x3  }
0x95: {  	_ =	strace s16  }
0x96: {  	s2 =	sld [smem:$0x3FFC];
	_ =	sdelay $0x3  }
0x97: {  	_ =	strace s2  }
0x98: {  	s2 =	sld [smem:$0x3FFD];
	_ =	sdelay $0x3  }
0x99: {  	_ =	strace s2  }
0x9a: {  	_ =	strace $0x8FFFFFFF  }
0x9b: {  	s17 =	sld [smem:$0x3FDB];
	_ =	sdelay $0x1  }
0x9c: {  	s3 =	simm.s32 $_scs_section_size  }
0x9d: {  	s4 =	simm.s32 $_size__tile_overlayer_lowered;
	s5 =	simm.s32 $_tile_overlayer_lowered  }
0x9e: {  	s20 =	simm.s32 $0x1BFF;
	s19 =	sshll.u32 s5, $0x1;
	s2 =	sadd.s32 s3, s17  }
0x9f: {  	s6 =	simm.s32 $0x0;
	s18 =	sshll.u32 s4, $0x1;
	s4 =	sadd.s32 s19, s2  }
0xa0: {  	[timem:s6], [sflag:s20] =	dma.local [hbm:s4], s18  }
0xa1: {  	_ =	swait.ge [sflag:s20], s18  }
0xa2: {  	s3 =	ssub.s32 $0x0, s18;
	[sflag:s20] =	ssyncset.done $0x0  }
0xa3: {  	[sflag:s20] =	ssyncadd.s32 s3;
	_ =	sdelay $0x1  }
0xa4: {  	s21 =	simm.s32 $0x1B8B  }
0xa5: {  	_ =	swait.ge [sflag:s21], $0x1  }
0xa6: {  	[sflag:s21] =	ssyncset.done $0x0  }
0xa7: {  	s23 =	simm.s32 $0x1B8E;
	s22 =	sld [smem:$0x3FFE];
	[sflag:s21] =	ssyncadd.s32 $0xFFFFFFFF  }
0xa8: {  	s24 =	simm.s32 $execute0_lowered;
	[smem:$0x3FD2] =	sst s23  }
0xa9: {  	s4 =	sshll.u32 s24, $0x1;
	_ =	strace $0x80000046;
	[dreg:$0x1] =	wrdreg $0xFFFFFFFF  }
0xaa: {  	s25 =	simm.s32 $_size_execute0_lowered;
	s2 =	sadd.s32 s2, s4;
	[dreg:$0x0] =	wrdreg $0x0  }
0xab: {  	s4 =	sshll.u32 s25, $0x1;
	[dreg:$0x2] =	wrdreg s2  }
0xac: {  	[dreg:$0x3] =	wrdreg s4  }
0xad: {  	[dreg:$0x4] =	wrdreg $0xC0  }
0xae: {  	_ =	task [dreg:s6], $0x5FFFF  }
0xaf: {  	[dreg:$0x1] =	wrdreg $0xFFFFFFFF  }
0xb0: {  	[dreg:$0x0] =	wrdreg $0x60  }
0xb1: {  	[dreg:$0x2] =	wrdreg s15  }
0xb2: {  	[dreg:$0x3] =	wrdreg s14  }
0xb3: {  	[dreg:$0x4] =	wrdreg s22  }
0xb4: {  	[dreg:$0x5] =	wrdreg $0x9  }
0xb5: {  	_ =	task.clear_ibuf [dreg:s6], $0x6FFFF;
	_ =	strace $0x90000046  }
0xb6: {  	s26 =	simm.s32 $0x9;
	_ =	strace $0x80000048  }
0xb7: {  	_ =	swait.ge [sflag:s26], $0x1  }
0xb8: {  	[sflag:s26] =	ssyncadd.s32 $0xFFFFFFFF  }
0xb9: {  	_ =	strace $0x90000048  }
0xba: {  	_ =	sfence  }
0xbb: {  	s28 =	sld [smem:$0x0];
	_ =	sdelay $0x1  }
0xbc: {  	s29 =	srdreg.scid  }
0xbd: {  	s30 =	sshll.u32 s29, $0xD;
	s31 =	sshrl.u32 s29, $0x2  }
0xbe: {  	s1 =	sand.u32 $0x1, s29;
	s2 =	sand.u32 $0x4000, s30;
	s0 =	sadd.s32 s31, s28  }
0xbf: {  	s1 =	sor.u32 s2, s1;
	s0 =	sshll.u32 s0, $0x11  }
0xc0: {  	s0 =	sor.u32 s0, s1  }
0xc1: {  	s0 =	sadd.s32 $0x8F2B, s0  }
0xc2: {  	[sflag:s0] =	ssyncadd.remote.s32 $0x1  }
0xc3: {  	_ =	sfence.sel $0xFFFF  }
0xc4: {  	[dreg:$0x0] =	wrdreg $0xFFFFFFFF;
	(pc) =	sbr.abs _section_cstart, $3  }
0xc5: {  	[dreg:$0x1] =	wrdreg $0xFFFFFFFF  }
0xc6: {  	_ =	task.clear_ibuf [dreg:s6], $0x2FFFF;
	_ =	strace $0x9FFFFFFF  }
0xc7: {  	(tm) =	ssettm $0x7FFFFFFF  }
tec
execute0_lowered:
.L_overlay_start_1:
0x0: {  	(tag) =	ssettag $0x1  }
0x1: {  	s0 =	stileid.u32;
	v7 =	vlaneseq.u32  }
0x2: {  	s4 =	sshll.u32 s0, $0xB;
	v0 =	vadd.s32 $0x1022172D, v7  }
0x3: {  	s2 =	sshll.u32 s0, $0x7;
	v1 =	vadd.s32 $0x7D601BBC, v7;
	v2 =	vadd.s32 $0xADD083F4, v7;
	v3 =	vadd.s32 $0xB1A83721, v7  }
0x4: {  	v4 =	vadd.s32 $0xF38D913, v7;
	v5 =	vadd.s32 $0xA233F9FD, v7;
	s2 =	sor.u32 s2, s4;
	s4 =	sor.u32 $0x38000, s4  }
0x5: {  	v6 =	vadd.s32 $0x67D344BE, v7;
	v7 =	vadd.s32 $0xD9F4CDD4, v7;
	v8 =	vadd.s32 s4, v3  }
0x6: {  	v9 =	vadd.s32 s4, v5;
	v10 =	vadd.s32 s4, v1;
	v11 =	vadd.s32 s4, v2  }
0x7: {  	v12 =	vadd.s32 s4, v4;
	v13 =	vadd.s32 s4, v0;
	v14 =	vadd.s32 s4, v6  }
0x8: {  	v15 =	vadd.s32 s4, v7;
	v16 =	vshrl.u32 v11, $0x13;
	v11 =	vshll.u32 v11, $0xD  }
0x9: {  	v17 =	vshrl.u32 v12, $0x13;
	v18 =	vshrl.u32 v13, $0x13;
	v13 =	vshll.u32 v13, $0xD  }
0xa: {  	v12 =	vshll.u32 v12, $0xD;
	v11 =	vor.u32 v16, v11;
	v16 =	vshrl.u32 v14, $0x13  }
0xb: {  	v14 =	vshll.u32 v14, $0xD;
	v13 =	vor.u32 v18, v13;
	v12 =	vor.u32 v17, v12  }
0xc: {  	v14 =	vor.u32 v16, v14;
	v11 =	vxor.u32 v8, v11;
	v12 =	vxor.u32 v9, v12  }
0xd: {  	v13 =	vxor.u32 v10, v13;
	v8 =	vadd.s32 v8, v11;
	v9 =	vadd.s32 v9, v12  }
0xe: {  	v14 =	vxor.u32 v15, v14;
	v10 =	vadd.s32 v10, v13;
	v17 =	vshrl.u32 v11, $0x11  }
0xf: {  	v11 =	vshll.u32 v11, $0xF;
	v18 =	vshrl.u32 v13, $0x11;
	v19 =	vshrl.u32 v12, $0x11  }
0x10: {  	s3 =	rddreg [dreg:$0x0];
	v12 =	vshll.u32 v12, $0xF;
	v13 =	vshll.u32 v13, $0xF;
	v15 =	vadd.s32 v15, v14  }
0x11: {  	s5 =	rddreg [dreg:$0x1];
	v20 =	vshrl.u32 v14, $0x11;
	v11 =	vor.u32 v17, v11;
	v14 =	vshll.u32 v14, $0xF  }
0x12: {  	s6 =	rddreg [dreg:$0x2];
	v13 =	vor.u32 v18, v13;
	v12 =	vor.u32 v19, v12;
	v14 =	vor.u32 v20, v14  }
0x13: {  	s1 =	rddreg [dreg:$0x3];
	v13 =	vxor.u32 v13, v10;
	v11 =	vxor.u32 v11, v8;
	v12 =	vxor.u32 v12, v9  }
0x14: {  	s7 =	simm.s32 $0x0;
	s8 =	simm.s32 $0x80;
	s2 =	sand.u32 $0x4380, s2;
	v8 =	vadd.s32 v8, v11;
	v9 =	vadd.s32 v9, v12;
	v14 =	vxor.u32 v14, v15  }
0x15: {  	s9 =	simm.s32 $0x400;
	[smem:$0x7FF] =	sst s7;
	s2 =	sshrl.u32 s2, $0x3;
	v10 =	vadd.s32 v10, v13;
	v17 =	vshrl.u32 v13, $0x6;
	v18 =	vshrl.u32 v12, $0x6  }
0x16: {  	s30 =	simm.s32 $0x1;
	_ =	strace $0x80000047;
	s3 =	sadd.s32 s3, s2;
	v12 =	vshll.u32 v12, $0x1A;
	v13 =	vshll.u32 v13, $0x1A;
	v15 =	vadd.s32 v15, v14  }
0x17: {  	[tilespmem:s7], [sflag:$0x1] =	stream.strided.gather [hbm4b:s3+s8], $0x800, s9, s8, $0x38;
	v19 =	vshrl.u32 v14, $0x6;
	v14 =	vshll.u32 v14, $0x1A;
	v13 =	vor.u32 v17, v13;
	[tilespmem:$0x2000] =	vst v63  }
0x18: {  	_ =	swait.ge [sflag:s30], $0x800;
	v12 =	vor.u32 v18, v12;
	v14 =	vor.u32 v19, v14;
	v13 =	vxor.u32 v13, v10  }
0x19: {  	[sflag:s30] =	ssyncset.done $0x0;
	v12 =	vxor.u32 v12, v9;
	v14 =	vxor.u32 v14, v15;
	v10 =	vadd.s32 v10, v13  }
0x1a: {  	s31 =	simm.s32 $0x800;
	s5 =	sadd.s32 s5, s2;
	[sflag:s30] =	ssyncadd.s32 $0xFFFFF800;
	v9 =	vadd.s32 v9, v12;
	v17 =	vshrl.u32 v12, $0x1A;
	v18 =	vshrl.u32 v13, $0x1A  }
0x1b: {  	[tilespmem:s31], [sflag:$0x1] =	stream.strided.gather [hbm4b:s5+s8], $0x800, s9, s8, $0x38;
	v13 =	vshll.u32 v13, $0x6;
	v12 =	vshll.u32 v12, $0x6;
	v15 =	vadd.s32 v15, v14;
	[tilespmem:$0x2000] =	vst v63  }
0x1c: {  	_ =	swait.ge [sflag:s30], $0x800;
	v19 =	vshrl.u32 v14, $0x1A;
	v14 =	vshll.u32 v14, $0x6;
	v12 =	vor.u32 v17, v12  }
0x1d: {  	[sflag:s30] =	ssyncset.done $0x0;
	v13 =	vor.u32 v18, v13;
	v12 =	vxor.u32 v12, v9;
	v14 =	vor.u32 v19, v14  }
0x1e: {  	s3 =	simm.s32 $0x0;
	[sflag:s30] =	ssyncadd.s32 $0xFFFFF800;
	v13 =	vxor.u32 v13, v10;
	v14 =	vxor.u32 v14, v15;
	v12 =	vadd.s32 $0x8612E224, v12  }
0x1f: {  	v16 =	vld [tilespmem:s3+$0x800];
	v13 =	vadd.s32 $0x66CD0879, v13;
	v14 =	vadd.s32 $0xE23D673, v14;
	v9 =	vadd.s32 v12, v9  }
0x20: {  	v17 =	vshrl.u32 v12, $0xF;
	v12 =	vshll.u32 v12, $0x11;
	v10 =	vadd.s32 v13, v10  }
0x21: {  	v18 =	vshrl.u32 v13, $0xF;
	v13 =	vshll.u32 v13, $0x11;
	v15 =	vadd.s32 v14, v15  }
0x22: {  	v19 =	vshrl.u32 v14, $0xF;
	v14 =	vshll.u32 v14, $0x11;
	v9 =	vadd.s32 $0xF38D913, v9  }
0x23: {  	v10 =	vadd.s32 $0x1022172D, v10;
	v13 =	vor.u32 v18, v13;
	v12 =	vor.u32 v17, v12  }
0x24: {  	vm0 =	veq.s32 v16, $0x0;
	v16 =	vshrl.u32 v11, $0x6;
	v11 =	vshll.u32 v11, $0x1A  }
0x25: {  	v15 =	vadd.s32 $0x67D344BE, v15;
	v14 =	vor.u32 v19, v14;
	v13 =	vxor.u32 v13, v10  }
0x26: {  	v12 =	vxor.u32 v12, v9;
	v11 =	vor.u32 v16, v11;
	v14 =	vxor.u32 v14, v15  }
0x27: {  	v10 =	vadd.s32 v10, v13;
	v9 =	vadd.s32 v9, v12;
	v17 =	vshrl.u32 v12, $0x3  }
0x28: {  	v18 =	vshrl.u32 v13, $0x3;
	v13 =	vshll.u32 v13, $0x1D;
	v12 =	vshll.u32 v12, $0x1D  }
0x29: {  	v11 =	vxor.u32 v11, v8;
	v15 =	vadd.s32 v15, v14;
	v19 =	vshrl.u32 v14, $0x3  }
0x2a: {  	v14 =	vshll.u32 v14, $0x1D;
	v13 =	vor.u32 v18, v13;
	v12 =	vor.u32 v17, v12  }
0x2b: {  	v8 =	vadd.s32 v8, v11;
	v16 =	vshrl.u32 v11, $0x1A;
	v11 =	vshll.u32 v11, $0x6  }
0x2c: {  	v12 =	vxor.u32 v12, v9;
	v14 =	vor.u32 v19, v14;
	v13 =	vxor.u32 v13, v10  }
0x2d: {  	v11 =	vor.u32 v16, v11;
	v14 =	vxor.u32 v14, v15;
	v10 =	vadd.s32 v10, v13  }
0x2e: {  	v9 =	vadd.s32 v9, v12;
	v17 =	vshrl.u32 v12, $0x10;
	v12 =	vshll.u32 v12, $0x10  }
0x2f: {  	v18 =	vshrl.u32 v13, $0x10;
	v13 =	vshll.u32 v13, $0x10;
	v11 =	vxor.u32 v11, v8  }
0x30: {  	v15 =	vadd.s32 v15, v14;
	v13 =	vor.u32 v18, v13;
	v12 =	vor.u32 v17, v12  }
0x31: {  	v11 =	vadd.s32 $0xB5D62B04, v11;
	v13 =	vxor.u32 v13, v10;
	v12 =	vxor.u32 v12, v9  }
0x32: {  	v8 =	vadd.s32 v11, v8;
	v16 =	vshrl.u32 v11, $0xF;
	v11 =	vshll.u32 v11, $0x11  }
0x33: {  	v9 =	vadd.s32 v9, v12;
	v10 =	vadd.s32 v10, v13;
	v17 =	vshrl.u32 v13, $0x8  }
0x34: {  	v18 =	vshrl.u32 v12, $0x8;
	v12 =	vshll.u32 v12, $0x18;
	v13 =	vshll.u32 v13, $0x18  }
0x35: {  	v8 =	vadd.s32 $0xADD083F4, v8;
	v11 =	vor.u32 v16, v11;
	v13 =	vor.u32 v17, v13  }
0x36: {  	v12 =	vor.u32 v18, v12;
	v11 =	vxor.u32 v11, v8;
	v13 =	vxor.u32 v13, v10  }
0x37: {  	v12 =	vxor.u32 v12, v9;
	v8 =	vadd.s32 v8, v11;
	v16 =	vshrl.u32 v11, $0x3  }
0x38: {  	v11 =	vshll.u32 v11, $0x1D;
	v13 =	vadd.s32 $0x6D3E0491, v13;
	v12 =	vadd.s32 $0x92FB20EC, v12  }
0x39: {  	v11 =	vor.u32 v16, v11;
	v9 =	vadd.s32 v12, v9;
	v17 =	vshrl.u32 v12, $0x13  }
0x3a: {  	v10 =	vadd.s32 v13, v10;
	v18 =	vshrl.u32 v13, $0x13;
	v12 =	vshll.u32 v12, $0xD  }
0x3b: {  	v13 =	vshll.u32 v13, $0xD;
	v11 =	vxor.u32 v11, v8;
	v10 =	vadd.s32 $0x66CD0878, v10  }
0x3c: {  	v9 =	vadd.s32 $0x8612E223, v9;
	v12 =	vor.u32 v17, v12;
	v13 =	vor.u32 v18, v13  }
0x3d: {  	v8 =	vadd.s32 v8, v11;
	v16 =	vshrl.u32 v11, $0x10;
	v11 =	vshll.u32 v11, $0x10  }
0x3e: {  	v13 =	vxor.u32 v13, v10;
	v12 =	vxor.u32 v12, v9;
	v11 =	vor.u32 v16, v11  }
0x3f: {  	v16 =	vshrl.u32 v14, $0x10;
	v14 =	vshll.u32 v14, $0x10;
	v9 =	vadd.s32 v9, v12  }
0x40: {  	v10 =	vadd.s32 v10, v13;
	v17 =	vshrl.u32 v13, $0x11;
	v18 =	vshrl.u32 v12, $0x11  }
0x41: {  	v12 =	vshll.u32 v12, $0xF;
	v13 =	vshll.u32 v13, $0xF;
	v14 =	vor.u32 v16, v14  }
0x42: {  	v11 =	vxor.u32 v11, v8;
	v12 =	vor.u32 v18, v12;
	v13 =	vor.u32 v17, v13  }
0x43: {  	v8 =	vadd.s32 v8, v11;
	v14 =	vxor.u32 v14, v15;
	v16 =	vshrl.u32 v11, $0x8  }
0x44: {  	v11 =	vshll.u32 v11, $0x18;
	v13 =	vxor.u32 v13, v10;
	v12 =	vxor.u32 v12, v9  }
0x45: {  	v15 =	vadd.s32 v15, v14;
	v19 =	vshrl.u32 v14, $0x8;
	v11 =	vor.u32 v16, v11  }
0x46: {  	v14 =	vshll.u32 v14, $0x18;
	v10 =	vadd.s32 v10, v13;
	v9 =	vadd.s32 v9, v12  }
0x47: {  	v17 =	vshrl.u32 v12, $0x6;
	v18 =	vshrl.u32 v13, $0x6;
	v13 =	vshll.u32 v13, $0x1A  }
0x48: {  	v12 =	vshll.u32 v12, $0x1A;
	v11 =	vxor.u32 v11, v8;
	v14 =	vor.u32 v19, v14  }
0x49: {  	v13 =	vor.u32 v18, v13;
	v12 =	vor.u32 v17, v12;
	v14 =	vxor.u32 v14, v15  }
0x4a: {  	v11 =	vadd.s32 $0x3D7B32F, v11;
	v12 =	vxor.u32 v12, v9;
	v13 =	vxor.u32 v13, v10  }
0x4b: {  	v8 =	vadd.s32 v11, v8;
	v16 =	vshrl.u32 v11, $0x13;
	v14 =	vadd.s32 $0x72218918, v14  }
0x4c: {  	v11 =	vshll.u32 v11, $0xD;
	v10 =	vadd.s32 v10, v13;
	v9 =	vadd.s32 v9, v12  }
0x4d: {  	v17 =	vshrl.u32 v12, $0x1A;
	v12 =	vshll.u32 v12, $0x6;
	v18 =	vshrl.u32 v13, $0x1A  }
0x4e: {  	v13 =	vshll.u32 v13, $0x6;
	v15 =	vadd.s32 v14, v15;
	v19 =	vshrl.u32 v14, $0x13  }
0x4f: {  	v8 =	vadd.s32 $0xB5D62B03, v8;
	v11 =	vor.u32 v16, v11;
	v14 =	vshll.u32 v14, $0xD  }
0x50: {  	v13 =	vor.u32 v18, v13;
	v12 =	vor.u32 v17, v12;
	v15 =	vadd.s32 $0xE23D672, v15  }
0x51: {  	v14 =	vor.u32 v19, v14;
	v11 =	vxor.u32 v11, v8;
	v13 =	vxor.u32 v13, v10  }
0x52: {  	v12 =	vxor.u32 v12, v9;
	v8 =	vadd.s32 v8, v11;
	v14 =	vxor.u32 v14, v15  }
0x53: {  	v16 =	vshrl.u32 v11, $0x11;
	v11 =	vshll.u32 v11, $0xF;
	v12 =	vadd.s32 $0xF38D916, v12  }
0x54: {  	v13 =	vadd.s32 $0x10221730, v13;
	v15 =	vadd.s32 v15, v14;
	v19 =	vshrl.u32 v14, $0x11  }
0x55: {  	v11 =	vor.u32 v16, v11;
	v14 =	vshll.u32 v14, $0xF;
	v9 =	vadd.s32 v12, v9  }
0x56: {  	v10 =	vadd.s32 v13, v10;
	v17 =	vshrl.u32 v12, $0xF;
	v12 =	vshll.u32 v12, $0x11  }
0x57: {  	v18 =	vshrl.u32 v13, $0xF;
	v13 =	vshll.u32 v13, $0x11;
	v11 =	vxor.u32 v11, v8  }
0x58: {  	v14 =	vor.u32 v19, v14;
	v9 =	vadd.s32 $0x92FB20EA, v9;
	v12 =	vor.u32 v17, v12  }
0x59: {  	v10 =	vadd.s32 $0x6D3E048F, v10;
	v13 =	vor.u32 v18, v13;
	v14 =	vxor.u32 v14, v15  }
0x5a: {  	v8 =	vadd.s32 v8, v11;
	v16 =	vshrl.u32 v11, $0x6;
	v11 =	vshll.u32 v11, $0x1A  }
0x5b: {  	v12 =	vxor.u32 v12, v9;
	v13 =	vxor.u32 v13, v10;
	v15 =	vadd.s32 v15, v14  }
0x5c: {  	v19 =	vshrl.u32 v14, $0x6;
	v14 =	vshll.u32 v14, $0x1A;
	v11 =	vor.u32 v16, v11  }
0x5d: {  	v10 =	vadd.s32 v10, v13;
	v9 =	vadd.s32 v9, v12;
	v17 =	vshrl.u32 v12, $0x3  }
0x5e: {  	v12 =	vshll.u32 v12, $0x1D;
	v18 =	vshrl.u32 v13, $0x3;
	v13 =	vshll.u32 v13, $0x1D  }
0x5f: {  	v11 =	vxor.u32 v11, v8;
	v14 =	vor.u32 v19, v14;
	v13 =	vor.u32 v18, v13  }
0x60: {  	v12 =	vor.u32 v17, v12;
	v8 =	vadd.s32 v8, v11;
	v14 =	vxor.u32 v14, v15  }
0x61: {  	v16 =	vshrl.u32 v11, $0x1A;
	v11 =	vshll.u32 v11, $0x6;
	v13 =	vxor.u32 v13, v10  }
0x62: {  	v12 =	vxor.u32 v12, v9;
	v15 =	vadd.s32 v15, v14;
	v11 =	vor.u32 v16, v11  }
0x63: {  	v16 =	vshrl.u32 v14, $0x1A;
	v14 =	vshll.u32 v14, $0x6;
	v9 =	vadd.s32 v9, v12  }
0x64: {  	v10 =	vadd.s32 v10, v13;
	v17 =	vshrl.u32 v13, $0x10;
	v18 =	vshrl.u32 v12, $0x10  }
0x65: {  	v12 =	vshll.u32 v12, $0x10;
	v13 =	vshll.u32 v13, $0x10;
	v14 =	vor.u32 v16, v14  }
0x66: {  	v11 =	vxor.u32 v11, v8;
	v12 =	vor.u32 v18, v12;
	v13 =	vor.u32 v17, v13  }
0x67: {  	v11 =	vadd.s32 $0xADD083F7, v11;
	v14 =	vxor.u32 v14, v15;
	v13 =	vxor.u32 v13, v10  }
0x68: {  	v12 =	vxor.u32 v12, v9;
	v8 =	vadd.s32 v11, v8;
	v14 =	vadd.s32 $0x67D344C1, v14  }
0x69: {  	v16 =	vshrl.u32 v11, $0xF;
	v11 =	vshll.u32 v11, $0x11;
	v10 =	vadd.s32 v10, v13  }
0x6a: {  	v9 =	vadd.s32 v9, v12;
	v17 =	vshrl.u32 v12, $0x8;
	v18 =	vshrl.u32 v13, $0x8  }
0x6b: {  	v13 =	vshll.u32 v13, $0x18;
	v12 =	vshll.u32 v12, $0x18;
	v15 =	vadd.s32 v14, v15  }
0x6c: {  	v8 =	vadd.s32 $0x3D7B32D, v8;
	v19 =	vshrl.u32 v14, $0xF;
	v14 =	vshll.u32 v14, $0x11  }
0x6d: {  	v11 =	vor.u32 v16, v11;
	v13 =	vor.u32 v18, v13;
	v12 =	vor.u32 v17, v12  }
0x6e: {  	v15 =	vadd.s32 $0x72218916, v15;
	v11 =	vxor.u32 v11, v8;
	v14 =	vor.u32 v19, v14  }
0x6f: {  	v12 =	vxor.u32 v12, v9;
	v13 =	vxor.u32 v13, v10;
	v8 =	vadd.s32 v8, v11  }
0x70: {  	v14 =	vxor.u32 v14, v15;
	v16 =	vshrl.u32 v11, $0x3;
	v11 =	vshll.u32 v11, $0x1D  }
0x71: {  	v13 =	vadd.s32 $0x66CD087C, v13;
	v12 =	vadd.s32 $0x8612E227, v12;
	v15 =	vadd.s32 v15, v14  }
0x72: {  	v11 =	vor.u32 v16, v11;
	v16 =	vshrl.u32 v14, $0x3;
	v14 =	vshll.u32 v14, $0x1D  }
0x73: {  	v9 =	vadd.s32 v12, v9;
	v17 =	vshrl.u32 v12, $0x13;
	v12 =	vshll.u32 v12, $0xD  }
0x74: {  	v10 =	vadd.s32 v13, v10;
	v18 =	vshrl.u32 v13, $0x13;
	v13 =	vshll.u32 v13, $0xD  }
0x75: {  	v14 =	vor.u32 v16, v14;
	v11 =	vxor.u32 v11, v8;
	v9 =	vadd.s32 $0xF38D913, v9  }
0x76: {  	v10 =	vadd.s32 $0x1022172D, v10;
	v13 =	vor.u32 v18, v13;
	v12 =	vor.u32 v17, v12  }
0x77: {  	v8 =	vadd.s32 v8, v11;
	v14 =	vxor.u32 v14, v15;
	v16 =	vshrl.u32 v11, $0x10  }
0x78: {  	v11 =	vshll.u32 v11, $0x10;
	v13 =	vxor.u32 v13, v10;
	v12 =	vxor.u32 v12, v9  }
0x79: {  	v15 =	vadd.s32 v15, v14;
	v19 =	vshrl.u32 v14, $0x10;
	v11 =	vor.u32 v16, v11  }
0x7a: {  	v14 =	vshll.u32 v14, $0x10;
	v10 =	vadd.s32 v10, v13;
	v9 =	vadd.s32 v9, v12  }
0x7b: {  	v17 =	vshrl.u32 v12, $0x11;
	v18 =	vshrl.u32 v13, $0x11;
	v13 =	vshll.u32 v13, $0xF  }
0x7c: {  	v12 =	vshll.u32 v12, $0xF;
	v11 =	vxor.u32 v11, v8;
	v14 =	vor.u32 v19, v14  }
0x7d: {  	v13 =	vor.u32 v18, v13;
	v12 =	vor.u32 v17, v12;
	v14 =	vxor.u32 v14, v15  }
0x7e: {  	v8 =	vadd.s32 v8, v11;
	v16 =	vshrl.u32 v11, $0x8;
	v11 =	vshll.u32 v11, $0x18  }
0x7f: {  	v12 =	vxor.u32 v12, v9;
	v13 =	vxor.u32 v13, v10;
	v15 =	vadd.s32 v15, v14  }
0x80: {  	v19 =	vshrl.u32 v14, $0x8;
	v14 =	vshll.u32 v14, $0x18;
	v11 =	vor.u32 v16, v11  }
0x81: {  	v10 =	vadd.s32 v10, v13;
	v9 =	vadd.s32 v9, v12;
	v17 =	vshrl.u32 v12, $0x6  }
0x82: {  	v12 =	vshll.u32 v12, $0x1A;
	v18 =	vshrl.u32 v13, $0x6;
	v13 =	vshll.u32 v13, $0x1A  }
0x83: {  	v11 =	vxor.u32 v11, v8;
	v14 =	vor.u32 v19, v14;
	v13 =	vor.u32 v18, v13  }
0x84: {  	v12 =	vor.u32 v17, v12;
	v11 =	vadd.s32 $0xB5D62B07, v11;
	v14 =	vxor.u32 v14, v15  }
0x85: {  	v13 =	vxor.u32 v13, v10;
	v12 =	vxor.u32 v12, v9;
	v14 =	vadd.s32 $0xE23D676, v14  }
0x86: {  	v8 =	vadd.s32 v11, v8;
	v16 =	vshrl.u32 v11, $0x13;
	v11 =	vshll.u32 v11, $0xD  }
0x87: {  	v9 =	vadd.s32 v9, v12;
	v10 =	vadd.s32 v10, v13;
	v17 =	vshrl.u32 v13, $0x1A  }
0x88: {  	v18 =	vshrl.u32 v12, $0x1A;
	v12 =	vshll.u32 v12, $0x6;
	v13 =	vshll.u32 v13, $0x6  }
0x89: {  	v15 =	vadd.s32 v14, v15;
	v19 =	vshrl.u32 v14, $0x13;
	v14 =	vshll.u32 v14, $0xD  }
0x8a: {  	v8 =	vadd.s32 $0xADD083F4, v8;
	v11 =	vor.u32 v16, v11;
	v21 =	vadd.s32 $0x8612E223, v9  }
0x8b: {  	s5 =	sadd.s32 $0x10, s4;
	v22 =	vadd.s32 $0x66CD0878, v10;
	v13 =	vor.u32 v17, v13;
	v12 =	vor.u32 v18, v12  }
0x8c: {  	v17 =	vadd.s32 s5, v7;
	v11 =	vxor.u32 v11, v8;
	v15 =	vadd.s32 $0x67D344BE, v15  }
0x8d: {  	v14 =	vor.u32 v19, v14;
	v10 =	vxor.u32 v13, v10;
	v9 =	vxor.u32 v12, v9  }
0x8e: {  	v14 =	vxor.u32 v14, v15;
	v8 =	vadd.s32 v8, v11;
	v16 =	vshrl.u32 v11, $0x11  }
0x8f: {  	v11 =	vshll.u32 v11, $0xF;
	v9 =	vsub.s32 $0x6D04DF10, v9;
	v10 =	vadd.s32 $0x6D3E0494, v10  }
0x90: {  	v15 =	vadd.s32 v15, v14;
	v19 =	vshrl.u32 v14, $0x11;
	v14 =	vshll.u32 v14, $0xF  }
0x91: {  	v11 =	vor.u32 v16, v11;
	v10 =	vxor.u32 v22, v10;
	v9 =	vxor.u32 v21, v9  }
0x92: {  	v11 =	vxor.u32 v11, v8;
	v14 =	vor.u32 v19, v14;
	vm1 =	vlt.u32 v10, $0x26666800  }
0x93: {  	vm3 =	vlt.s32 v9, $0x0;
	v8 =	vadd.s32 v8, v11;
	v14 =	vxor.u32 v14, v15  }
0x94: {  	v16 =	vshrl.u32 v11, $0x6;
	v11 =	vshll.u32 v11, $0x1A;
	v15 =	vadd.s32 v15, v14  }
0x95: {  	v11 =	vor.u32 v16, v11;
	v16 =	vshrl.u32 v14, $0x6;
	v14 =	vshll.u32 v14, $0x1A  }
0x96: {  	vm1 =	vmand vm1, vm0;
	v14 =	vor.u32 v16, v14;
	v11 =	vxor.u32 v11, v8  }
0x97: {  	v8 =	vadd.s32 v8, v11;
	v14 =	vxor.u32 v14, v15;
	v16 =	vshrl.u32 v11, $0x1A  }
0x98: {  	v11 =	vshll.u32 v11, $0x6;
	v15 =	vadd.s32 v15, v14;
	v19 =	vshrl.u32 v14, $0x1A  }
0x99: {  	v50 =	vadd.s32 $0x35D62B03, v8;
	v14 =	vshll.u32 v14, $0x6;
	v11 =	vor.u32 v16, v11  }
0x9a: {  	v16 =	vadd.s32 s5, v6;
	v14 =	vor.u32 v19, v14;
	v8 =	vxor.u32 v11, v8  }
0x9b: {  	v11 =	vadd.s32 $0xE23D672, v15;
	v14 =	vxor.u32 v14, v15;
	v12 =	vadd.s32 $0x3D7B332, v8  }
0x9c: {  	v15 =	vadd.s32 s5, v0;
	v14 =	vadd.s32 $0x7221891B, v14;
	v12 =	vxor.u32 v12, v50  }
0x9d: {  	v8 =	vld [tilespmem:s3+$0x0];
	v51 =	vshrl.u32 v15, $0x13;
	v15 =	vshll.u32 v15, $0xD;
	v11 =	vxor.u32 v11, v14  }
0x9e: {  	vm2 =	vlt.s32 v12, $0x4CCCCE00;
	vm0 =	vgt.s32 v12, $0x4CCCCDFF;
	v12 =	vadd.s32 s5, v5  }
0x9f: {  	v14 =	vadd.s32 s5, v4;
	v13 =	vshrl.u32 v11, $0x5;
	vm0 =	vmand vm3, vm0  }
0xa0: {  	v19 =	vshrl.u32 v14, $0x13;
	v14 =	vshll.u32 v14, $0xD;
	v13 =	vmulhi.u32 $0xA7C5AC5, v13  }
0xa1: {  	vm2 =	vmand vm2, vm1;
	vm0 =	vmand vm0, vm1;
	v14 =	vor.u32 v19, v14  }
0xa2: {  	v10 =	vsel vm2, $0x4, v8;
	v14 =	vxor.u32 v12, v14;
	v9 =	vshrl.u32 v13, $0x7  }
0xa3: {  	v13 =	vadd.s32 s5, v2;
	v12 =	vadd.s32 v12, v14;
	v52 =	vshrl.u32 v14, $0x11  }
0xa4: {  	v14 =	vshll.u32 v14, $0xF;
	v18 =	vshrl.u32 v13, $0x13;
	v13 =	vshll.u32 v13, $0xD  }
0xa5: {  	v9 =	vmul.u32 $0x186A0, v9;
	v14 =	vor.u32 v52, v14;
	v13 =	vor.u32 v18, v13  }
0xa6: {  	v18 =	vshrl.u32 v16, $0x13;
	v16 =	vshll.u32 v16, $0xD;
	v14 =	vxor.u32 v14, v12  }
0xa7: {  	v9 =	vsub.s32 v11, v9;
	v11 =	vadd.s32 s5, v3;
	v12 =	vadd.s32 v12, v14  }
0xa8: {  	v9 =	vsel vm0, v9, v10;
	v10 =	vadd.s32 s5, v1;
	v13 =	vxor.u32 v11, v13  }
0xa9: {  	[tilespmem:s3+$0x1000] =	vst v9;
	v9 =	vor.u32 v51, v15;
	v15 =	vor.u32 v18, v16;
	v11 =	vadd.s32 v11, v13  }
0xaa: {  	v18 =	vshrl.u32 v13, $0x11;
	v13 =	vshll.u32 v13, $0xF;
	v9 =	vxor.u32 v10, v9  }
0xab: {  	v15 =	vxor.u32 v17, v15;
	v13 =	vor.u32 v18, v13;
	v10 =	vadd.s32 v10, v9  }
0xac: {  	v19 =	vshrl.u32 v9, $0x11;
	v9 =	vshll.u32 v9, $0xF;
	v17 =	vadd.s32 v17, v15  }
0xad: {  	s4 =	simm.s32 $0x10;
	v53 =	vshrl.u32 v15, $0x11;
	v15 =	vshll.u32 v15, $0xF;
	v13 =	vxor.u32 v13, v11  }
0xae: {  	v16 =	vld [tilespmem:s4+$0x800];
	v9 =	vor.u32 v19, v9;
	v15 =	vor.u32 v53, v15;
	v11 =	vadd.s32 v11, v13  }
0xaf: {  	v19 =	vshrl.u32 v14, $0x6;
	v14 =	vshll.u32 v14, $0x1A;
	v9 =	vxor.u32 v9, v10  }
0xb0: {  	v15 =	vxor.u32 v15, v17;
	v14 =	vor.u32 v19, v14;
	v10 =	vadd.s32 v10, v9  }
0xb1: {  	v18 =	vshrl.u32 v9, $0x6;
	v9 =	vshll.u32 v9, $0x1A;
	v17 =	vadd.s32 v17, v15  }
0xb2: {  	v54 =	vshrl.u32 v15, $0x6;
	v15 =	vshll.u32 v15, $0x1A;
	v14 =	vxor.u32 v14, v12  }
0xb3: {  	vm0 =	veq.s32 v16, $0x0;
	v16 =	vshrl.u32 v13, $0x6;
	v13 =	vshll.u32 v13, $0x1A  }
0xb4: {  	v9 =	vor.u32 v18, v9;
	v15 =	vor.u32 v54, v15;
	v12 =	vadd.s32 v12, v14  }
0xb5: {  	v18 =	vshrl.u32 v14, $0x1A;
	v14 =	vshll.u32 v14, $0x6;
	v13 =	vor.u32 v16, v13  }
0xb6: {  	v9 =	vxor.u32 v9, v10;
	v15 =	vxor.u32 v15, v17;
	v14 =	vor.u32 v18, v14  }
0xb7: {  	v13 =	vxor.u32 v13, v11;
	v10 =	vadd.s32 v10, v9;
	v19 =	vshrl.u32 v9, $0x1A  }
0xb8: {  	v9 =	vshll.u32 v9, $0x6;
	v17 =	vadd.s32 v17, v15;
	v55 =	vshrl.u32 v15, $0x1A  }
0xb9: {  	v15 =	vshll.u32 v15, $0x6;
	v14 =	vxor.u32 v14, v12;
	v11 =	vadd.s32 v11, v13  }
0xba: {  	v16 =	vshrl.u32 v13, $0x1A;
	v13 =	vshll.u32 v13, $0x6;
	v9 =	vor.u32 v19, v9  }
0xbb: {  	v15 =	vor.u32 v55, v15;
	v14 =	vadd.s32 $0x8612E224, v14;
	v13 =	vor.u32 v16, v13  }
0xbc: {  	v9 =	vxor.u32 v9, v10;
	v15 =	vxor.u32 v15, v17;
	v12 =	vadd.s32 v14, v12  }
0xbd: {  	v18 =	vshrl.u32 v14, $0xF;
	v14 =	vshll.u32 v14, $0x11;
	v13 =	vxor.u32 v13, v11  }
0xbe: {  	v9 =	vadd.s32 $0x66CD0879, v9;
	v15 =	vadd.s32 $0xE23D673, v15;
	v12 =	vadd.s32 $0xF38D913, v12  }
0xbf: {  	v14 =	vor.u32 v18, v14;
	v13 =	vadd.s32 $0xB5D62B04, v13;
	v10 =	vadd.s32 v9, v10  }
0xc0: {  	v19 =	vshrl.u32 v9, $0xF;
	v9 =	vshll.u32 v9, $0x11;
	v17 =	vadd.s32 v15, v17  }
0xc1: {  	v56 =	vshrl.u32 v15, $0xF;
	v15 =	vshll.u32 v15, $0x11;
	v14 =	vxor.u32 v14, v12  }
0xc2: {  	v11 =	vadd.s32 v13, v11;
	v16 =	vshrl.u32 v13, $0xF;
	v13 =	vshll.u32 v13, $0x11  }
0xc3: {  	v10 =	vadd.s32 $0x1022172D, v10;
	v9 =	vor.u32 v19, v9;
	v15 =	vor.u32 v56, v15  }
0xc4: {  	v12 =	vadd.s32 v12, v14;
	v18 =	vshrl.u32 v14, $0x3;
	v14 =	vshll.u32 v14, $0x1D  }
0xc5: {  	v11 =	vadd.s32 $0xADD083F4, v11;
	v13 =	vor.u32 v16, v13;
	v16 =	vadd.s32 $0x67D344BE, v17  }
0xc6: {  	v9 =	vxor.u32 v9, v10;
	v14 =	vor.u32 v18, v14;
	v13 =	vxor.u32 v13, v11  }
0xc7: {  	v15 =	vxor.u32 v15, v16;
	v10 =	vadd.s32 v10, v9;
	v19 =	vshrl.u32 v9, $0x3  }
0xc8: {  	v9 =	vshll.u32 v9, $0x1D;
	v14 =	vxor.u32 v14, v12;
	v11 =	vadd.s32 v11, v13  }
0xc9: {  	v17 =	vshrl.u32 v13, $0x3;
	v13 =	vshll.u32 v13, $0x1D;
	v16 =	vadd.s32 v16, v15  }
0xca: {  	v57 =	vshrl.u32 v15, $0x3;
	v15 =	vshll.u32 v15, $0x1D;
	v9 =	vor.u32 v19, v9  }
0xcb: {  	v12 =	vadd.s32 v12, v14;
	v18 =	vshrl.u32 v14, $0x10;
	v14 =	vshll.u32 v14, $0x10  }
0xcc: {  	v13 =	vor.u32 v17, v13;
	v15 =	vor.u32 v57, v15;
	v9 =	vxor.u32 v9, v10  }
0xcd: {  	v14 =	vor.u32 v18, v14;
	v13 =	vxor.u32 v13, v11;
	v15 =	vxor.u32 v15, v16  }
0xce: {  	v10 =	vadd.s32 v10, v9;
	v19 =	vshrl.u32 v9, $0x10;
	v9 =	vshll.u32 v9, $0x10  }
0xcf: {  	v14 =	vxor.u32 v14, v12;
	v11 =	vadd.s32 v11, v13;
	v17 =	vshrl.u32 v13, $0x10  }
0xd0: {  	v13 =	vshll.u32 v13, $0x10;
	v16 =	vadd.s32 v16, v15;
	v9 =	vor.u32 v19, v9  }
0xd1: {  	v12 =	vadd.s32 v12, v14;
	v19 =	vshrl.u32 v14, $0x8;
	v14 =	vshll.u32 v14, $0x18  }
0xd2: {  	v13 =	vor.u32 v17, v13;
	v17 =	vshrl.u32 v15, $0x10;
	v15 =	vshll.u32 v15, $0x10  }
0xd3: {  	v9 =	vxor.u32 v9, v10;
	v14 =	vor.u32 v19, v14;
	v15 =	vor.u32 v17, v15  }
0xd4: {  	v13 =	vxor.u32 v13, v11;
	v10 =	vadd.s32 v10, v9;
	v18 =	vshrl.u32 v9, $0x8  }
0xd5: {  	v9 =	vshll.u32 v9, $0x18;
	v14 =	vxor.u32 v14, v12;
	v11 =	vadd.s32 v11, v13  }
0xd6: {  	v15 =	vxor.u32 v15, v16;
	v17 =	vshrl.u32 v13, $0x8;
	v13 =	vshll.u32 v13, $0x18  }
0xd7: {  	v9 =	vor.u32 v18, v9;
	v14 =	vadd.s32 $0x92FB20EC, v14;
	v16 =	vadd.s32 v16, v15  }
0xd8: {  	v58 =	vshrl.u32 v15, $0x8;
	v13 =	vor.u32 v17, v13;
	v15 =	vshll.u32 v15, $0x18  }
0xd9: {  	v9 =	vxor.u32 v9, v10;
	v12 =	vadd.s32 v14, v12;
	v18 =	vshrl.u32 v14, $0x13  }
0xda: {  	v14 =	vshll.u32 v14, $0xD;
	v13 =	vxor.u32 v13, v11;
	v15 =	vor.u32 v58, v15  }
0xdb: {  	v9 =	vadd.s32 $0x6D3E0491, v9;
	v12 =	vadd.s32 $0x8612E223, v12;
	v14 =	vor.u32 v18, v14  }
0xdc: {  	v15 =	vxor.u32 v15, v16;
	v13 =	vadd.s32 $0x3D7B32F, v13;
	v10 =	vadd.s32 v9, v10  }
0xdd: {  	v19 =	vshrl.u32 v9, $0x13;
	v9 =	vshll.u32 v9, $0xD;
	v14 =	vxor.u32 v14, v12  }
0xde: {  	v11 =	vadd.s32 v13, v11;
	v17 =	vshrl.u32 v13, $0x13;
	v15 =	vadd.s32 $0x72218918, v15  }
0xdf: {  	v13 =	vshll.u32 v13, $0xD;
	v10 =	vadd.s32 $0x66CD0878, v10;
	v9 =	vor.u32 v19, v9  }
0xe0: {  	v12 =	vadd.s32 v12, v14;
	v19 =	vshrl.u32 v14, $0x11;
	v14 =	vshll.u32 v14, $0xF  }
0xe1: {  	v16 =	vadd.s32 v15, v16;
	v59 =	vshrl.u32 v15, $0x13;
	v11 =	vadd.s32 $0xB5D62B03, v11  }
0xe2: {  	v13 =	vor.u32 v17, v13;
	v15 =	vshll.u32 v15, $0xD;
	v9 =	vxor.u32 v9, v10  }
0xe3: {  	v14 =	vor.u32 v19, v14;
	v16 =	vadd.s32 $0xE23D672, v16;
	v15 =	vor.u32 v59, v15  }
0xe4: {  	v13 =	vxor.u32 v13, v11;
	v10 =	vadd.s32 v10, v9;
	v18 =	vshrl.u32 v9, $0x11  }
0xe5: {  	v9 =	vshll.u32 v9, $0xF;
	v14 =	vxor.u32 v14, v12;
	v11 =	vadd.s32 v11, v13  }
0xe6: {  	v15 =	vxor.u32 v15, v16;
	v17 =	vshrl.u32 v13, $0x11;
	v13 =	vshll.u32 v13, $0xF  }
0xe7: {  	v9 =	vor.u32 v18, v9;
	v19 =	vshrl.u32 v14, $0x6;
	v16 =	vadd.s32 v16, v15  }
0xe8: {  	v60 =	vshrl.u32 v15, $0x11;
	v13 =	vor.u32 v17, v13;
	v15 =	vshll.u32 v15, $0xF  }
0xe9: {  	v9 =	vxor.u32 v9, v10;
	v13 =	vxor.u32 v13, v11;
	v15 =	vor.u32 v60, v15  }
0xea: {  	v17 =	vadd.s32 v10, v9;
	v61 =	vshrl.u32 v9, $0x6;
	v9 =	vshll.u32 v9, $0x1A  }
0xeb: {  	v15 =	vxor.u32 v15, v16;
	v10 =	vadd.s32 v11, v13;
	v11 =	vadd.s32 v12, v14  }
0xec: {  	v18 =	vshrl.u32 v13, $0x6;
	v13 =	vshll.u32 v13, $0x1A;
	v14 =	vshll.u32 v14, $0x1A  }
0xed: {  	v9 =	vor.u32 v61, v9;
	v12 =	vadd.s32 v16, v15;
	v62 =	vshrl.u32 v15, $0x6  }
0xee: {  	v63 =	vshll.u32 v15, $0x1A;
	v13 =	vor.u32 v18, v13;
	v14 =	vor.u32 v19, v14  }
0xef: {  	v16 =	vxor.u32 v13, v10;
	v15 =	vxor.u32 v14, v11;
	v13 =	vor.u32 v62, v63  }
0xf0: {  	v14 =	vxor.u32 v9, v17;
	v10 =	vadd.s32 v10, v16;
	v13 =	vxor.u32 v13, v12  }
0xf1: {  	s7 =	sadd.s32 $0xC00, s6;
	s6 =	sadd.s32 $0x1C00, s6;
	s8 =	simm.s32 $0x80;
	v9 =	vadd.s32 v17, v14;
	v17 =	vshrl.u32 v16, $0x1A;
	v11 =	vadd.s32 v11, v15  }
.LBB2_1:
0xf2: {  	v16 =	vshll.u32 v16, $0x6  }
0xf3: {  	p0 =	sne.s32 s8, $0x1FC0;
	v18 =	vshrl.u32 v15, $0x1A;
	v15 =	vshll.u32 v15, $0x6;
	vm2 =	vmmov vm1  }
0xf4: {  	v19 =	vshrl.u32 v14, $0x1A;
	v14 =	vshll.u32 v14, $0x6;
	v12 =	vadd.s32 v12, v13  }
0xf5: {  	v16 =	vor.u32 v17, v16;
	v17 =	vshrl.u32 v13, $0x1A;
	v13 =	vshll.u32 v13, $0x6  }
0xf6: {  	v14 =	vor.u32 v19, v14;
	v15 =	vor.u32 v18, v15;
	v13 =	vor.u32 v17, v13  }
0xf7: {  	v14 =	vxor.u32 v14, v9;
	v16 =	vxor.u32 v16, v10;
	v15 =	vxor.u32 v15, v11  }
0xf8: {  	v16 =	vadd.s32 $0xADD083F7, v16;
	v15 =	vadd.s32 $0xF38D916, v15;
	v13 =	vxor.u32 v13, v12  }
0xf9: {  	v14 =	vadd.s32 $0x10221730, v14;
	v10 =	vadd.s32 v16, v10;
	v13 =	vadd.s32 $0x67D344C1, v13  }
0xfa: {  	v17 =	vshrl.u32 v16, $0xF;
	v16 =	vshll.u32 v16, $0x11;
	v11 =	vadd.s32 v15, v11  }
0xfb: {  	v9 =	vadd.s32 v14, v9;
	v18 =	vshrl.u32 v15, $0xF;
	v15 =	vshll.u32 v15, $0x11  }
0xfc: {  	v19 =	vshrl.u32 v14, $0xF;
	v14 =	vshll.u32 v14, $0x11;
	v12 =	vadd.s32 v13, v12  }
0xfd: {  	v10 =	vadd.s32 $0x3D7B32D, v10;
	v20 =	vshrl.u32 v13, $0xF;
	v13 =	vshll.u32 v13, $0x11  }
0xfe: {  	v16 =	vor.u32 v17, v16;
	v11 =	vadd.s32 $0x92FB20EA, v11;
	v15 =	vor.u32 v18, v15  }
0xff: {  	v9 =	vadd.s32 $0x6D3E048F, v9;
	v14 =	vor.u32 v19, v14;
	v12 =	vadd.s32 $0x72218916, v12  }
0x100: {  	v16 =	vxor.u32 v16, v10;
	v15 =	vxor.u32 v15, v11;
	v13 =	vor.u32 v20, v13  }
0x101: {  	v14 =	vxor.u32 v14, v9;
	v10 =	vadd.s32 v10, v16;
	v13 =	vxor.u32 v13, v12  }
0x102: {  	v9 =	vadd.s32 v9, v14;
	v17 =	vshrl.u32 v16, $0x3;
	v11 =	vadd.s32 v11, v15  }
0x103: {  	v16 =	vshll.u32 v16, $0x1D;
	v18 =	vshrl.u32 v15, $0x3;
	v15 =	vshll.u32 v15, $0x1D  }
0x104: {  	v19 =	vshrl.u32 v14, $0x3;
	v14 =	vshll.u32 v14, $0x1D;
	v12 =	vadd.s32 v12, v13  }
0x105: {  	v16 =	vor.u32 v17, v16;
	v17 =	vshrl.u32 v13, $0x3;
	v13 =	vshll.u32 v13, $0x1D  }
0x106: {  	v14 =	vor.u32 v19, v14;
	v15 =	vor.u32 v18, v15;
	v13 =	vor.u32 v17, v13  }
0x107: {  	v14 =	vxor.u32 v14, v9;
	v16 =	vxor.u32 v16, v10;
	v15 =	vxor.u32 v15, v11  }
0x108: {  	v10 =	vadd.s32 v10, v16;
	v11 =	vadd.s32 v11, v15;
	v13 =	vxor.u32 v13, v12  }
0x109: {  	v9 =	vadd.s32 v9, v14;
	v17 =	vshrl.u32 v16, $0x10;
	v16 =	vshll.u32 v16, $0x10  }
0x10a: {  	v18 =	vshrl.u32 v14, $0x10;
	v19 =	vshrl.u32 v15, $0x10;
	v15 =	vshll.u32 v15, $0x10  }
0x10b: {  	v14 =	vshll.u32 v14, $0x10;
	v12 =	vadd.s32 v12, v13;
	v20 =	vshrl.u32 v13, $0x10  }
0x10c: {  	v16 =	vor.u32 v17, v16;
	v15 =	vor.u32 v19, v15;
	v13 =	vshll.u32 v13, $0x10  }
0x10d: {  	v14 =	vor.u32 v18, v14;
	v16 =	vxor.u32 v16, v10;
	v13 =	vor.u32 v20, v13  }
0x10e: {  	v14 =	vxor.u32 v14, v9;
	v15 =	vxor.u32 v15, v11;
	v13 =	vxor.u32 v13, v12  }
0x10f: {  	v9 =	vadd.s32 v9, v14;
	v10 =	vadd.s32 v10, v16;
	v11 =	vadd.s32 v11, v15  }
0x110: {  	v17 =	vshrl.u32 v16, $0x8;
	v16 =	vshll.u32 v16, $0x18;
	v18 =	vshrl.u32 v15, $0x8  }
0x111: {  	v19 =	vshrl.u32 v14, $0x8;
	v14 =	vshll.u32 v14, $0x18;
	v15 =	vshll.u32 v15, $0x18  }
0x112: {  	v12 =	vadd.s32 v12, v13;
	v20 =	vshrl.u32 v13, $0x8;
	v13 =	vshll.u32 v13, $0x18  }
0x113: {  	v14 =	vor.u32 v19, v14;
	v16 =	vor.u32 v17, v16;
	v15 =	vor.u32 v18, v15  }
0x114: {  	v16 =	vxor.u32 v16, v10;
	v15 =	vxor.u32 v15, v11;
	v13 =	vor.u32 v20, v13  }
0x115: {  	v14 =	vxor.u32 v14, v9;
	v16 =	vadd.s32 $0xB5D62B07, v16;
	v13 =	vxor.u32 v13, v12  }
0x116: {  	v14 =	vadd.s32 $0x66CD087C, v14;
	v15 =	vadd.s32 $0x8612E227, v15;
	v13 =	vadd.s32 $0xE23D676, v13  }
0x117: {  	v10 =	vadd.s32 v16, v10;
	v17 =	vshrl.u32 v16, $0x13;
	v16 =	vshll.u32 v16, $0xD  }
0x118: {  	v11 =	vadd.s32 v15, v11;
	v18 =	vshrl.u32 v15, $0x13;
	v15 =	vshll.u32 v15, $0xD  }
0x119: {  	v9 =	vadd.s32 v14, v9;
	v19 =	vshrl.u32 v14, $0x13;
	v14 =	vshll.u32 v14, $0xD  }
0x11a: {  	v12 =	vadd.s32 v13, v12;
	v20 =	vshrl.u32 v13, $0x13;
	v13 =	vshll.u32 v13, $0xD  }
0x11b: {  	v10 =	vadd.s32 $0xADD083F4, v10;
	v16 =	vor.u32 v17, v16;
	v11 =	vadd.s32 $0xF38D913, v11  }
0x11c: {  	v9 =	vadd.s32 $0x1022172D, v9;
	v14 =	vor.u32 v19, v14;
	v15 =	vor.u32 v18, v15  }
0x11d: {  	v16 =	vxor.u32 v16, v10;
	v12 =	vadd.s32 $0x67D344BE, v12;
	v13 =	vor.u32 v20, v13  }
0x11e: {  	v14 =	vxor.u32 v14, v9;
	v15 =	vxor.u32 v15, v11;
	v13 =	vxor.u32 v13, v12  }
0x11f: {  	v9 =	vadd.s32 v9, v14;
	v10 =	vadd.s32 v10, v16;
	v11 =	vadd.s32 v11, v15  }
0x120: {  	v17 =	vshrl.u32 v16, $0x11;
	v16 =	vshll.u32 v16, $0xF;
	v18 =	vshrl.u32 v15, $0x11  }
0x121: {  	v19 =	vshrl.u32 v14, $0x11;
	v14 =	vshll.u32 v14, $0xF;
	v15 =	vshll.u32 v15, $0xF  }
0x122: {  	v12 =	vadd.s32 v12, v13;
	v20 =	vshrl.u32 v13, $0x11;
	v13 =	vshll.u32 v13, $0xF  }
0x123: {  	v14 =	vor.u32 v19, v14;
	v16 =	vor.u32 v17, v16;
	v15 =	vor.u32 v18, v15  }
0x124: {  	v16 =	vxor.u32 v16, v10;
	v15 =	vxor.u32 v15, v11;
	v13 =	vor.u32 v20, v13  }
0x125: {  	v14 =	vxor.u32 v14, v9;
	v10 =	vadd.s32 v10, v16;
	v13 =	vxor.u32 v13, v12  }
0x126: {  	v9 =	vadd.s32 v9, v14;
	v17 =	vshrl.u32 v16, $0x6;
	v11 =	vadd.s32 v11, v15  }
0x127: {  	v16 =	vshll.u32 v16, $0x1A;
	v18 =	vshrl.u32 v15, $0x6;
	v15 =	vshll.u32 v15, $0x1A  }
0x128: {  	v19 =	vshrl.u32 v14, $0x6;
	v14 =	vshll.u32 v14, $0x1A;
	v12 =	vadd.s32 v12, v13  }
0x129: {  	v16 =	vor.u32 v17, v16;
	v17 =	vshrl.u32 v13, $0x6;
	v13 =	vshll.u32 v13, $0x1A  }
0x12a: {  	v14 =	vor.u32 v19, v14;
	v15 =	vor.u32 v18, v15;
	v13 =	vor.u32 v17, v13  }
0x12b: {  	v14 =	vxor.u32 v14, v9;
	v16 =	vxor.u32 v16, v10;
	v15 =	vxor.u32 v15, v11  }
0x12c: {  	v10 =	vadd.s32 v10, v16;
	v11 =	vadd.s32 v11, v15;
	v13 =	vxor.u32 v13, v12  }
0x12d: {  	v9 =	vadd.s32 v9, v14;
	v17 =	vshrl.u32 v16, $0x1A;
	v16 =	vshll.u32 v16, $0x6  }
0x12e: {  	v18 =	vshrl.u32 v14, $0x1A;
	v19 =	vshrl.u32 v15, $0x1A;
	v15 =	vshll.u32 v15, $0x6  }
0x12f: {  	v14 =	vshll.u32 v14, $0x6;
	v12 =	vadd.s32 v12, v13;
	v20 =	vshrl.u32 v13, $0x1A  }
0x130: {  	v21 =	vadd.s32 $0x35D62B03, v10;
	v22 =	vadd.s32 $0x8612E223, v11;
	v13 =	vshll.u32 v13, $0x6  }
0x131: {  	v23 =	vadd.s32 $0x66CD0878, v9;
	v16 =	vor.u32 v17, v16;
	v13 =	vor.u32 v20, v13  }
0x132: {  	v14 =	vor.u32 v18, v14;
	v15 =	vor.u32 v19, v15;
	v13 =	vxor.u32 v13, v12  }
0x133: {  	v10 =	vxor.u32 v16, v10;
	v12 =	vadd.s32 $0xE23D672, v12;
	v13 =	vadd.s32 $0x7221891B, v13  }
0x134: {  	v9 =	vxor.u32 v14, v9;
	v11 =	vxor.u32 v15, v11;
	v12 =	vxor.u32 v12, v13  }
0x135: {  	v10 =	vadd.s32 $0x3D7B332, v10;
	v11 =	vsub.s32 $0x6D04DF10, v11;
	v13 =	vshrl.u32 v12, $0x5  }
0x136: {  	v9 =	vadd.s32 $0x6D3E0494, v9;
	v10 =	vxor.u32 v10, v21;
	v13 =	vmulhi.u32 $0xA7C5AC5, v13;
	v14 =	vld [tilespmem:s4+$0x0]  }
0x137: {  	v9 =	vxor.u32 v23, v9;
	v11 =	vxor.u32 v22, v11;
	vm3 =	vlt.s32 v10, $0x4CCCCE00  }
0x138: {  	vm1 =	vlt.u32 v9, $0x26666800;
	vm4 =	vlt.s32 v11, $0x0;
	v9 =	vshrl.u32 v13, $0x7  }
0x139: {  	vm1 =	vmand vm1, vm0;
	vm0 =	vgt.s32 v10, $0x4CCCCDFF;
	v9 =	vmul.u32 $0x186A0, v9  }
0x13a: {  	v11 =	vnsel vm2, $0xFFFFFF9C, v8;
	vm3 =	vmand vm3, vm1;
	vm0 =	vmand vm4, vm0  }
0x13b: {  	s5 =	sadd.s32 $0x10, s5;
	vm0 =	vmand vm0, vm1;
	v9 =	vsub.s32 v12, v9;
	v10 =	vsel vm3, $0x4, v14;
	[tilespmem:s3+$0x1800] =	vst v11;
	v8 =	vmovc v14;
	s3 =	smov.u32 s4  }
0x13c: {  	v12 =	vadd.s32 s5, v5;
	v11 =	vadd.s32 s5, v3;
	v9 =	vsel vm0, v9, v10  }
0x13d: {  	v13 =	vadd.s32 s5, v2;
	v14 =	vadd.s32 s5, v4;
	v10 =	vadd.s32 s5, v1;
	[tilespmem:s3+$0x1000] =	vst v9  }
0x13e: {  	v15 =	vadd.s32 s5, v6;
	v16 =	vadd.s32 s5, v7;
	v9 =	vadd.s32 s5, v0  }
0x13f: {  	v17 =	vshrl.u32 v13, $0x13;
	v13 =	vshll.u32 v13, $0xD;
	v18 =	vshrl.u32 v14, $0x13  }
0x140: {  	v14 =	vshll.u32 v14, $0xD;
	v19 =	vshrl.u32 v9, $0x13;
	v9 =	vshll.u32 v9, $0xD  }
0x141: {  	v13 =	vor.u32 v17, v13;
	v17 =	vshrl.u32 v15, $0x13;
	v15 =	vshll.u32 v15, $0xD  }
0x142: {  	v15 =	vor.u32 v17, v15;
	s4 =	sshra.s32 s8, $0x2;
	v14 =	vor.u32 v18, v14;
	v9 =	vor.u32 v19, v9  }
0x143: {  	v13 =	vxor.u32 v11, v13;
	v14 =	vxor.u32 v12, v14;
	v9 =	vxor.u32 v10, v9;
	v17 =	vld [tilespmem:s4+$0x800]  }
0x144: {  	v15 =	vxor.u32 v16, v15;
	v11 =	vadd.s32 v11, v13;
	v12 =	vadd.s32 v12, v14  }
0x145: {  	v18 =	vshrl.u32 v13, $0x11;
	v13 =	vshll.u32 v13, $0xF;
	v10 =	vadd.s32 v10, v9  }
0x146: {  	v20 =	vshrl.u32 v14, $0x11;
	v14 =	vshll.u32 v14, $0xF;
	v19 =	vshrl.u32 v9, $0x11  }
0x147: {  	v16 =	vadd.s32 v16, v15;
	v21 =	vshrl.u32 v15, $0x11;
	v9 =	vshll.u32 v9, $0xF  }
0x148: {  	v15 =	vshll.u32 v15, $0xF;
	v13 =	vor.u32 v18, v13;
	vm0 =	veq.s32 v17, $0x0  }
0x149: {  	v15 =	vor.u32 v21, v15;
	v14 =	vor.u32 v20, v14;
	v9 =	vor.u32 v19, v9  }
0x14a: {  	v13 =	vxor.u32 v13, v11;
	v14 =	vxor.u32 v14, v12;
	v9 =	vxor.u32 v9, v10  }
0x14b: {  	v15 =	vxor.u32 v15, v16;
	v11 =	vadd.s32 v11, v13;
	v12 =	vadd.s32 v12, v14  }
0x14c: {  	v10 =	vadd.s32 v10, v9;
	v17 =	vshrl.u32 v13, $0x6;
	v13 =	vshll.u32 v13, $0x1A  }
0x14d: {  	v19 =	vshrl.u32 v14, $0x6;
	v14 =	vshll.u32 v14, $0x1A;
	v18 =	vshrl.u32 v9, $0x6  }
0x14e: {  	v16 =	vadd.s32 v16, v15;
	v20 =	vshrl.u32 v15, $0x6;
	v9 =	vshll.u32 v9, $0x1A  }
0x14f: {  	v15 =	vshll.u32 v15, $0x1A;
	v14 =	vor.u32 v19, v14;
	v13 =	vor.u32 v17, v13  }
0x150: {  	v15 =	vor.u32 v20, v15;
	v9 =	vor.u32 v18, v9;
	v13 =	vxor.u32 v13, v11  }
0x151: {  	v15 =	vxor.u32 v15, v16;
	v14 =	vxor.u32 v14, v12;
	v9 =	vxor.u32 v9, v10  }
0x152: {  	v12 =	vadd.s32 v12, v14;
	v10 =	vadd.s32 v10, v9;
	v11 =	vadd.s32 v11, v13  }
0x153: {  	v18 =	vshrl.u32 v14, $0x1A;
	v17 =	vshrl.u32 v13, $0x1A;
	v13 =	vshll.u32 v13, $0x6  }
0x154: {  	v14 =	vshll.u32 v14, $0x6;
	v19 =	vshrl.u32 v9, $0x1A;
	v9 =	vshll.u32 v9, $0x6  }
0x155: {  	v16 =	vadd.s32 v16, v15;
	v20 =	vshrl.u32 v15, $0x1A;
	v15 =	vshll.u32 v15, $0x6  }
0x156: {  	v14 =	vor.u32 v18, v14;
	v9 =	vor.u32 v19, v9;
	v13 =	vor.u32 v17, v13  }
0x157: {  	v15 =	vor.u32 v20, v15;
	v14 =	vxor.u32 v14, v12;
	v13 =	vxor.u32 v13, v11  }
0x158: {  	v15 =	vxor.u32 v15, v16;
	v9 =	vxor.u32 v9, v10;
	v13 =	vadd.s32 $0xB5D62B04, v13  }
0x159: {  	v15 =	vadd.s32 $0xE23D673, v15;
	v14 =	vadd.s32 $0x8612E224, v14;
	v9 =	vadd.s32 $0x66CD0879, v9  }
0x15a: {  	v11 =	vadd.s32 v13, v11;
	v17 =	vshrl.u32 v13, $0xF;
	v13 =	vshll.u32 v13, $0x11  }
0x15b: {  	v12 =	vadd.s32 v14, v12;
	v18 =	vshrl.u32 v14, $0xF;
	v14 =	vshll.u32 v14, $0x11  }
0x15c: {  	v10 =	vadd.s32 v9, v10;
	v19 =	vshrl.u32 v9, $0xF;
	v9 =	vshll.u32 v9, $0x11  }
0x15d: {  	v16 =	vadd.s32 v15, v16;
	v20 =	vshrl.u32 v15, $0xF;
	v15 =	vshll.u32 v15, $0x11  }
0x15e: {  	v12 =	vadd.s32 $0xF38D913, v12;
	v11 =	vadd.s32 $0xADD083F4, v11;
	v13 =	vor.u32 v17, v13  }
0x15f: {  	v14 =	vor.u32 v18, v14;
	v10 =	vadd.s32 $0x1022172D, v10;
	v9 =	vor.u32 v19, v9  }
0x160: {  	v16 =	vadd.s32 $0x67D344BE, v16;
	v15 =	vor.u32 v20, v15;
	v13 =	vxor.u32 v13, v11  }
0x161: {  	v15 =	vxor.u32 v15, v16;
	v14 =	vxor.u32 v14, v12;
	v9 =	vxor.u32 v9, v10  }
0x162: {  	v12 =	vadd.s32 v12, v14;
	v10 =	vadd.s32 v10, v9;
	v11 =	vadd.s32 v11, v13  }
0x163: {  	v18 =	vshrl.u32 v14, $0x3;
	v17 =	vshrl.u32 v13, $0x3;
	v13 =	vshll.u32 v13, $0x1D  }
0x164: {  	v14 =	vshll.u32 v14, $0x1D;
	v19 =	vshrl.u32 v9, $0x3;
	v9 =	vshll.u32 v9, $0x1D  }
0x165: {  	v16 =	vadd.s32 v16, v15;
	v20 =	vshrl.u32 v15, $0x3;
	v15 =	vshll.u32 v15, $0x1D  }
0x166: {  	v14 =	vor.u32 v18, v14;
	v9 =	vor.u32 v19, v9;
	v13 =	vor.u32 v17, v13  }
0x167: {  	v15 =	vor.u32 v20, v15;
	v14 =	vxor.u32 v14, v12;
	v13 =	vxor.u32 v13, v11  }
0x168: {  	v15 =	vxor.u32 v15, v16;
	v9 =	vxor.u32 v9, v10;
	v11 =	vadd.s32 v11, v13  }
0x169: {  	v12 =	vadd.s32 v12, v14;
	v10 =	vadd.s32 v10, v9;
	v17 =	vshrl.u32 v13, $0x10  }
0x16a: {  	v18 =	vshrl.u32 v14, $0x10;
	v14 =	vshll.u32 v14, $0x10;
	v13 =	vshll.u32 v13, $0x10  }
0x16b: {  	v16 =	vadd.s32 v16, v15;
	v19 =	vshrl.u32 v9, $0x10;
	v9 =	vshll.u32 v9, $0x10  }
0x16c: {  	v13 =	vor.u32 v17, v13;
	v17 =	vshrl.u32 v15, $0x10;
	v15 =	vshll.u32 v15, $0x10  }
0x16d: {  	v14 =	vor.u32 v18, v14;
	v9 =	vor.u32 v19, v9;
	v15 =	vor.u32 v17, v15  }
0x16e: {  	v14 =	vxor.u32 v14, v12;
	v9 =	vxor.u32 v9, v10;
	v13 =	vxor.u32 v13, v11  }
0x16f: {  	v12 =	vadd.s32 v12, v14;
	v11 =	vadd.s32 v11, v13;
	v15 =	vxor.u32 v15, v16  }
0x170: {  	v10 =	vadd.s32 v10, v9;
	v17 =	vshrl.u32 v13, $0x8;
	v13 =	vshll.u32 v13, $0x18  }
0x171: {  	v19 =	vshrl.u32 v14, $0x8;
	v14 =	vshll.u32 v14, $0x18;
	v18 =	vshrl.u32 v9, $0x8  }
0x172: {  	v9 =	vshll.u32 v9, $0x18;
	v16 =	vadd.s32 v16, v15;
	v20 =	vshrl.u32 v15, $0x8  }
0x173: {  	v14 =	vor.u32 v19, v14;
	v13 =	vor.u32 v17, v13;
	v15 =	vshll.u32 v15, $0x18  }
0x174: {  	v9 =	vor.u32 v18, v9;
	v13 =	vxor.u32 v13, v11;
	v15 =	vor.u32 v20, v15  }
0x175: {  	v14 =	vxor.u32 v14, v12;
	v9 =	vxor.u32 v9, v10;
	v15 =	vxor.u32 v15, v16  }
0x176: {  	v14 =	vadd.s32 $0x92FB20EC, v14;
	v9 =	vadd.s32 $0x6D3E0491, v9;
	v13 =	vadd.s32 $0x3D7B32F, v13  }
0x177: {  	v11 =	vadd.s32 v13, v11;
	v17 =	vshrl.u32 v13, $0x13;
	v15 =	vadd.s32 $0x72218918, v15  }
0x178: {  	v12 =	vadd.s32 v14, v12;
	v18 =	vshrl.u32 v14, $0x13;
	v13 =	vshll.u32 v13, $0xD  }
0x179: {  	v14 =	vshll.u32 v14, $0xD;
	v10 =	vadd.s32 v9, v10;
	v19 =	vshrl.u32 v9, $0x13  }
0x17a: {  	v9 =	vshll.u32 v9, $0xD;
	v16 =	vadd.s32 v15, v16;
	v20 =	vshrl.u32 v15, $0x13  }
0x17b: {  	v11 =	vadd.s32 $0xB5D62B03, v11;
	v13 =	vor.u32 v17, v13;
	v15 =	vshll.u32 v15, $0xD  }
0x17c: {  	v12 =	vadd.s32 $0x8612E223, v12;
	v14 =	vor.u32 v18, v14;
	v10 =	vadd.s32 $0x66CD0878, v10  }
0x17d: {  	v9 =	vor.u32 v19, v9;
	v16 =	vadd.s32 $0xE23D672, v16;
	v15 =	vor.u32 v20, v15  }
0x17e: {  	v14 =	vxor.u32 v14, v12;
	v9 =	vxor.u32 v9, v10;
	v13 =	vxor.u32 v13, v11  }
0x17f: {  	v12 =	vadd.s32 v12, v14;
	v11 =	vadd.s32 v11, v13;
	v15 =	vxor.u32 v15, v16  }
0x180: {  	v10 =	vadd.s32 v10, v9;
	v17 =	vshrl.u32 v13, $0x11;
	v13 =	vshll.u32 v13, $0xF  }
0x181: {  	v19 =	vshrl.u32 v14, $0x11;
	v14 =	vshll.u32 v14, $0xF;
	v18 =	vshrl.u32 v9, $0x11  }
0x182: {  	v9 =	vshll.u32 v9, $0xF;
	v16 =	vadd.s32 v16, v15;
	v20 =	vshrl.u32 v15, $0x11  }
0x183: {  	v14 =	vor.u32 v19, v14;
	v13 =	vor.u32 v17, v13;
	v15 =	vshll.u32 v15, $0xF  }
0x184: {  	v9 =	vor.u32 v18, v9;
	v13 =	vxor.u32 v13, v11;
	v15 =	vor.u32 v20, v15  }
0x185: {  	v14 =	vxor.u32 v14, v12;
	v9 =	vxor.u32 v9, v10;
	v15 =	vxor.u32 v15, v16  }
0x186: {  	v17 =	vadd.s32 v10, v9;
	v10 =	vadd.s32 v11, v13;
	v11 =	vadd.s32 v12, v14  }
0x187: {  	v19 =	vshrl.u32 v14, $0x6;
	v18 =	vshrl.u32 v13, $0x6;
	v13 =	vshll.u32 v13, $0x1A  }
0x188: {  	v20 =	vshrl.u32 v9, $0x6;
	v9 =	vshll.u32 v9, $0x1A;
	v14 =	vshll.u32 v14, $0x1A  }
.Ltmp0:
0x189: {  	v12 =	vadd.s32 v16, v15;
	v21 =	vshrl.u32 v15, $0x6;
	v22 =	vshll.u32 v15, $0x1A;
	(pc) =	sbr.rel @p0 .LBB2_1-.Ltmp0, $4  }
0x18a: {  	v9 =	vor.u32 v20, v9;
	v13 =	vor.u32 v18, v13;
	v14 =	vor.u32 v19, v14  }
0x18b: {  	v16 =	vxor.u32 v13, v10;
	v15 =	vxor.u32 v14, v11;
	v13 =	vor.u32 v21, v22  }
0x18c: {  	v14 =	vxor.u32 v9, v17;
	v10 =	vadd.s32 v10, v16;
	v13 =	vxor.u32 v13, v12  }
0x18d: {  	s8 =	sadd.s32 $0x40, s8;
	v9 =	vadd.s32 v17, v14;
	v17 =	vshrl.u32 v16, $0x1A;
	v11 =	vadd.s32 v11, v15  }
0x18e: {  	v0 =	vshll.u32 v16, $0x6;
	v1 =	vshrl.u32 v15, $0x1A;
	v2 =	vshll.u32 v15, $0x6  }
0x18f: {  	vm1 =	vmmov vm1;
	v3 =	vshrl.u32 v14, $0x1A;
	v4 =	vshll.u32 v14, $0x6  }
0x190: {  	v5 =	vadd.s32 v12, v13;
	v6 =	vshrl.u32 v13, $0x1A;
	v7 =	vshll.u32 v13, $0x6  }
0x191: {  	v0 =	vor.u32 v17, v0;
	v3 =	vor.u32 v3, v4;
	v1 =	vor.u32 v1, v2  }
0x192: {  	v16 =	vor.u32 v6, v7;
	v61 =	vnsel vm1, $0xFFFFFF9C, v8;
	v3 =	vxor.u32 v3, v9  }
0x193: {  	v0 =	vxor.u32 v0, v10;
	v1 =	vxor.u32 v1, v11;
	v2 =	vxor.u32 v16, v5  }
0x194: {  	v0 =	vadd.s32 $0xADD083F7, v0;
	v1 =	vadd.s32 $0xF38D916, v1;
	v3 =	vadd.s32 $0x10221730, v3  }
0x195: {  	v2 =	vadd.s32 $0x67D344C1, v2;
	v17 =	vadd.s32 v0, v10;
	v18 =	vshrl.u32 v0, $0xF  }
0x196: {  	v0 =	vshll.u32 v0, $0x11;
	v19 =	vadd.s32 v1, v11;
	v20 =	vadd.s32 v3, v9  }
0x197: {  	v21 =	vshrl.u32 v1, $0xF;
	v1 =	vshll.u32 v1, $0x11;
	v22 =	vshrl.u32 v3, $0xF  }
0x198: {  	v3 =	vshll.u32 v3, $0x11;
	v5 =	vadd.s32 v2, v5;
	v23 =	vshrl.u32 v2, $0xF  }
0x199: {  	v2 =	vshll.u32 v2, $0x11;
	v4 =	vadd.s32 $0x3D7B32D, v17;
	v0 =	vor.u32 v18, v0  }
0x19a: {  	v24 =	vadd.s32 $0x92FB20EA, v19;
	v1 =	vor.u32 v21, v1;
	v25 =	vadd.s32 $0x6D3E048F, v20  }
0x19b: {  	v3 =	vor.u32 v22, v3;
	v5 =	vadd.s32 $0x72218916, v5;
	v2 =	vor.u32 v23, v2  }
0x19c: {  	v0 =	vxor.u32 v0, v4;
	v1 =	vxor.u32 v1, v24;
	v3 =	vxor.u32 v3, v25  }
0x19d: {  	v2 =	vxor.u32 v2, v5;
	v4 =	vadd.s32 v4, v0;
	v7 =	vadd.s32 v25, v3  }
0x19e: {  	v26 =	vshrl.u32 v0, $0x3;
	v6 =	vadd.s32 v24, v1;
	v0 =	vshll.u32 v0, $0x1D  }
0x19f: {  	v27 =	vshrl.u32 v1, $0x3;
	v1 =	vshll.u32 v1, $0x1D;
	v28 =	vshrl.u32 v3, $0x3  }
0x1a0: {  	v3 =	vshll.u32 v3, $0x1D;
	v5 =	vadd.s32 v5, v2;
	v29 =	vshrl.u32 v2, $0x3  }
0x1a1: {  	v2 =	vshll.u32 v2, $0x1D;
	v0 =	vor.u32 v26, v0;
	v3 =	vor.u32 v28, v3  }
0x1a2: {  	v1 =	vor.u32 v27, v1;
	v2 =	vor.u32 v29, v2;
	v3 =	vxor.u32 v3, v7  }
0x1a3: {  	v0 =	vxor.u32 v0, v4;
	v1 =	vxor.u32 v1, v6;
	v2 =	vxor.u32 v2, v5  }
0x1a4: {  	v4 =	vadd.s32 v4, v0;
	v6 =	vadd.s32 v6, v1;
	v7 =	vadd.s32 v7, v3  }
0x1a5: {  	v30 =	vshrl.u32 v0, $0x10;
	v0 =	vshll.u32 v0, $0x10;
	v31 =	vshrl.u32 v3, $0x10  }
0x1a6: {  	v32 =	vshrl.u32 v1, $0x10;
	v1 =	vshll.u32 v1, $0x10;
	v3 =	vshll.u32 v3, $0x10  }
0x1a7: {  	v5 =	vadd.s32 v5, v2;
	v33 =	vshrl.u32 v2, $0x10;
	v2 =	vshll.u32 v2, $0x10  }
0x1a8: {  	v0 =	vor.u32 v30, v0;
	v1 =	vor.u32 v32, v1;
	v3 =	vor.u32 v31, v3  }
0x1a9: {  	v2 =	vor.u32 v33, v2;
	v0 =	vxor.u32 v0, v4;
	v3 =	vxor.u32 v3, v7  }
0x1aa: {  	v1 =	vxor.u32 v1, v6;
	v2 =	vxor.u32 v2, v5;
	v7 =	vadd.s32 v7, v3  }
0x1ab: {  	v4 =	vadd.s32 v4, v0;
	v6 =	vadd.s32 v6, v1;
	v34 =	vshrl.u32 v0, $0x8  }
0x1ac: {  	v0 =	vshll.u32 v0, $0x18;
	v35 =	vshrl.u32 v1, $0x8;
	v36 =	vshrl.u32 v3, $0x8  }
0x1ad: {  	v3 =	vshll.u32 v3, $0x18;
	v1 =	vshll.u32 v1, $0x18;
	v5 =	vadd.s32 v5, v2  }
0x1ae: {  	v37 =	vshrl.u32 v2, $0x8;
	v2 =	vshll.u32 v2, $0x18;
	v3 =	vor.u32 v36, v3  }
0x1af: {  	v0 =	vor.u32 v34, v0;
	v1 =	vor.u32 v35, v1;
	v2 =	vor.u32 v37, v2  }
0x1b0: {  	v0 =	vxor.u32 v0, v4;
	v1 =	vxor.u32 v1, v6;
	v3 =	vxor.u32 v3, v7  }
0x1b1: {  	v2 =	vxor.u32 v2, v5;
	v0 =	vadd.s32 $0xB5D62B07, v0;
	v3 =	vadd.s32 $0x66CD087C, v3  }
0x1b2: {  	v1 =	vadd.s32 $0x8612E227, v1;
	v2 =	vadd.s32 $0xE23D676, v2;
	v4 =	vadd.s32 v0, v4  }
0x1b3: {  	v38 =	vshrl.u32 v0, $0x13;
	v0 =	vshll.u32 v0, $0xD;
	v6 =	vadd.s32 v1, v6  }
0x1b4: {  	v39 =	vshrl.u32 v1, $0x13;
	v1 =	vshll.u32 v1, $0xD;
	v7 =	vadd.s32 v3, v7  }
0x1b5: {  	v40 =	vshrl.u32 v3, $0x13;
	v3 =	vshll.u32 v3, $0xD;
	v5 =	vadd.s32 v2, v5  }
0x1b6: {  	v41 =	vshrl.u32 v2, $0x13;
	v2 =	vshll.u32 v2, $0xD;
	v4 =	vadd.s32 $0xADD083F4, v4  }
0x1b7: {  	v0 =	vor.u32 v38, v0;
	v6 =	vadd.s32 $0xF38D913, v6;
	v7 =	vadd.s32 $0x1022172D, v7  }
0x1b8: {  	v3 =	vor.u32 v40, v3;
	v1 =	vor.u32 v39, v1;
	v5 =	vadd.s32 $0x67D344BE, v5  }
0x1b9: {  	v2 =	vor.u32 v41, v2;
	v0 =	vxor.u32 v0, v4;
	v3 =	vxor.u32 v3, v7  }
0x1ba: {  	v1 =	vxor.u32 v1, v6;
	v2 =	vxor.u32 v2, v5;
	v7 =	vadd.s32 v7, v3  }
0x1bb: {  	v4 =	vadd.s32 v4, v0;
	v6 =	vadd.s32 v6, v1;
	v42 =	vshrl.u32 v0, $0x11  }
0x1bc: {  	v0 =	vshll.u32 v0, $0xF;
	v43 =	vshrl.u32 v1, $0x11;
	v44 =	vshrl.u32 v3, $0x11  }
0x1bd: {  	v3 =	vshll.u32 v3, $0xF;
	v1 =	vshll.u32 v1, $0xF;
	v5 =	vadd.s32 v5, v2  }
0x1be: {  	v45 =	vshrl.u32 v2, $0x11;
	v2 =	vshll.u32 v2, $0xF;
	v3 =	vor.u32 v44, v3  }
0x1bf: {  	v0 =	vor.u32 v42, v0;
	v1 =	vor.u32 v43, v1;
	v2 =	vor.u32 v45, v2  }
0x1c0: {  	v0 =	vxor.u32 v0, v4;
	v1 =	vxor.u32 v1, v6;
	v3 =	vxor.u32 v3, v7  }
0x1c1: {  	v2 =	vxor.u32 v2, v5;
	v4 =	vadd.s32 v4, v0;
	v7 =	vadd.s32 v7, v3  }
0x1c2: {  	v46 =	vshrl.u32 v0, $0x6;
	v6 =	vadd.s32 v6, v1;
	v0 =	vshll.u32 v0, $0x1A  }
0x1c3: {  	v47 =	vshrl.u32 v1, $0x6;
	v1 =	vshll.u32 v1, $0x1A;
	v48 =	vshrl.u32 v3, $0x6  }
0x1c4: {  	v3 =	vshll.u32 v3, $0x1A;
	v5 =	vadd.s32 v5, v2;
	v49 =	vshrl.u32 v2, $0x6  }
0x1c5: {  	v2 =	vshll.u32 v2, $0x1A;
	v0 =	vor.u32 v46, v0;
	v3 =	vor.u32 v48, v3  }
0x1c6: {  	v1 =	vor.u32 v47, v1;
	v2 =	vor.u32 v49, v2;
	v3 =	vxor.u32 v3, v7  }
0x1c7: {  	v0 =	vxor.u32 v0, v4;
	v1 =	vxor.u32 v1, v6;
	v2 =	vxor.u32 v2, v5  }
0x1c8: {  	v4 =	vadd.s32 v4, v0;
	v6 =	vadd.s32 v6, v1;
	v7 =	vadd.s32 v7, v3  }
0x1c9: {  	v50 =	vshrl.u32 v0, $0x1A;
	v0 =	vshll.u32 v0, $0x6;
	v51 =	vshrl.u32 v3, $0x1A  }
0x1ca: {  	v52 =	vshrl.u32 v1, $0x1A;
	v1 =	vshll.u32 v1, $0x6;
	v3 =	vshll.u32 v3, $0x6  }
0x1cb: {  	v5 =	vadd.s32 v5, v2;
	v53 =	vshrl.u32 v2, $0x1A;
	v2 =	vshll.u32 v2, $0x6  }
0x1cc: {  	v54 =	vadd.s32 $0x35D62B03, v4;
	v55 =	vadd.s32 $0x8612E223, v6;
	v56 =	vadd.s32 $0x66CD0878, v7  }
0x1cd: {  	v0 =	vor.u32 v50, v0;
	v2 =	vor.u32 v53, v2;
	v3 =	vor.u32 v51, v3  }
0x1ce: {  	v1 =	vor.u32 v52, v1;
	v57 =	vadd.s32 $0xE23D672, v5;
	v2 =	vxor.u32 v2, v5  }
0x1cf: {  	v0 =	vxor.u32 v0, v4;
	v3 =	vxor.u32 v3, v7;
	v2 =	vadd.s32 $0x7221891B, v2  }
0x1d0: {  	v1 =	vxor.u32 v1, v6;
	v0 =	vadd.s32 $0x3D7B332, v0;
	v2 =	vxor.u32 v57, v2  }
0x1d1: {  	v1 =	vsub.s32 $0x6D04DF10, v1;
	v3 =	vadd.s32 $0x6D3E0494, v3;
	v4 =	vshrl.u32 v2, $0x5  }
0x1d2: {  	v58 =	vld [tilespmem:s4+$0x0];
	v0 =	vxor.u32 v0, v54;
	v3 =	vxor.u32 v56, v3;
	v4 =	vmulhi.u32 $0xA7C5AC5, v4  }
0x1d3: {  	v1 =	vxor.u32 v55, v1;
	vm2 =	vlt.s32 v0, $0x4CCCCE00;
	vm3 =	vlt.u32 v3, $0x26666800  }
0x1d4: {  	vm4 =	vlt.s32 v1, $0x0;
	vm14 =	vgt.s32 v0, $0x4CCCCDFF;
	v59 =	vshrl.u32 v4, $0x7  }
0x1d5: {  	vm0 =	vmand vm3, vm0;
	vm3 =	vmand vm4, vm14;
	v60 =	vmul.u32 $0x186A0, v59  }
0x1d6: {  	vm2 =	vmand vm2, vm0;
	vm15 =	vmand vm3, vm0;
	vm0 =	vmmov vm0  }
0x1d7: {  	[tilespmem:s3+$0x1800] =	vst v61;
	v62 =	vsel vm2, $0x4, v58;
	v63 =	vnsel vm0, $0xFFFFFF9C, v58;
	v0 =	vsub.s32 v2, v60  }
0x1d8: {  	s25 =	sadd.s32 s7, s2;
	s26 =	simm.s32 $0x80;
	[tilespmem:s4+$0x1800] =	vst v63;
	v0 =	vsel vm15, v0, v62  }
0x1d9: {  	s5 =	simm.s32 $0x400;
	s28 =	simm.s32 $0x1000;
	s29 =	simm.s32 $0x1;
	[tilespmem:s4+$0x1000] =	vst v0  }
0x1da: {  	[hbm4b:s25+s26] =	stream.strided.scatter [tilespmem:s28], [sflag:$0x1], $0x800, s5, s26, $0x38;
	[tilespmem:$0x2000] =	vst v63  }
0x1db: {  	_ =	swait.ge [sflag:s29], $0x800  }
0x1dc: {  	[sflag:s29] =	ssyncset.done $0x0  }
0x1dd: {  	s30 =	sadd.s32 s6, s2;
	s31 =	simm.s32 $0x1800;
	[sflag:s29] =	ssyncadd.s32 $0xFFFFF800  }
0x1de: {  	[hbm4b:s30+s26] =	stream.strided.scatter [tilespmem:s31], [sflag:$0x1], $0x800, s5, s26, $0x38;
	[tilespmem:$0x2000] =	vst v63  }
0x1df: {  	_ =	swait.ge [sflag:s29], $0x800  }
0x1e0: {  	[sflag:s29] =	ssyncset.done $0x0  }
0x1e1: {  	[sflag:s29] =	ssyncadd.s32 $0xFFFFF800  }
0x1e2: {  	_ =	sfence.sel $0x180000  }
0x1e3: {  	[bflag:$0x0] =	sbarrier.arrive $0xFFFF  }
0x1e4: {  	p0 =	sne.s32 s0, $0x0;
	_ =	strace $0x90000047  }
0x1e5: {  	s0 =	sadd.s32 @!p0 $0x100000, s1;
	[bflag:$0x2] =	sbarrier.arrive $0xFFFF  }
0x1e6: {  	[sflag:s0] =	ssyncadd.tile.s32 @!p0 $0x1;
	_ =	shalt  }
.Lfunc_end2:
_tile_overlayer_lowered:
.L_overlay_start_2:
0x1e7: {  	(tag) =	ssettag $0x2  }
0x1e8: {  	s0 =	rddreg [dreg:$0x0];
	s2 =	stileid.u32  }
0x1e9: {  	s1 =	rddreg [dreg:$0x1];
	p0 =	sne.s32 s2, $0x0  }
0x1ea: {  	s3 =	rddreg [dreg:$0x2];
	[bflag:$0x3] =	sbarrier.arrive $0xFFFF;
	s2 =	simm.s32 @!p0 $0x1C01  }
0x1eb: {  	[timem:s3], [sflag:s2] =	dma.local @!p0 [hbm:s0], s1  }
0x1ec: {  	s0 =	simm.s32 @!p0 $0x1  }
0x1ed: {  	_ =	swait.ge @!p0 [sflag:s0], s1  }
0x1ee: {  	s1 =	ssub.s32 @!p0 $0x0, s1;
	[sflag:s0] =	ssyncset.done @!p0 $0x0  }
0x1ef: {  	[sflag:s0] =	ssyncadd.s32 @!p0 s1  }
0x1f0: {  	[bflag:$0x3] =	sbarrier.arrive $0xFFFF  }
0x1f1: {  	_ =	shalt  }

</sc_bundles>
